<compile_context>
chip_gen: v7x
topology: tpu7x:2x2x1
jax: 0.10.2.dev20260603
libtpu: 0.0.44.dev20260713+nightly
codegen_flags: <defaults>
</compile_context>

<pallas_src>
import functools

import jax
import jax.numpy as jnp
from jax import lax
from jax.experimental import pallas as pl
from jax.experimental.pallas import tpu as pltpu
from jax.experimental.pallas import tpu_sc as plsc

_B = 16384
_EMB = 64
_N_LABELS = 64
_TC_BLK = 4096


@functools.cache
def _make_gather2():
    info = plsc.get_sparse_core_info()
    nw = info.num_cores * info.num_subcores
    b_per_w = _B // nw
    mesh = plsc.VectorSubcoreMesh(core_axis_name="c", subcore_axis_name="s")

    @functools.partial(
        pl.kernel,
        mesh=mesh,
        out_type=[
            jax.ShapeDtypeStruct((_B, _EMB), jnp.float32),
            jax.ShapeDtypeStruct((_B, _EMB), jnp.float32),
        ],
        scratch_types=[
            pltpu.VMEM((b_per_w,), jnp.int32),
            pltpu.VMEM((b_per_w,), jnp.int32),
            pltpu.VMEM((b_per_w // 2, _EMB), jnp.float32),
            pltpu.VMEM((b_per_w // 2, _EMB), jnp.float32),
            pltpu.SemaphoreType.DMA,
        ],
    )
    def gather2(cells_hbm, genes_hbm, cell_tab, gene_tab,
                cell_out, gene_out,
                cidx_v, gidx_v, cstage, gstage, sem):
        wid = lax.axis_index("s") * info.num_cores + lax.axis_index("c")
        base = wid * b_per_w

        pltpu.sync_copy(cells_hbm.at[pl.ds(base, b_per_w)], cidx_v)
        pltpu.sync_copy(genes_hbm.at[pl.ds(base, b_per_w)], gidx_v)
        half = b_per_w // 2

        for p in range(2):
            def fetch(g, _, p=p):
                off = p * half
                cv = cidx_v[pl.ds(off + g * 16, 16)]
                gv = gidx_v[pl.ds(off + g * 16, 16)]
                ct = lax.shift_right_logical(cv, 3)
                cs = jnp.bitwise_and(cv, 7)
                gt = lax.shift_right_logical(gv, 3)
                gs = jnp.bitwise_and(gv, 7)
                for k in range(16):
                    pltpu.async_copy(
                        cell_tab.at[ct[k], cs[k]],
                        cstage.at[g * 16 + k], sem)
                    pltpu.async_copy(
                        gene_tab.at[gt[k], gs[k]],
                        gstage.at[g * 16 + k], sem)
                return 0

            lax.fori_loop(0, half // 16, fetch, 0)
            pltpu.make_async_copy(
                cell_out.at[pl.ds(base + p * half, half)], cstage, sem).wait()
            pltpu.make_async_copy(
                gene_out.at[pl.ds(base + p * half, half)], gstage, sem).wait()
            pltpu.sync_copy(cstage, cell_out.at[pl.ds(base + p * half, half)])
            pltpu.sync_copy(gstage, gene_out.at[pl.ds(base + p * half, half)])

    return gather2


def _tc_body(ce_ref, ge_ref, w_ref, eye_ref, qz_ref, pz_ref, ce_t_ref,
             rec_ref):
    ce = ce_ref[...]
    ge = ge_ref[...]
    w = w_ref[...]
    eye = eye_ref[...]
    pz_logit = lax.dot_general(w, ce, (((1,), (1,)), ((), ())),
                               preferred_element_type=jnp.float32)
    qz_logit = lax.dot_general(w, ce * ge, (((1,), (1,)), ((), ())),
                               preferred_element_type=jnp.float32)

    lab = lax.broadcasted_iota(jnp.int32, qz_logit.shape, 0)
    col_max = jnp.max(qz_logit, axis=0, keepdims=True)
    amax = jnp.min(jnp.where(qz_logit == col_max, lab, _N_LABELS),
                   axis=0, keepdims=True)
    onehot = (lab == amax).astype(jnp.float32)
    rec_ref[...] = lax.dot_general(w, onehot, (((0,), (0,)), ((), ())),
                                   preferred_element_type=jnp.float32)

    qe = jnp.exp(qz_logit - col_max)
    qz_ref[...] = qe / jnp.sum(qe, axis=0, keepdims=True)
    pe = jnp.exp(pz_logit - jnp.max(pz_logit, axis=0, keepdims=True))
    pz_ref[...] = pe / jnp.sum(pe, axis=0, keepdims=True)
    ce_t_ref[...] = lax.dot_general(eye, ce, (((1,), (1,)), ((), ())),
                                    preferred_element_type=jnp.float32)


def _tc_tail(ce, ge, w_ct):
    n_blk = _B // _TC_BLK
    blk = pl.BlockSpec((_TC_BLK, _EMB), lambda i: (i, 0))
    wspec = pl.BlockSpec((_N_LABELS, _EMB), lambda i: (0, 0))
    out_l = jax.ShapeDtypeStruct((_N_LABELS, _B), jnp.float32)
    out_e = jax.ShapeDtypeStruct((_EMB, _B), jnp.float32)
    eye = jnp.eye(_EMB, dtype=jnp.float32)
    return pl.pallas_call(
        _tc_body,
        grid=(n_blk,),
        in_specs=[blk, blk, wspec,
                  pl.BlockSpec((_EMB, _EMB), lambda i: (0, 0))],
        out_specs=[pl.BlockSpec((_N_LABELS, _TC_BLK), lambda i: (0, i))] * 2
        + [pl.BlockSpec((_EMB, _TC_BLK), lambda i: (0, i))] * 2,
        out_shape=[out_l, out_l, out_e, out_e],
    )(ce, ge, w_ct, eye)


def kernel(cells, genes, w_cell_table, w_gene_table, W_ct):
    ct3 = w_cell_table.reshape(-1, 8, _EMB)
    gt3 = w_gene_table.reshape(-1, 8, _EMB)
    ce, ge = _make_gather2()(cells, genes, ct3, gt3)
    qz_t, pz_t, ce_t, rec_t = _tc_tail(ce, ge, W_ct)
    return (qz_t.T, pz_t.T, ce_t.T, rec_t.T)

# --- scband reference (transcript-rebuilt; emitter-appended) ---
"""Pipeline reference for scband-cell-gene-model-12335146074258 (READ-ONLY COPY).

The authoritative reference and input builder live on the scoring server;
editing this copy changes nothing except your own understanding.
"""

import jax, jax.numpy as jnp
import numpy as np

N_CELLS = 1000000
N_GENES = 100000
EMB = 64
N_LABELS = 64
B = 16384

def _xavier(key, shape):
    fan_in, fan_out = shape[1], shape[0]
    limit = np.sqrt(6.0 / (fan_in + fan_out))
    return jax.random.uniform(key, shape, dtype=jnp.float32, minval=-limit, maxval=limit)

def setup_inputs(seed: int = 0) -> dict:
    key = jax.random.key(seed)
    k1, k2, k3, k4, k5 = jax.random.split(key, 5)
    cells = jax.random.randint(k1, (B,), 0, N_CELLS)
    genes = jax.random.randint(k2, (B,), 0, N_GENES)
    # encoder_depth=1 -> plain embedding tables (nn.Embedding default init ~ N(0,1); scale down for stability)
    w_cell_table = jax.random.normal(k3, (N_CELLS, EMB), dtype=jnp.float32) * 0.02
    w_gene_table = jax.random.normal(k4, (N_GENES, EMB), dtype=jnp.float32) * 0.02
    # cell_type_emb: nn.Linear(emb_dim, n_labels, bias=False), xavier init; shared as cg_type_emb (decouple_pq=False)
    W_ct = _xavier(k5, (N_LABELS, EMB))
    return {"cells": cells, "genes": genes, "w_cell_table": w_cell_table, "w_gene_table": w_gene_table, "W_ct": W_ct}

def reference(cells, genes, w_cell_table, w_gene_table, W_ct):
    # embedding lookups (SparseCore gathers)
    w_cell_emb = jnp.take(w_cell_table, cells, axis=0)   # [B, EMB]
    w_gene_emb = jnp.take(w_gene_table, genes, axis=0)   # [B, EMB]
    # pz_logit = cell_type_emb(w_cell_emb)
    pz_logit = w_cell_emb @ W_ct.T                        # [B, N_LABELS]
    # emb_combine == 'prod': qz_logit = cg_type_emb(w_cell_emb * w_gene_emb)
    qz_logit = (w_cell_emb * w_gene_emb) @ W_ct.T         # [B, N_LABELS]
    # eval mode: hard one-hot via argmax + scatter (deterministic counterpart of gumbel_softmax hard)
    qz_hard = jax.nn.one_hot(jnp.argmax(qz_logit, axis=-1), N_LABELS, dtype=qz_logit.dtype)
    # cell_type_dec is False -> recon_c_emb = qz @ cell_type_emb.weight
    recon_c_emb = qz_hard @ W_ct                          # [B, EMB]
    qz = jax.nn.softmax(qz_logit, axis=-1)
    pz = jax.nn.softmax(pz_logit, axis=-1)
    return (qz, pz, w_cell_emb, recon_c_emb)

if __name__ == "__main__":
    import jax
    _d = setup_inputs()
    print(jax.jit(kernel)(*tuple(_d.values())))

</pallas_src>

<mosaic_0001>
#map = affine_map<(d0, d1) -> (0)>
#map1 = affine_map<(d0, d1) -> (0, 0, 0)>
#map2 = affine_map<(d0, d1) -> (0, 0)>
module attributes {stable_mosaic.version = 14 : i64} {
  func.func @gather2(%arg0: i32, %arg1: i32, %arg2: memref<16384xi32, #tpu.memory_space<hbm>>, %arg3: memref<16384xi32, #tpu.memory_space<hbm>>, %arg4: memref<125000x8x64xf32, #tpu.memory_space<hbm>>, %arg5: memref<12500x8x64xf32, #tpu.memory_space<hbm>>, %arg6: memref<16384x64xf32, #tpu.memory_space<hbm>>, %arg7: memref<16384x64xf32, #tpu.memory_space<hbm>>, %arg8: memref<512xi32, #tpu.memory_space<vmem>>, %arg9: memref<512xi32, #tpu.memory_space<vmem>>, %arg10: memref<256x64xf32, #tpu.memory_space<vmem>>, %arg11: memref<256x64xf32, #tpu.memory_space<vmem>>, %arg12: memref<!tpu.dma_semaphore, #tpu.memory_space<semaphore_mem>>) attributes {dimension_semantics = [#tpu.dimension_semantics<core_parallel>, #tpu.dimension_semantics<subcore_parallel>], iteration_bounds = array<i64: 2, 16>, scalar_prefetch = 0 : i64, scratch_operands = 5 : i64, tpu.core_type = #tpu.core_type<sc_vector_subcore>, window_params = [{transform_indices = #map}, {transform_indices = #map}, {transform_indices = #map1}, {transform_indices = #map1}, {transform_indices = #map2}, {transform_indices = #map2}]} {
    %mul3A = arith.constant 2 : i32
    %mul3A_0 = arith.muli %arg1, %mul3A : i32
    %add3A = arith.addi %mul3A_0, %arg0 : i32
    %mul3A_1 = arith.constant 512 : i32
    %mul3A_2 = arith.muli %add3A, %mul3A_1 : i32
    "tpu.region"() ({
      %run_scoped3A = tpu.sem_alloc : memref<!tpu.dma_semaphore, #tpu.memory_space<semaphore_mem>>
      %dma_start3A = tpu.memref_slice %arg2[%mul3A_2] : memref<16384xi32, #tpu.memory_space<hbm>> -> memref<512xi32, #tpu.memory_space<hbm>>
      %dma_start3A_47 = tpu.memref_slice %arg2[%mul3A_2] : memref<16384xi32, #tpu.memory_space<hbm>> -> memref<512xi32, #tpu.memory_space<hbm>>
      tpu.enqueue_dma source(%dma_start3A_47 : memref<512xi32, #tpu.memory_space<hbm>>) target(%arg8 : memref<512xi32, #tpu.memory_space<vmem>>) target_semaphore(%run_scoped3A : memref<!tpu.dma_semaphore, #tpu.memory_space<semaphore_mem>>)
      %dma_wait3A_48 = tpu.memref_slice %arg2[%mul3A_2] : memref<16384xi32, #tpu.memory_space<hbm>> -> memref<512xi32, #tpu.memory_space<hbm>>
      %dma_wait3A_49 = tpu.memref_slice %arg2[%mul3A_2] : memref<16384xi32, #tpu.memory_space<hbm>> -> memref<512xi32, #tpu.memory_space<hbm>>
      tpu.wait_dma2 semaphore(%run_scoped3A : memref<!tpu.dma_semaphore, #tpu.memory_space<semaphore_mem>>) src(%dma_wait3A_49 : memref<512xi32, #tpu.memory_space<hbm>>) dst(%arg8 : memref<512xi32, #tpu.memory_space<vmem>>)
      tpu.yield
    }) : () -> ()
    "tpu.region"() ({
      %run_scoped3A = tpu.sem_alloc : memref<!tpu.dma_semaphore, #tpu.memory_space<semaphore_mem>>
      %dma_start3A = tpu.memref_slice %arg3[%mul3A_2] : memref<16384xi32, #tpu.memory_space<hbm>> -> memref<512xi32, #tpu.memory_space<hbm>>
      %dma_start3A_47 = tpu.memref_slice %arg3[%mul3A_2] : memref<16384xi32, #tpu.memory_space<hbm>> -> memref<512xi32, #tpu.memory_space<hbm>>
      tpu.enqueue_dma source(%dma_start3A_47 : memref<512xi32, #tpu.memory_space<hbm>>) target(%arg9 : memref<512xi32, #tpu.memory_space<vmem>>) target_semaphore(%run_scoped3A : memref<!tpu.dma_semaphore, #tpu.memory_space<semaphore_mem>>)
      %dma_wait3A_48 = tpu.memref_slice %arg3[%mul3A_2] : memref<16384xi32, #tpu.memory_space<hbm>> -> memref<512xi32, #tpu.memory_space<hbm>>
      %dma_wait3A_49 = tpu.memref_slice %arg3[%mul3A_2] : memref<16384xi32, #tpu.memory_space<hbm>> -> memref<512xi32, #tpu.memory_space<hbm>>
      tpu.wait_dma2 semaphore(%run_scoped3A : memref<!tpu.dma_semaphore, #tpu.memory_space<semaphore_mem>>) src(%dma_wait3A_49 : memref<512xi32, #tpu.memory_space<hbm>>) dst(%arg9 : memref<512xi32, #tpu.memory_space<vmem>>)
      tpu.yield
    }) : () -> ()
    %scan3A = arith.constant 0 : i32
    %scan3A_3 = arith.constant 0 : i32
    %scan3A_4 = arith.constant 16 : i32
    %scan3A_5 = arith.addi %scan3A_3, %scan3A_4 : i32
    %scan3A_6 = arith.constant 1 : i32
    %scan3A_7 = scf.for %scan3A_47 = %scan3A_3 to %scan3A_5 step %scan3A_6 iter_args(%scan3A_48 = %scan3A) -> (i32)  : i32 {
      %mul3A_49 = arith.constant 16 : i32
      %mul3A_50 = arith.muli %scan3A_47, %mul3A_49 : i32
      %add3A_51 = arith.constant 0 : i32
      %add3A_52 = arith.addi %add3A_51, %mul3A_50 : i32
      %get3A = arith.index_cast %add3A_52 : i32 to index
      %get3A_53 = tpu.vector_load %arg8[%get3A] {strides = array<i32>} : memref<512xi32, #tpu.memory_space<vmem>>, vector<16xi32>,
      %get3A_54 = vector.shape_cast %get3A_53 : vector<16xi32> to vector<16xi32>
      %mul3A_55 = arith.constant 16 : i32
      %mul3A_56 = arith.muli %scan3A_47, %mul3A_55 : i32
      %add3A_57 = arith.constant 0 : i32
      %add3A_58 = arith.addi %add3A_57, %mul3A_56 : i32
      %get3A_59 = arith.index_cast %add3A_58 : i32 to index
      %get3A_60 = tpu.vector_load %arg9[%get3A_59] {strides = array<i32>} : memref<512xi32, #tpu.memory_space<vmem>>, vector<16xi32>,
      %get3A_61 = vector.shape_cast %get3A_60 : vector<16xi32> to vector<16xi32>
      %shift_right_logical3A = arith.constant 3 : i32
      %shift_right_logical3A_62 = vector.broadcast %shift_right_logical3A : i32 to vector<16xi32>
      %shift_right_logical3A_63 = arith.shrui %get3A_54, %shift_right_logical3A_62 : vector<16xi32>
      %and3A = arith.constant 7 : i32
      %and3A_64 = vector.broadcast %and3A : i32 to vector<16xi32>
      %and3A_65 = arith.andi %get3A_54, %and3A_64 : vector<16xi32>
      %shift_right_logical3A_66 = arith.constant 3 : i32
      %shift_right_logical3A_67 = vector.broadcast %shift_right_logical3A_66 : i32 to vector<16xi32>
      %shift_right_logical3A_68 = arith.shrui %get3A_61, %shift_right_logical3A_67 : vector<16xi32>
      %and3A_69 = arith.constant 7 : i32
      %and3A_70 = vector.broadcast %and3A_69 : i32 to vector<16xi32>
      %and3A_71 = arith.andi %get3A_61, %and3A_70 : vector<16xi32>
      %slice3A = vector.extract_strided_slice %shift_right_logical3A_63 {offsets = [0], sizes = [1], strides = [1]} : vector<16xi32> to vector<1xi32>
      %squeeze3A = vector.extract %slice3A[0] : i32 from vector<1xi32>
      %slice3A_72 = vector.extract_strided_slice %and3A_65 {offsets = [0], sizes = [1], strides = [1]} : vector<16xi32> to vector<1xi32>
      %squeeze3A_73 = vector.extract %slice3A_72[0] : i32 from vector<1xi32>
      %mul3A_74 = arith.constant 16 : i32
      %mul3A_75 = arith.muli %scan3A_47, %mul3A_74 : i32
      %add3A_76 = arith.constant 0 : i32
      %add3A_77 = arith.addi %mul3A_75, %add3A_76 : i32
      %dma_start3A = arith.constant 0 : i32
      %dma_start3A_78 = tpu.memref_slice %arg10[%add3A_77, %dma_start3A] : memref<256x64xf32, #tpu.memory_space<vmem>> -> memref<1x64xf32, #tpu.memory_space<vmem>>
      %dma_start3A_79 = tpu.memref_squeeze %dma_start3A_78 : memref<1x64xf32, #tpu.memory_space<vmem>> -> memref<64xf32, #tpu.memory_space<vmem>>
      %dma_start3A_80 = arith.constant 0 : i32
      %dma_start3A_81 = tpu.memref_slice %arg4[%squeeze3A, %squeeze3A_73, %dma_start3A_80] : memref<125000x8x64xf32, #tpu.memory_space<hbm>> -> memref<1x1x64xf32, #tpu.memory_space<hbm>>
      %dma_start3A_82 = tpu.memref_squeeze %dma_start3A_81 : memref<1x1x64xf32, #tpu.memory_space<hbm>> -> memref<64xf32, #tpu.memory_space<hbm>>
      %dma_start3A_83 = arith.constant 0 : i32
      %dma_start3A_84 = tpu.memref_slice %arg10[%add3A_77, %dma_start3A_83] : memref<256x64xf32, #tpu.memory_space<vmem>> -> memref<1x64xf32, #tpu.memory_space<vmem>>
      %dma_start3A_85 = tpu.memref_squeeze %dma_start3A_84 : memref<1x64xf32, #tpu.memory_space<vmem>> -> memref<64xf32, #tpu.memory_space<vmem>>
      %dma_start3A_86 = arith.constant 0 : i32
      %dma_start3A_87 = tpu.memref_slice %arg4[%squeeze3A, %squeeze3A_73, %dma_start3A_86] : memref<125000x8x64xf32, #tpu.memory_space<hbm>> -> memref<1x1x64xf32, #tpu.memory_space<hbm>>
      %dma_start3A_88 = tpu.memref_squeeze %dma_start3A_87 : memref<1x1x64xf32, #tpu.memory_space<hbm>> -> memref<64xf32, #tpu.memory_space<hbm>>
      tpu.enqueue_dma source(%dma_start3A_88 : memref<64xf32, #tpu.memory_space<hbm>>) target(%dma_start3A_85 : memref<64xf32, #tpu.memory_space<vmem>>) target_semaphore(%arg12 : memref<!tpu.dma_semaphore, #tpu.memory_space<semaphore_mem>>)
      %slice3A_89 = vector.extract_strided_slice %shift_right_logical3A_68 {offsets = [0], sizes = [1], strides = [1]} : vector<16xi32> to vector<1xi32>
      %squeeze3A_90 = vector.extract %slice3A_89[0] : i32 from vector<1xi32>
      %slice3A_91 = vector.extract_strided_slice %and3A_71 {offsets = [0], sizes = [1], strides = [1]} : vector<16xi32> to vector<1xi32>
      %squeeze3A_92 = vector.extract %slice3A_91[0] : i32 from vector<1xi32>
      %mul3A_93 = arith.constant 16 : i32
      %mul3A_94 = arith.muli %scan3A_47, %mul3A_93 : i32
      %add3A_95 = arith.constant 0 : i32
      %add3A_96 = arith.addi %mul3A_94, %add3A_95 : i32
      %dma_start3A_97 = arith.constant 0 : i32
      %dma_start3A_98 = tpu.memref_slice %arg11[%add3A_96, %dma_start3A_97] : memref<256x64xf32, #tpu.memory_space<vmem>> -> memref<1x64xf32, #tpu.memory_space<vmem>>
      %dma_start3A_99 = tpu.memref_squeeze %dma_start3A_98 : memref<1x64xf32, #tpu.memory_space<vmem>> -> memref<64xf32, #tpu.memory_space<vmem>>
      %dma_start3A_100 = arith.constant 0 : i32
      %dma_start3A_101 = tpu.memref_slice %arg5[%squeeze3A_90, %squeeze3A_92, %dma_start3A_100] : memref<12500x8x64xf32, #tpu.memory_space<hbm>> -> memref<1x1x64xf32, #tpu.memory_space<hbm>>
      %dma_start3A_102 = tpu.memref_squeeze %dma_start3A_101 : memref<1x1x64xf32, #tpu.memory_space<hbm>> -> memref<64xf32, #tpu.memory_space<hbm>>
      %dma_start3A_103 = arith.constant 0 : i32
      %dma_start3A_104 = tpu.memref_slice %arg11[%add3A_96, %dma_start3A_103] : memref<256x64xf32, #tpu.memory_space<vmem>> -> memref<1x64xf32, #tpu.memory_space<vmem>>
      %dma_start3A_105 = tpu.memref_squeeze %dma_start3A_104 : memref<1x64xf32, #tpu.memory_space<vmem>> -> memref<64xf32, #tpu.memory_space<vmem>>
      %dma_start3A_106 = arith.constant 0 : i32
      %dma_start3A_107 = tpu.memref_slice %arg5[%squeeze3A_90, %squeeze3A_92, %dma_start3A_106] : memref<12500x8x64xf32, #tpu.memory_space<hbm>> -> memref<1x1x64xf32, #tpu.memory_space<hbm>>
      %dma_start3A_108 = tpu.memref_squeeze %dma_start3A_107 : memref<1x1x64xf32, #tpu.memory_space<hbm>> -> memref<64xf32, #tpu.memory_space<hbm>>
      tpu.enqueue_dma source(%dma_start3A_108 : memref<64xf32, #tpu.memory_space<hbm>>) target(%dma_start3A_105 : memref<64xf32, #tpu.memory_space<vmem>>) target_semaphore(%arg12 : memref<!tpu.dma_semaphore, #tpu.memory_space<semaphore_mem>>)
      %slice3A_109 = vector.extract_strided_slice %shift_right_logical3A_63 {offsets = [1], sizes = [1], strides = [1]} : vector<16xi32> to vector<1xi32>
      %squeeze3A_110 = vector.extract %slice3A_109[0] : i32 from vector<1xi32>
      %slice3A_111 = vector.extract_strided_slice %and3A_65 {offsets = [1], sizes = [1], strides = [1]} : vector<16xi32> to vector<1xi32>
      %squeeze3A_112 = vector.extract %slice3A_111[0] : i32 from vector<1xi32>
      %mul3A_113 = arith.constant 16 : i32
      %mul3A_114 = arith.muli %scan3A_47, %mul3A_113 : i32
      %add3A_115 = arith.constant 1 : i32
      %add3A_116 = arith.addi %mul3A_114, %add3A_115 : i32
      %dma_start3A_117 = arith.constant 0 : i32
      %dma_start3A_118 = tpu.memref_slice %arg10[%add3A_116, %dma_start3A_117] : memref<256x64xf32, #tpu.memory_space<vmem>> -> memref<1x64xf32, #tpu.memory_space<vmem>>
      %dma_start3A_119 = tpu.memref_squeeze %dma_start3A_118 : memref<1x64xf32, #tpu.memory_space<vmem>> -> memref<64xf32, #tpu.memory_space<vmem>>
      %dma_start3A_120 = arith.constant 0 : i32
      %dma_start3A_121 = tpu.memref_slice %arg4[%squeeze3A_110, %squeeze3A_112, %dma_start3A_120] : memref<125000x8x64xf32, #tpu.memory_space<hbm>> -> memref<1x1x64xf32, #tpu.memory_space<hbm>>
      %dma_start3A_122 = tpu.memref_squeeze %dma_start3A_121 : memref<1x1x64xf32, #tpu.memory_space<hbm>> -> memref<64xf32, #tpu.memory_space<hbm>>
      %dma_start3A_123 = arith.constant 0 : i32
      %dma_start3A_124 = tpu.memref_slice %arg10[%add3A_116, %dma_start3A_123] : memref<256x64xf32, #tpu.memory_space<vmem>> -> memref<1x64xf32, #tpu.memory_space<vmem>>
      %dma_start3A_125 = tpu.memref_squeeze %dma_start3A_124 : memref<1x64xf32, #tpu.memory_space<vmem>> -> memref<64xf32, #tpu.memory_space<vmem>>
      %dma_start3A_126 = arith.constant 0 : i32
      %dma_start3A_127 = tpu.memref_slice %arg4[%squeeze3A_110, %squeeze3A_112, %dma_start3A_126] : memref<125000x8x64xf32, #tpu.memory_space<hbm>> -> memref<1x1x64xf32, #tpu.memory_space<hbm>>
      %dma_start3A_128 = tpu.memref_squeeze %dma_start3A_127 : memref<1x1x64xf32, #tpu.memory_space<hbm>> -> memref<64xf32, #tpu.memory_space<hbm>>
      tpu.enqueue_dma source(%dma_start3A_128 : memref<64xf32, #tpu.memory_space<hbm>>) target(%dma_start3A_125 : memref<64xf32, #tpu.memory_space<vmem>>) target_semaphore(%arg12 : memref<!tpu.dma_semaphore, #tpu.memory_space<semaphore_mem>>)
      %slice3A_129 = vector.extract_strided_slice %shift_right_logical3A_68 {offsets = [1], sizes = [1], strides = [1]} : vector<16xi32> to vector<1xi32>
      %squeeze3A_130 = vector.extract %slice3A_129[0] : i32 from vector<1xi32>
      %slice3A_131 = vector.extract_strided_slice %and3A_71 {offsets = [1], sizes = [1], strides = [1]} : vector<16xi32> to vector<1xi32>
      %squeeze3A_132 = vector.extract %slice3A_131[0] : i32 from vector<1xi32>
      %mul3A_133 = arith.constant 16 : i32
      %mul3A_134 = arith.muli %scan3A_47, %mul3A_133 : i32
      %add3A_135 = arith.constant 1 : i32
      %add3A_136 = arith.addi %mul3A_134, %add3A_135 : i32
      %dma_start3A_137 = arith.constant 0 : i32
      %dma_start3A_138 = tpu.memref_slice %arg11[%add3A_136, %dma_start3A_137] : memref<256x64xf32, #tpu.memory_space<vmem>> -> memref<1x64xf32, #tpu.memory_space<vmem>>
      %dma_start3A_139 = tpu.memref_squeeze %dma_start3A_138 : memref<1x64xf32, #tpu.memory_space<vmem>> -> memref<64xf32, #tpu.memory_space<vmem>>
      %dma_start3A_140 = arith.constant 0 : i32
      %dma_start3A_141 = tpu.memref_slice %arg5[%squeeze3A_130, %squeeze3A_132, %dma_start3A_140] : memref<12500x8x64xf32, #tpu.memory_space<hbm>> -> memref<1x1x64xf32, #tpu.memory_space<hbm>>
      %dma_start3A_142 = tpu.memref_squeeze %dma_start3A_141 : memref<1x1x64xf32, #tpu.memory_space<hbm>> -> memref<64xf32, #tpu.memory_space<hbm>>
      %dma_start3A_143 = arith.constant 0 : i32
      %dma_start3A_144 = tpu.memref_slice %arg11[%add3A_136, %dma_start3A_143] : memref<256x64xf32, #tpu.memory_space<vmem>> -> memref<1x64xf32, #tpu.memory_space<vmem>>
      %dma_start3A_145 = tpu.memref_squeeze %dma_start3A_144 : memref<1x64xf32, #tpu.memory_space<vmem>> -> memref<64xf32, #tpu.memory_space<vmem>>
      %dma_start3A_146 = arith.constant 0 : i32
      %dma_start3A_147 = tpu.memref_slice %arg5[%squeeze3A_130, %squeeze3A_132, %dma_start3A_146] : memref<12500x8x64xf32, #tpu.memory_space<hbm>> -> memref<1x1x64xf32, #tpu.memory_space<hbm>>
      %dma_start3A_148 = tpu.memref_squeeze %dma_start3A_147 : memref<1x1x64xf32, #tpu.memory_space<hbm>> -> memref<64xf32, #tpu.memory_space<hbm>>
      tpu.enqueue_dma source(%dma_start3A_148 : memref<64xf32, #tpu.memory_space<hbm>>) target(%dma_start3A_145 : memref<64xf32, #tpu.memory_space<vmem>>) target_semaphore(%arg12 : memref<!tpu.dma_semaphore, #tpu.memory_space<semaphore_mem>>)
      %slice3A_149 = vector.extract_strided_slice %shift_right_logical3A_63 {offsets = [2], sizes = [1], strides = [1]} : vector<16xi32> to vector<1xi32>
      %squeeze3A_150 = vector.extract %slice3A_149[0] : i32 from vector<1xi32>
      %slice3A_151 = vector.extract_strided_slice %and3A_65 {offsets = [2], sizes = [1], strides = [1]} : vector<16xi32> to vector<1xi32>
      %squeeze3A_152 = vector.extract %slice3A_151[0] : i32 from vector<1xi32>
      %mul3A_153 = arith.constant 16 : i32
      %mul3A_154 = arith.muli %scan3A_47, %mul3A_153 : i32
      %add3A_155 = arith.constant 2 : i32
      %add3A_156 = arith.addi %mul3A_154, %add3A_155 : i32
      %dma_start3A_157 = arith.constant 0 : i32
      %dma_start3A_158 = tpu.memref_slice %arg10[%add3A_156, %dma_start3A_157] : memref<256x64xf32, #tpu.memory_space<vmem>> -> memref<1x64xf32, #tpu.memory_space<vmem>>
      %dma_start3A_159 = tpu.memref_squeeze %dma_start3A_158 : memref<1x64xf32, #tpu.memory_space<vmem>> -> memref<64xf32, #tpu.memory_space<vmem>>
      %dma_start3A_160 = arith.constant 0 : i32
      %dma_start3A_161 = tpu.memref_slice %arg4[%squeeze3A_150, %squeeze3A_152, %dma_start3A_160] : memref<125000x8x64xf32, #tpu.memory_space<hbm>> -> memref<1x1x64xf32, #tpu.memory_space<hbm>>
      %dma_start3A_162 = tpu.memref_squeeze %dma_start3A_161 : memref<1x1x64xf32, #tpu.memory_space<hbm>> -> memref<64xf32, #tpu.memory_space<hbm>>
      %dma_start3A_163 = arith.constant 0 : i32
      %dma_start3A_164 = tpu.memref_slice %arg10[%add3A_156, %dma_start3A_163] : memref<256x64xf32, #tpu.memory_space<vmem>> -> memref<1x64xf32, #tpu.memory_space<vmem>>
      %dma_start3A_165 = tpu.memref_squeeze %dma_start3A_164 : memref<1x64xf32, #tpu.memory_space<vmem>> -> memref<64xf32, #tpu.memory_space<vmem>>
      %dma_start3A_166 = arith.constant 0 : i32
      %dma_start3A_167 = tpu.memref_slice %arg4[%squeeze3A_150, %squeeze3A_152, %dma_start3A_166] : memref<125000x8x64xf32, #tpu.memory_space<hbm>> -> memref<1x1x64xf32, #tpu.memory_space<hbm>>
      %dma_start3A_168 = tpu.memref_squeeze %dma_start3A_167 : memref<1x1x64xf32, #tpu.memory_space<hbm>> -> memref<64xf32, #tpu.memory_space<hbm>>
      tpu.enqueue_dma source(%dma_start3A_168 : memref<64xf32, #tpu.memory_space<hbm>>) target(%dma_start3A_165 : memref<64xf32, #tpu.memory_space<vmem>>) target_semaphore(%arg12 : memref<!tpu.dma_semaphore, #tpu.memory_space<semaphore_mem>>)
      %slice3A_169 = vector.extract_strided_slice %shift_right_logical3A_68 {offsets = [2], sizes = [1], strides = [1]} : vector<16xi32> to vector<1xi32>
      %squeeze3A_170 = vector.extract %slice3A_169[0] : i32 from vector<1xi32>
      %slice3A_171 = vector.extract_strided_slice %and3A_71 {offsets = [2], sizes = [1], strides = [1]} : vector<16xi32> to vector<1xi32>
      %squeeze3A_172 = vector.extract %slice3A_171[0] : i32 from vector<1xi32>
      %mul3A_173 = arith.constant 16 : i32
      %mul3A_174 = arith.muli %scan3A_47, %mul3A_173 : i32
      %add3A_175 = arith.constant 2 : i32
      %add3A_176 = arith.addi %mul3A_174, %add3A_175 : i32
      %dma_start3A_177 = arith.constant 0 : i32
      %dma_start3A_178 = tpu.memref_slice %arg11[%add3A_176, %dma_start3A_177] : memref<256x64xf32, #tpu.memory_space<vmem>> -> memref<1x64xf32, #tpu.memory_space<vmem>>
      %dma_start3A_179 = tpu.memref_squeeze %dma_start3A_178 : memref<1x64xf32, #tpu.memory_space<vmem>> -> memref<64xf32, #tpu.memory_space<vmem>>
      %dma_start3A_180 = arith.constant 0 : i32
      %dma_start3A_181 = tpu.memref_slice %arg5[%squeeze3A_170, %squeeze3A_172, %dma_start3A_180] : memref<12500x8x64xf32, #tpu.memory_space<hbm>> -> memref<1x1x64xf32, #tpu.memory_space<hbm>>
      %dma_start3A_182 = tpu.memref_squeeze %dma_start3A_181 : memref<1x1x64xf32, #tpu.memory_space<hbm>> -> memref<64xf32, #tpu.memory_space<hbm>>
      %dma_start3A_183 = arith.constant 0 : i32
      %dma_start3A_184 = tpu.memref_slice %arg11[%add3A_176, %dma_start3A_183] : memref<256x64xf32, #tpu.memory_space<vmem>> -> memref<1x64xf32, #tpu.memory_space<vmem>>
      %dma_start3A_185 = tpu.memref_squeeze %dma_start3A_184 : memref<1x64xf32, #tpu.memory_space<vmem>> -> memref<64xf32, #tpu.memory_space<vmem>>
      %dma_start3A_186 = arith.constant 0 : i32
      %dma_start3A_187 = tpu.memref_slice %arg5[%squeeze3A_170, %squeeze3A_172, %dma_start3A_186] : memref<12500x8x64xf32, #tpu.memory_space<hbm>> -> memref<1x1x64xf32, #tpu.memory_space<hbm>>
      %dma_start3A_188 = tpu.memref_squeeze %dma_start3A_187 : memref<1x1x64xf32, #tpu.memory_space<hbm>> -> memref<64xf32, #tpu.memory_space<hbm>>
      tpu.enqueue_dma source(%dma_start3A_188 : memref<64xf32, #tpu.memory_space<hbm>>) target(%dma_start3A_185 : memref<64xf32, #tpu.memory_space<vmem>>) target_semaphore(%arg12 : memref<!tpu.dma_semaphore, #tpu.memory_space<semaphore_mem>>)
      %slice3A_189 = vector.extract_strided_slice %shift_right_logical3A_63 {offsets = [3], sizes = [1], strides = [1]} : vector<16xi32> to vector<1xi32>
      %squeeze3A_190 = vector.extract %slice3A_189[0] : i32 from vector<1xi32>
      %slice3A_191 = vector.extract_strided_slice %and3A_65 {offsets = [3], sizes = [1], strides = [1]} : vector<16xi32> to vector<1xi32>
      %squeeze3A_192 = vector.extract %slice3A_191[0] : i32 from vector<1xi32>
      %mul3A_193 = arith.constant 16 : i32
      %mul3A_194 = arith.muli %scan3A_47, %mul3A_193 : i32
      %add3A_195 = arith.constant 3 : i32
      %add3A_196 = arith.addi %mul3A_194, %add3A_195 : i32
      %dma_start3A_197 = arith.constant 0 : i32
      %dma_start3A_198 = tpu.memref_slice %arg10[%add3A_196, %dma_start3A_197] : memref<256x64xf32, #tpu.memory_space<vmem>> -> memref<1x64xf32, #tpu.memory_space<vmem>>
      %dma_start3A_199 = tpu.memref_squeeze %dma_start3A_198 : memref<1x64xf32, #tpu.memory_space<vmem>> -> memref<64xf32, #tpu.memory_space<vmem>>
      %dma_start3A_200 = arith.constant 0 : i32
      %dma_start3A_201 = tpu.memref_slice %arg4[%squeeze3A_190, %squeeze3A_192, %dma_start3A_200] : memref<125000x8x64xf32, #tpu.memory_space<hbm>> -> memref<1x1x64xf32, #tpu.memory_space<hbm>>
      %dma_start3A_202 = tpu.memref_squeeze %dma_start3A_201 : memref<1x1x64xf32, #tpu.memory_space<hbm>> -> memref<64xf32, #tpu.memory_space<hbm>>
      %dma_start3A_203 = arith.constant 0 : i32
      %dma_start3A_204 = tpu.memref_slice %arg10[%add3A_196, %dma_start3A_203] : memref<256x64xf32, #tpu.memory_space<vmem>> -> memref<1x64xf32, #tpu.memory_space<vmem>>
      %dma_start3A_205 = tpu.memref_squeeze %dma_start3A_204 : memref<1x64xf32, #tpu.memory_space<vmem>> -> memref<64xf32, #tpu.memory_space<vmem>>
      %dma_start3A_206 = arith.constant 0 : i32
      %dma_start3A_207 = tpu.memref_slice %arg4[%squeeze3A_190, %squeeze3A_192, %dma_start3A_206] : memref<125000x8x64xf32, #tpu.memory_space<hbm>> -> memref<1x1x64xf32, #tpu.memory_space<hbm>>
      %dma_start3A_208 = tpu.memref_squeeze %dma_start3A_207 : memref<1x1x64xf32, #tpu.memory_space<hbm>> -> memref<64xf32, #tpu.memory_space<hbm>>
      tpu.enqueue_dma source(%dma_start3A_208 : memref<64xf32, #tpu.memory_space<hbm>>) target(%dma_start3A_205 : memref<64xf32, #tpu.memory_space<vmem>>) target_semaphore(%arg12 : memref<!tpu.dma_semaphore, #tpu.memory_space<semaphore_mem>>)
      %slice3A_209 = vector.extract_strided_slice %shift_right_logical3A_68 {offsets = [3], sizes = [1], strides = [1]} : vector<16xi32> to vector<1xi32>
      %squeeze3A_210 = vector.extract %slice3A_209[0] : i32 from vector<1xi32>
      %slice3A_211 = vector.extract_strided_slice %and3A_71 {offsets = [3], sizes = [1], strides = [1]} : vector<16xi32> to vector<1xi32>
      %squeeze3A_212 = vector.extract %slice3A_211[0] : i32 from vector<1xi32>
      %mul3A_213 = arith.constant 16 : i32
      %mul3A_214 = arith.muli %scan3A_47, %mul3A_213 : i32
      %add3A_215 = arith.constant 3 : i32
      %add3A_216 = arith.addi %mul3A_214, %add3A_215 : i32
      %dma_start3A_217 = arith.constant 0 : i32
      %dma_start3A_218 = tpu.memref_slice %arg11[%add3A_216, %dma_start3A_217] : memref<256x64xf32, #tpu.memory_space<vmem>> -> memref<1x64xf32, #tpu.memory_space<vmem>>
      %dma_start3A_219 = tpu.memref_squeeze %dma_start3A_218 : memref<1x64xf32, #tpu.memory_space<vmem>> -> memref<64xf32, #tpu.memory_space<vmem>>
      %dma_start3A_220 = arith.constant 0 : i32
      %dma_start3A_221 = tpu.memref_slice %arg5[%squeeze3A_210, %squeeze3A_212, %dma_start3A_220] : memref<12500x8x64xf32, #tpu.memory_space<hbm>> -> memref<1x1x64xf32, #tpu.memory_space<hbm>>
      %dma_start3A_222 = tpu.memref_squeeze %dma_start3A_221 : memref<1x1x64xf32, #tpu.memory_space<hbm>> -> memref<64xf32, #tpu.memory_space<hbm>>
      %dma_start3A_223 = arith.constant 0 : i32
      %dma_start3A_224 = tpu.memref_slice %arg11[%add3A_216, %dma_start3A_223] : memref<256x64xf32, #tpu.memory_space<vmem>> -> memref<1x64xf32, #tpu.memory_space<vmem>>
      %dma_start3A_225 = tpu.memref_squeeze %dma_start3A_224 : memref<1x64xf32, #tpu.memory_space<vmem>> -> memref<64xf32, #tpu.memory_space<vmem>>
      %dma_start3A_226 = arith.constant 0 : i32
      %dma_start3A_227 = tpu.memref_slice %arg5[%squeeze3A_210, %squeeze3A_212, %dma_start3A_226] : memref<12500x8x64xf32, #tpu.memory_space<hbm>> -> memref<1x1x64xf32, #tpu.memory_space<hbm>>
      %dma_start3A_228 = tpu.memref_squeeze %dma_start3A_227 : memref<1x1x64xf32, #tpu.memory_space<hbm>> -> memref<64xf32, #tpu.memory_space<hbm>>
      tpu.enqueue_dma source(%dma_start3A_228 : memref<64xf32, #tpu.memory_space<hbm>>) target(%dma_start3A_225 : memref<64xf32, #tpu.memory_space<vmem>>) target_semaphore(%arg12 : memref<!tpu.dma_semaphore, #tpu.memory_space<semaphore_mem>>)
      %slice3A_229 = vector.extract_strided_slice %shift_right_logical3A_63 {offsets = [4], sizes = [1], strides = [1]} : vector<16xi32> to vector<1xi32>
      %squeeze3A_230 = vector.extract %slice3A_229[0] : i32 from vector<1xi32>
      %slice3A_231 = vector.extract_strided_slice %and3A_65 {offsets = [4], sizes = [1], strides = [1]} : vector<16xi32> to vector<1xi32>
      %squeeze3A_232 = vector.extract %slice3A_231[0] : i32 from vector<1xi32>
      %mul3A_233 = arith.constant 16 : i32
      %mul3A_234 = arith.muli %scan3A_47, %mul3A_233 : i32
      %add3A_235 = arith.constant 4 : i32
      %add3A_236 = arith.addi %mul3A_234, %add3A_235 : i32
      %dma_start3A_237 = arith.constant 0 : i32
      %dma_start3A_238 = tpu.memref_slice %arg10[%add3A_236, %dma_start3A_237] : memref<256x64xf32, #tpu.memory_space<vmem>> -> memref<1x64xf32, #tpu.memory_space<vmem>>
      %dma_start3A_239 = tpu.memref_squeeze %dma_start3A_238 : memref<1x64xf32, #tpu.memory_space<vmem>> -> memref<64xf32, #tpu.memory_space<vmem>>
      %dma_start3A_240 = arith.constant 0 : i32
      %dma_start3A_241 = tpu.memref_slice %arg4[%squeeze3A_230, %squeeze3A_232, %dma_start3A_240] : memref<125000x8x64xf32, #tpu.memory_space<hbm>> -> memref<1x1x64xf32, #tpu.memory_space<hbm>>
      %dma_start3A_242 = tpu.memref_squeeze %dma_start3A_241 : memref<1x1x64xf32, #tpu.memory_space<hbm>> -> memref<64xf32, #tpu.memory_space<hbm>>
      %dma_start3A_243 = arith.constant 0 : i32
      %dma_start3A_244 = tpu.memref_slice %arg10[%add3A_236, %dma_start3A_243] : memref<256x64xf32, #tpu.memory_space<vmem>> -> memref<1x64xf32, #tpu.memory_space<vmem>>
      %dma_start3A_245 = tpu.memref_squeeze %dma_start3A_244 : memref<1x64xf32, #tpu.memory_space<vmem>> -> memref<64xf32, #tpu.memory_space<vmem>>
      %dma_start3A_246 = arith.constant 0 : i32
      %dma_start3A_247 = tpu.memref_slice %arg4[%squeeze3A_230, %squeeze3A_232, %dma_start3A_246] : memref<125000x8x64xf32, #tpu.memory_space<hbm>> -> memref<1x1x64xf32, #tpu.memory_space<hbm>>
      %dma_start3A_248 = tpu.memref_squeeze %dma_start3A_247 : memref<1x1x64xf32, #tpu.memory_space<hbm>> -> memref<64xf32, #tpu.memory_space<hbm>>
      tpu.enqueue_dma source(%dma_start3A_248 : memref<64xf32, #tpu.memory_space<hbm>>) target(%dma_start3A_245 : memref<64xf32, #tpu.memory_space<vmem>>) target_semaphore(%arg12 : memref<!tpu.dma_semaphore, #tpu.memory_space<semaphore_mem>>)
      %slice3A_249 = vector.extract_strided_slice %shift_right_logical3A_68 {offsets = [4], sizes = [1], strides = [1]} : vector<16xi32> to vector<1xi32>
      %squeeze3A_250 = vector.extract %slice3A_249[0] : i32 from vector<1xi32>
      %slice3A_251 = vector.extract_strided_slice %and3A_71 {offsets = [4], sizes = [1], strides = [1]} : vector<16xi32> to vector<1xi32>
      %squeeze3A_252 = vector.extract %slice3A_251[0] : i32 from vector<1xi32>
      %mul3A_253 = arith.constant 16 : i32
      %mul3A_254 = arith.muli %scan3A_47, %mul3A_253 : i32
      %add3A_255 = arith.constant 4 : i32
      %add3A_256 = arith.addi %mul3A_254, %add3A_255 : i32
      %dma_start3A_257 = arith.constant 0 : i32
      %dma_start3A_258 = tpu.memref_slice %arg11[%add3A_256, %dma_start3A_257] : memref<256x64xf32, #tpu.memory_space<vmem>> -> memref<1x64xf32, #tpu.memory_space<vmem>>
      %dma_start3A_259 = tpu.memref_squeeze %dma_start3A_258 : memref<1x64xf32, #tpu.memory_space<vmem>> -> memref<64xf32, #tpu.memory_space<vmem>>
      %dma_start3A_260 = arith.constant 0 : i32
      %dma_start3A_261 = tpu.memref_slice %arg5[%squeeze3A_250, %squeeze3A_252, %dma_start3A_260] : memref<12500x8x64xf32, #tpu.memory_space<hbm>> -> memref<1x1x64xf32, #tpu.memory_space<hbm>>
      %dma_start3A_262 = tpu.memref_squeeze %dma_start3A_261 : memref<1x1x64xf32, #tpu.memory_space<hbm>> -> memref<64xf32, #tpu.memory_space<hbm>>
      %dma_start3A_263 = arith.constant 0 : i32
      %dma_start3A_264 = tpu.memref_slice %arg11[%add3A_256, %dma_start3A_263] : memref<256x64xf32, #tpu.memory_space<vmem>> -> memref<1x64xf32, #tpu.memory_space<vmem>>
      %dma_start3A_265 = tpu.memref_squeeze %dma_start3A_264 : memref<1x64xf32, #tpu.memory_space<vmem>> -> memref<64xf32, #tpu.memory_space<vmem>>
      %dma_start3A_266 = arith.constant 0 : i32
      %dma_start3A_267 = tpu.memref_slice %arg5[%squeeze3A_250, %squeeze3A_252, %dma_start3A_266] : memref<12500x8x64xf32, #tpu.memory_space<hbm>> -> memref<1x1x64xf32, #tpu.memory_space<hbm>>
      %dma_start3A_268 = tpu.memref_squeeze %dma_start3A_267 : memref<1x1x64xf32, #tpu.memory_space<hbm>> -> memref<64xf32, #tpu.memory_space<hbm>>
      tpu.enqueue_dma source(%dma_start3A_268 : memref<64xf32, #tpu.memory_space<hbm>>) target(%dma_start3A_265 : memref<64xf32, #tpu.memory_space<vmem>>) target_semaphore(%arg12 : memref<!tpu.dma_semaphore, #tpu.memory_space<semaphore_mem>>)
      %slice3A_269 = vector.extract_strided_slice %shift_right_logical3A_63 {offsets = [5], sizes = [1], strides = [1]} : vector<16xi32> to vector<1xi32>
      %squeeze3A_270 = vector.extract %slice3A_269[0] : i32 from vector<1xi32>
      %slice3A_271 = vector.extract_strided_slice %and3A_65 {offsets = [5], sizes = [1], strides = [1]} : vector<16xi32> to vector<1xi32>
      %squeeze3A_272 = vector.extract %slice3A_271[0] : i32 from vector<1xi32>
      %mul3A_273 = arith.constant 16 : i32
      %mul3A_274 = arith.muli %scan3A_47, %mul3A_273 : i32
      %add3A_275 = arith.constant 5 : i32
      %add3A_276 = arith.addi %mul3A_274, %add3A_275 : i32
      %dma_start3A_277 = arith.constant 0 : i32
      %dma_start3A_278 = tpu.memref_slice %arg10[%add3A_276, %dma_start3A_277] : memref<256x64xf32, #tpu.memory_space<vmem>> -> memref<1x64xf32, #tpu.memory_space<vmem>>
      %dma_start3A_279 = tpu.memref_squeeze %dma_start3A_278 : memref<1x64xf32, #tpu.memory_space<vmem>> -> memref<64xf32, #tpu.memory_space<vmem>>
      %dma_start3A_280 = arith.constant 0 : i32
      %dma_start3A_281 = tpu.memref_slice %arg4[%squeeze3A_270, %squeeze3A_272, %dma_start3A_280] : memref<125000x8x64xf32, #tpu.memory_space<hbm>> -> memref<1x1x64xf32, #tpu.memory_space<hbm>>
      %dma_start3A_282 = tpu.memref_squeeze %dma_start3A_281 : memref<1x1x64xf32, #tpu.memory_space<hbm>> -> memref<64xf32, #tpu.memory_space<hbm>>
      %dma_start3A_283 = arith.constant 0 : i32
      %dma_start3A_284 = tpu.memref_slice %arg10[%add3A_276, %dma_start3A_283] : memref<256x64xf32, #tpu.memory_space<vmem>> -> memref<1x64xf32, #tpu.memory_space<vmem>>
      %dma_start3A_285 = tpu.memref_squeeze %dma_start3A_284 : memref<1x64xf32, #tpu.memory_space<vmem>> -> memref<64xf32, #tpu.memory_space<vmem>>
      %dma_start3A_286 = arith.constant 0 : i32
      %dma_start3A_287 = tpu.memref_slice %arg4[%squeeze3A_270, %squeeze3A_272, %dma_start3A_286] : memref<125000x8x64xf32, #tpu.memory_space<hbm>> -> memref<1x1x64xf32, #tpu.memory_space<hbm>>
      %dma_start3A_288 = tpu.memref_squeeze %dma_start3A_287 : memref<1x1x64xf32, #tpu.memory_space<hbm>> -> memref<64xf32, #tpu.memory_space<hbm>>
      tpu.enqueue_dma source(%dma_start3A_288 : memref<64xf32, #tpu.memory_space<hbm>>) target(%dma_start3A_285 : memref<64xf32, #tpu.memory_space<vmem>>) target_semaphore(%arg12 : memref<!tpu.dma_semaphore, #tpu.memory_space<semaphore_mem>>)
      %slice3A_289 = vector.extract_strided_slice %shift_right_logical3A_68 {offsets = [5], sizes = [1], strides = [1]} : vector<16xi32> to vector<1xi32>
      %squeeze3A_290 = vector.extract %slice3A_289[0] : i32 from vector<1xi32>
      %slice3A_291 = vector.extract_strided_slice %and3A_71 {offsets = [5], sizes = [1], strides = [1]} : vector<16xi32> to vector<1xi32>
      %squeeze3A_292 = vector.extract %slice3A_291[0] : i32 from vector<1xi32>
      %mul3A_293 = arith.constant 16 : i32
      %mul3A_294 = arith.muli %scan3A_47, %mul3A_293 : i32
      %add3A_295 = arith.constant 5 : i32
      %add3A_296 = arith.addi %mul3A_294, %add3A_295 : i32
      %dma_start3A_297 = arith.constant 0 : i32
      %dma_start3A_298 = tpu.memref_slice %arg11[%add3A_296, %dma_start3A_297] : memref<256x64xf32, #tpu.memory_space<vmem>> -> memref<1x64xf32, #tpu.memory_space<vmem>>
      %dma_start3A_299 = tpu.memref_squeeze %dma_start3A_298 : memref<1x64xf32, #tpu.memory_space<vmem>> -> memref<64xf32, #tpu.memory_space<vmem>>
      %dma_start3A_300 = arith.constant 0 : i32
      %dma_start3A_301 = tpu.memref_slice %arg5[%squeeze3A_290, %squeeze3A_292, %dma_start3A_300] : memref<12500x8x64xf32, #tpu.memory_space<hbm>> -> memref<1x1x64xf32, #tpu.memory_space<hbm>>
      %dma_start3A_302 = tpu.memref_squeeze %dma_start3A_301 : memref<1x1x64xf32, #tpu.memory_space<hbm>> -> memref<64xf32, #tpu.memory_space<hbm>>
      %dma_start3A_303 = arith.constant 0 : i32
      %dma_start3A_304 = tpu.memref_slice %arg11[%add3A_296, %dma_start3A_303] : memref<256x64xf32, #tpu.memory_space<vmem>> -> memref<1x64xf32, #tpu.memory_space<vmem>>
      %dma_start3A_305 = tpu.memref_squeeze %dma_start3A_304 : memref<1x64xf32, #tpu.memory_space<vmem>> -> memref<64xf32, #tpu.memory_space<vmem>>
      %dma_start3A_306 = arith.constant 0 : i32
      %dma_start3A_307 = tpu.memref_slice %arg5[%squeeze3A_290, %squeeze3A_292, %dma_start3A_306] : memref<12500x8x64xf32, #tpu.memory_space<hbm>> -> memref<1x1x64xf32, #tpu.memory_space<hbm>>
      %dma_start3A_308 = tpu.memref_squeeze %dma_start3A_307 : memref<1x1x64xf32, #tpu.memory_space<hbm>> -> memref<64xf32, #tpu.memory_space<hbm>>
      tpu.enqueue_dma source(%dma_start3A_308 : memref<64xf32, #tpu.memory_space<hbm>>) target(%dma_start3A_305 : memref<64xf32, #tpu.memory_space<vmem>>) target_semaphore(%arg12 : memref<!tpu.dma_semaphore, #tpu.memory_space<semaphore_mem>>)
      %slice3A_309 = vector.extract_strided_slice %shift_right_logical3A_63 {offsets = [6], sizes = [1], strides = [1]} : vector<16xi32> to vector<1xi32>
      %squeeze3A_310 = vector.extract %slice3A_309[0] : i32 from vector<1xi32>
      %slice3A_311 = vector.extract_strided_slice %and3A_65 {offsets = [6], sizes = [1], strides = [1]} : vector<16xi32> to vector<1xi32>
      %squeeze3A_312 = vector.extract %slice3A_311[0] : i32 from vector<1xi32>
      %mul3A_313 = arith.constant 16 : i32
      %mul3A_314 = arith.muli %scan3A_47, %mul3A_313 : i32
      %add3A_315 = arith.constant 6 : i32
      %add3A_316 = arith.addi %mul3A_314, %add3A_315 : i32
      %dma_start3A_317 = arith.constant 0 : i32
      %dma_start3A_318 = tpu.memref_slice %arg10[%add3A_316, %dma_start3A_317] : memref<256x64xf32, #tpu.memory_space<vmem>> -> memref<1x64xf32, #tpu.memory_space<vmem>>
      %dma_start3A_319 = tpu.memref_squeeze %dma_start3A_318 : memref<1x64xf32, #tpu.memory_space<vmem>> -> memref<64xf32, #tpu.memory_space<vmem>>
      %dma_start3A_320 = arith.constant 0 : i32
      %dma_start3A_321 = tpu.memref_slice %arg4[%squeeze3A_310, %squeeze3A_312, %dma_start3A_320] : memref<125000x8x64xf32, #tpu.memory_space<hbm>> -> memref<1x1x64xf32, #tpu.memory_space<hbm>>
      %dma_start3A_322 = tpu.memref_squeeze %dma_start3A_321 : memref<1x1x64xf32, #tpu.memory_space<hbm>> -> memref<64xf32, #tpu.memory_space<hbm>>
      %dma_start3A_323 = arith.constant 0 : i32
      %dma_start3A_324 = tpu.memref_slice %arg10[%add3A_316, %dma_start3A_323] : memref<256x64xf32, #tpu.memory_space<vmem>> -> memref<1x64xf32, #tpu.memory_space<vmem>>
      %dma_start3A_325 = tpu.memref_squeeze %dma_start3A_324 : memref<1x64xf32, #tpu.memory_space<vmem>> -> memref<64xf32, #tpu.memory_space<vmem>>
      %dma_start3A_326 = arith.constant 0 : i32
      %dma_start3A_327 = tpu.memref_slice %arg4[%squeeze3A_310, %squeeze3A_312, %dma_start3A_326] : memref<125000x8x64xf32, #tpu.memory_space<hbm>> -> memref<1x1x64xf32, #tpu.memory_space<hbm>>
      %dma_start3A_328 = tpu.memref_squeeze %dma_start3A_327 : memref<1x1x64xf32, #tpu.memory_space<hbm>> -> memref<64xf32, #tpu.memory_space<hbm>>
      tpu.enqueue_dma source(%dma_start3A_328 : memref<64xf32, #tpu.memory_space<hbm>>) target(%dma_start3A_325 : memref<64xf32, #tpu.memory_space<vmem>>) target_semaphore(%arg12 : memref<!tpu.dma_semaphore, #tpu.memory_space<semaphore_mem>>)
      %slice3A_329 = vector.extract_strided_slice %shift_right_logical3A_68 {offsets = [6], sizes = [1], strides = [1]} : vector<16xi32> to vector<1xi32>
      %squeeze3A_330 = vector.extract %slice3A_329[0] : i32 from vector<1xi32>
      %slice3A_331 = vector.extract_strided_slice %and3A_71 {offsets = [6], sizes = [1], strides = [1]} : vector<16xi32> to vector<1xi32>
      %squeeze3A_332 = vector.extract %slice3A_331[0] : i32 from vector<1xi32>
      %mul3A_333 = arith.constant 16 : i32
      %mul3A_334 = arith.muli %scan3A_47, %mul3A_333 : i32
      %add3A_335 = arith.constant 6 : i32
      %add3A_336 = arith.addi %mul3A_334, %add3A_335 : i32
      %dma_start3A_337 = arith.constant 0 : i32
      %dma_start3A_338 = tpu.memref_slice %arg11[%add3A_336, %dma_start3A_337] : memref<256x64xf32, #tpu.memory_space<vmem>> -> memref<1x64xf32, #tpu.memory_space<vmem>>
      %dma_start3A_339 = tpu.memref_squeeze %dma_start3A_338 : memref<1x64xf32, #tpu.memory_space<vmem>> -> memref<64xf32, #tpu.memory_space<vmem>>
      %dma_start3A_340 = arith.constant 0 : i32
      %dma_start3A_341 = tpu.memref_slice %arg5[%squeeze3A_330, %squeeze3A_332, %dma_start3A_340] : memref<12500x8x64xf32, #tpu.memory_space<hbm>> -> memref<1x1x64xf32, #tpu.memory_space<hbm>>
      %dma_start3A_342 = tpu.memref_squeeze %dma_start3A_341 : memref<1x1x64xf32, #tpu.memory_space<hbm>> -> memref<64xf32, #tpu.memory_space<hbm>>
      %dma_start3A_343 = arith.constant 0 : i32
      %dma_start3A_344 = tpu.memref_slice %arg11[%add3A_336, %dma_start3A_343] : memref<256x64xf32, #tpu.memory_space<vmem>> -> memref<1x64xf32, #tpu.memory_space<vmem>>
      %dma_start3A_345 = tpu.memref_squeeze %dma_start3A_344 : memref<1x64xf32, #tpu.memory_space<vmem>> -> memref<64xf32, #tpu.memory_space<vmem>>
      %dma_start3A_346 = arith.constant 0 : i32
      %dma_start3A_347 = tpu.memref_slice %arg5[%squeeze3A_330, %squeeze3A_332, %dma_start3A_346] : memref<12500x8x64xf32, #tpu.memory_space<hbm>> -> memref<1x1x64xf32, #tpu.memory_space<hbm>>
      %dma_start3A_348 = tpu.memref_squeeze %dma_start3A_347 : memref<1x1x64xf32, #tpu.memory_space<hbm>> -> memref<64xf32, #tpu.memory_space<hbm>>
      tpu.enqueue_dma source(%dma_start3A_348 : memref<64xf32, #tpu.memory_space<hbm>>) target(%dma_start3A_345 : memref<64xf32, #tpu.memory_space<vmem>>) target_semaphore(%arg12 : memref<!tpu.dma_semaphore, #tpu.memory_space<semaphore_mem>>)
      %slice3A_349 = vector.extract_strided_slice %shift_right_logical3A_63 {offsets = [7], sizes = [1], strides = [1]} : vector<16xi32> to vector<1xi32>
      %squeeze3A_350 = vector.extract %slice3A_349[0] : i32 from vector<1xi32>
      %slice3A_351 = vector.extract_strided_slice %and3A_65 {offsets = [7], sizes = [1], strides = [1]} : vector<16xi32> to vector<1xi32>
      %squeeze3A_352 = vector.extract %slice3A_351[0] : i32 from vector<1xi32>
      %mul3A_353 = arith.constant 16 : i32
      %mul3A_354 = arith.muli %scan3A_47, %mul3A_353 : i32
      %add3A_355 = arith.constant 7 : i32
      %add3A_356 = arith.addi %mul3A_354, %add3A_355 : i32
      %dma_start3A_357 = arith.constant 0 : i32
      %dma_start3A_358 = tpu.memref_slice %arg10[%add3A_356, %dma_start3A_357] : memref<256x64xf32, #tpu.memory_space<vmem>> -> memref<1x64xf32, #tpu.memory_space<vmem>>
      %dma_start3A_359 = tpu.memref_squeeze %dma_start3A_358 : memref<1x64xf32, #tpu.memory_space<vmem>> -> memref<64xf32, #tpu.memory_space<vmem>>
      %dma_start3A_360 = arith.constant 0 : i32
      %dma_start3A_361 = tpu.memref_slice %arg4[%squeeze3A_350, %squeeze3A_352, %dma_start3A_360] : memref<125000x8x64xf32, #tpu.memory_space<hbm>> -> memref<1x1x64xf32, #tpu.memory_space<hbm>>
      %dma_start3A_362 = tpu.memref_squeeze %dma_start3A_361 : memref<1x1x64xf32, #tpu.memory_space<hbm>> -> memref<64xf32, #tpu.memory_space<hbm>>
      %dma_start3A_363 = arith.constant 0 : i32
      %dma_start3A_364 = tpu.memref_slice %arg10[%add3A_356, %dma_start3A_363] : memref<256x64xf32, #tpu.memory_space<vmem>> -> memref<1x64xf32, #tpu.memory_space<vmem>>
      %dma_start3A_365 = tpu.memref_squeeze %dma_start3A_364 : memref<1x64xf32, #tpu.memory_space<vmem>> -> memref<64xf32, #tpu.memory_space<vmem>>
      %dma_start3A_366 = arith.constant 0 : i32
      %dma_start3A_367 = tpu.memref_slice %arg4[%squeeze3A_350, %squeeze3A_352, %dma_start3A_366] : memref<125000x8x64xf32, #tpu.memory_space<hbm>> -> memref<1x1x64xf32, #tpu.memory_space<hbm>>
      %dma_start3A_368 = tpu.memref_squeeze %dma_start3A_367 : memref<1x1x64xf32, #tpu.memory_space<hbm>> -> memref<64xf32, #tpu.memory_space<hbm>>
      tpu.enqueue_dma source(%dma_start3A_368 : memref<64xf32, #tpu.memory_space<hbm>>) target(%dma_start3A_365 : memref<64xf32, #tpu.memory_space<vmem>>) target_semaphore(%arg12 : memref<!tpu.dma_semaphore, #tpu.memory_space<semaphore_mem>>)
      %slice3A_369 = vector.extract_strided_slice %shift_right_logical3A_68 {offsets = [7], sizes = [1], strides = [1]} : vector<16xi32> to vector<1xi32>
      %squeeze3A_370 = vector.extract %slice3A_369[0] : i32 from vector<1xi32>
      %slice3A_371 = vector.extract_strided_slice %and3A_71 {offsets = [7], sizes = [1], strides = [1]} : vector<16xi32> to vector<1xi32>
      %squeeze3A_372 = vector.extract %slice3A_371[0] : i32 from vector<1xi32>
      %mul3A_373 = arith.constant 16 : i32
      %mul3A_374 = arith.muli %scan3A_47, %mul3A_373 : i32
      %add3A_375 = arith.constant 7 : i32
      %add3A_376 = arith.addi %mul3A_374, %add3A_375 : i32
      %dma_start3A_377 = arith.constant 0 : i32
      %dma_start3A_378 = tpu.memref_slice %arg11[%add3A_376, %dma_start3A_377] : memref<256x64xf32, #tpu.memory_space<vmem>> -> memref<1x64xf32, #tpu.memory_space<vmem>>
      %dma_start3A_379 = tpu.memref_squeeze %dma_start3A_378 : memref<1x64xf32, #tpu.memory_space<vmem>> -> memref<64xf32, #tpu.memory_space<vmem>>
      %dma_start3A_380 = arith.constant 0 : i32
      %dma_start3A_381 = tpu.memref_slice %arg5[%squeeze3A_370, %squeeze3A_372, %dma_start3A_380] : memref<12500x8x64xf32, #tpu.memory_space<hbm>> -> memref<1x1x64xf32, #tpu.memory_space<hbm>>
      %dma_start3A_382 = tpu.memref_squeeze %dma_start3A_381 : memref<1x1x64xf32, #tpu.memory_space<hbm>> -> memref<64xf32, #tpu.memory_space<hbm>>
      %dma_start3A_383 = arith.constant 0 : i32
      %dma_start3A_384 = tpu.memref_slice %arg11[%add3A_376, %dma_start3A_383] : memref<256x64xf32, #tpu.memory_space<vmem>> -> memref<1x64xf32, #tpu.memory_space<vmem>>
      %dma_start3A_385 = tpu.memref_squeeze %dma_start3A_384 : memref<1x64xf32, #tpu.memory_space<vmem>> -> memref<64xf32, #tpu.memory_space<vmem>>
      %dma_start3A_386 = arith.constant 0 : i32
      %dma_start3A_387 = tpu.memref_slice %arg5[%squeeze3A_370, %squeeze3A_372, %dma_start3A_386] : memref<12500x8x64xf32, #tpu.memory_space<hbm>> -> memref<1x1x64xf32, #tpu.memory_space<hbm>>
      %dma_start3A_388 = tpu.memref_squeeze %dma_start3A_387 : memref<1x1x64xf32, #tpu.memory_space<hbm>> -> memref<64xf32, #tpu.memory_space<hbm>>
      tpu.enqueue_dma source(%dma_start3A_388 : memref<64xf32, #tpu.memory_space<hbm>>) target(%dma_start3A_385 : memref<64xf32, #tpu.memory_space<vmem>>) target_semaphore(%arg12 : memref<!tpu.dma_semaphore, #tpu.memory_space<semaphore_mem>>)
      %slice3A_389 = vector.extract_strided_slice %shift_right_logical3A_63 {offsets = [8], sizes = [1], strides = [1]} : vector<16xi32> to vector<1xi32>
      %squeeze3A_390 = vector.extract %slice3A_389[0] : i32 from vector<1xi32>
      %slice3A_391 = vector.extract_strided_slice %and3A_65 {offsets = [8], sizes = [1], strides = [1]} : vector<16xi32> to vector<1xi32>
      %squeeze3A_392 = vector.extract %slice3A_391[0] : i32 from vector<1xi32>
      %mul3A_393 = arith.constant 16 : i32
      %mul3A_394 = arith.muli %scan3A_47, %mul3A_393 : i32
      %add3A_395 = arith.constant 8 : i32
      %add3A_396 = arith.addi %mul3A_394, %add3A_395 : i32
      %dma_start3A_397 = arith.constant 0 : i32
      %dma_start3A_398 = tpu.memref_slice %arg10[%add3A_396, %dma_start3A_397] : memref<256x64xf32, #tpu.memory_space<vmem>> -> memref<1x64xf32, #tpu.memory_space<vmem>>
      %dma_start3A_399 = tpu.memref_squeeze %dma_start3A_398 : memref<1x64xf32, #tpu.memory_space<vmem>> -> memref<64xf32, #tpu.memory_space<vmem>>
      %dma_start3A_400 = arith.constant 0 : i32
      %dma_start3A_401 = tpu.memref_slice %arg4[%squeeze3A_390, %squeeze3A_392, %dma_start3A_400] : memref<125000x8x64xf32, #tpu.memory_space<hbm>> -> memref<1x1x64xf32, #tpu.memory_space<hbm>>
      %dma_start3A_402 = tpu.memref_squeeze %dma_start3A_401 : memref<1x1x64xf32, #tpu.memory_space<hbm>> -> memref<64xf32, #tpu.memory_space<hbm>>
      %dma_start3A_403 = arith.constant 0 : i32
      %dma_start3A_404 = tpu.memref_slice %arg10[%add3A_396, %dma_start3A_403] : memref<256x64xf32, #tpu.memory_space<vmem>> -> memref<1x64xf32, #tpu.memory_space<vmem>>
      %dma_start3A_405 = tpu.memref_squeeze %dma_start3A_404 : memref<1x64xf32, #tpu.memory_space<vmem>> -> memref<64xf32, #tpu.memory_space<vmem>>
      %dma_start3A_406 = arith.constant 0 : i32
      %dma_start3A_407 = tpu.memref_slice %arg4[%squeeze3A_390, %squeeze3A_392, %dma_start3A_406] : memref<125000x8x64xf32, #tpu.memory_space<hbm>> -> memref<1x1x64xf32, #tpu.memory_space<hbm>>
      %dma_start3A_408 = tpu.memref_squeeze %dma_start3A_407 : memref<1x1x64xf32, #tpu.memory_space<hbm>> -> memref<64xf32, #tpu.memory_space<hbm>>
      tpu.enqueue_dma source(%dma_start3A_408 : memref<64xf32, #tpu.memory_space<hbm>>) target(%dma_start3A_405 : memref<64xf32, #tpu.memory_space<vmem>>) target_semaphore(%arg12 : memref<!tpu.dma_semaphore, #tpu.memory_space<semaphore_mem>>)
      %slice3A_409 = vector.extract_strided_slice %shift_right_logical3A_68 {offsets = [8], sizes = [1], strides = [1]} : vector<16xi32> to vector<1xi32>
      %squeeze3A_410 = vector.extract %slice3A_409[0] : i32 from vector<1xi32>
      %slice3A_411 = vector.extract_strided_slice %and3A_71 {offsets = [8], sizes = [1], strides = [1]} : vector<16xi32> to vector<1xi32>
      %squeeze3A_412 = vector.extract %slice3A_411[0] : i32 from vector<1xi32>
      %mul3A_413 = arith.constant 16 : i32
      %mul3A_414 = arith.muli %scan3A_47, %mul3A_413 : i32
      %add3A_415 = arith.constant 8 : i32
      %add3A_416 = arith.addi %mul3A_414, %add3A_415 : i32
      %dma_start3A_417 = arith.constant 0 : i32
      %dma_start3A_418 = tpu.memref_slice %arg11[%add3A_416, %dma_start3A_417] : memref<256x64xf32, #tpu.memory_space<vmem>> -> memref<1x64xf32, #tpu.memory_space<vmem>>
      %dma_start3A_419 = tpu.memref_squeeze %dma_start3A_418 : memref<1x64xf32, #tpu.memory_space<vmem>> -> memref<64xf32, #tpu.memory_space<vmem>>
      %dma_start3A_420 = arith.constant 0 : i32
      %dma_start3A_421 = tpu.memref_slice %arg5[%squeeze3A_410, %squeeze3A_412, %dma_start3A_420] : memref<12500x8x64xf32, #tpu.memory_space<hbm>> -> memref<1x1x64xf32, #tpu.memory_space<hbm>>
      %dma_start3A_422 = tpu.memref_squeeze %dma_start3A_421 : memref<1x1x64xf32, #tpu.memory_space<hbm>> -> memref<64xf32, #tpu.memory_space<hbm>>
      %dma_start3A_423 = arith.constant 0 : i32
      %dma_start3A_424 = tpu.memref_slice %arg11[%add3A_416, %dma_start3A_423] : memref<256x64xf32, #tpu.memory_space<vmem>> -> memref<1x64xf32, #tpu.memory_space<vmem>>
      %dma_start3A_425 = tpu.memref_squeeze %dma_start3A_424 : memref<1x64xf32, #tpu.memory_space<vmem>> -> memref<64xf32, #tpu.memory_space<vmem>>
      %dma_start3A_426 = arith.constant 0 : i32
      %dma_start3A_427 = tpu.memref_slice %arg5[%squeeze3A_410, %squeeze3A_412, %dma_start3A_426] : memref<12500x8x64xf32, #tpu.memory_space<hbm>> -> memref<1x1x64xf32, #tpu.memory_space<hbm>>
      %dma_start3A_428 = tpu.memref_squeeze %dma_start3A_427 : memref<1x1x64xf32, #tpu.memory_space<hbm>> -> memref<64xf32, #tpu.memory_space<hbm>>
      tpu.enqueue_dma source(%dma_start3A_428 : memref<64xf32, #tpu.memory_space<hbm>>) target(%dma_start3A_425 : memref<64xf32, #tpu.memory_space<vmem>>) target_semaphore(%arg12 : memref<!tpu.dma_semaphore, #tpu.memory_space<semaphore_mem>>)
      %slice3A_429 = vector.extract_strided_slice %shift_right_logical3A_63 {offsets = [9], sizes = [1], strides = [1]} : vector<16xi32> to vector<1xi32>
      %squeeze3A_430 = vector.extract %slice3A_429[0] : i32 from vector<1xi32>
      %slice3A_431 = vector.extract_strided_slice %and3A_65 {offsets = [9], sizes = [1], strides = [1]} : vector<16xi32> to vector<1xi32>
      %squeeze3A_432 = vector.extract %slice3A_431[0] : i32 from vector<1xi32>
      %mul3A_433 = arith.constant 16 : i32
      %mul3A_434 = arith.muli %scan3A_47, %mul3A_433 : i32
      %add3A_435 = arith.constant 9 : i32
      %add3A_436 = arith.addi %mul3A_434, %add3A_435 : i32
      %dma_start3A_437 = arith.constant 0 : i32
      %dma_start3A_438 = tpu.memref_slice %arg10[%add3A_436, %dma_start3A_437] : memref<256x64xf32, #tpu.memory_space<vmem>> -> memref<1x64xf32, #tpu.memory_space<vmem>>
      %dma_start3A_439 = tpu.memref_squeeze %dma_start3A_438 : memref<1x64xf32, #tpu.memory_space<vmem>> -> memref<64xf32, #tpu.memory_space<vmem>>
      %dma_start3A_440 = arith.constant 0 : i32
      %dma_start3A_441 = tpu.memref_slice %arg4[%squeeze3A_430, %squeeze3A_432, %dma_start3A_440] : memref<125000x8x64xf32, #tpu.memory_space<hbm>> -> memref<1x1x64xf32, #tpu.memory_space<hbm>>
      %dma_start3A_442 = tpu.memref_squeeze %dma_start3A_441 : memref<1x1x64xf32, #tpu.memory_space<hbm>> -> memref<64xf32, #tpu.memory_space<hbm>>
      %dma_start3A_443 = arith.constant 0 : i32
      %dma_start3A_444 = tpu.memref_slice %arg10[%add3A_436, %dma_start3A_443] : memref<256x64xf32, #tpu.memory_space<vmem>> -> memref<1x64xf32, #tpu.memory_space<vmem>>
      %dma_start3A_445 = tpu.memref_squeeze %dma_start3A_444 : memref<1x64xf32, #tpu.memory_space<vmem>> -> memref<64xf32, #tpu.memory_space<vmem>>
      %dma_start3A_446 = arith.constant 0 : i32
      %dma_start3A_447 = tpu.memref_slice %arg4[%squeeze3A_430, %squeeze3A_432, %dma_start3A_446] : memref<125000x8x64xf32, #tpu.memory_space<hbm>> -> memref<1x1x64xf32, #tpu.memory_space<hbm>>
      %dma_start3A_448 = tpu.memref_squeeze %dma_start3A_447 : memref<1x1x64xf32, #tpu.memory_space<hbm>> -> memref<64xf32, #tpu.memory_space<hbm>>
      tpu.enqueue_dma source(%dma_start3A_448 : memref<64xf32, #tpu.memory_space<hbm>>) target(%dma_start3A_445 : memref<64xf32, #tpu.memory_space<vmem>>) target_semaphore(%arg12 : memref<!tpu.dma_semaphore, #tpu.memory_space<semaphore_mem>>)
      %slice3A_449 = vector.extract_strided_slice %shift_right_logical3A_68 {offsets = [9], sizes = [1], strides = [1]} : vector<16xi32> to vector<1xi32>
      %squeeze3A_450 = vector.extract %slice3A_449[0] : i32 from vector<1xi32>
      %slice3A_451 = vector.extract_strided_slice %and3A_71 {offsets = [9], sizes = [1], strides = [1]} : vector<16xi32> to vector<1xi32>
      %squeeze3A_452 = vector.extract %slice3A_451[0] : i32 from vector<1xi32>
      %mul3A_453 = arith.constant 16 : i32
      %mul3A_454 = arith.muli %scan3A_47, %mul3A_453 : i32
      %add3A_455 = arith.constant 9 : i32
      %add3A_456 = arith.addi %mul3A_454, %add3A_455 : i32
      %dma_start3A_457 = arith.constant 0 : i32
      %dma_start3A_458 = tpu.memref_slice %arg11[%add3A_456, %dma_start3A_457] : memref<256x64xf32, #tpu.memory_space<vmem>> -> memref<1x64xf32, #tpu.memory_space<vmem>>
      %dma_start3A_459 = tpu.memref_squeeze %dma_start3A_458 : memref<1x64xf32, #tpu.memory_space<vmem>> -> memref<64xf32, #tpu.memory_space<vmem>>
      %dma_start3A_460 = arith.constant 0 : i32
      %dma_start3A_461 = tpu.memref_slice %arg5[%squeeze3A_450, %squeeze3A_452, %dma_start3A_460] : memref<12500x8x64xf32, #tpu.memory_space<hbm>> -> memref<1x1x64xf32, #tpu.memory_space<hbm>>
      %dma_start3A_462 = tpu.memref_squeeze %dma_start3A_461 : memref<1x1x64xf32, #tpu.memory_space<hbm>> -> memref<64xf32, #tpu.memory_space<hbm>>
      %dma_start3A_463 = arith.constant 0 : i32
      %dma_start3A_464 = tpu.memref_slice %arg11[%add3A_456, %dma_start3A_463] : memref<256x64xf32, #tpu.memory_space<vmem>> -> memref<1x64xf32, #tpu.memory_space<vmem>>
      %dma_start3A_465 = tpu.memref_squeeze %dma_start3A_464 : memref<1x64xf32, #tpu.memory_space<vmem>> -> memref<64xf32, #tpu.memory_space<vmem>>
      %dma_start3A_466 = arith.constant 0 : i32
      %dma_start3A_467 = tpu.memref_slice %arg5[%squeeze3A_450, %squeeze3A_452, %dma_start3A_466] : memref<12500x8x64xf32, #tpu.memory_space<hbm>> -> memref<1x1x64xf32, #tpu.memory_space<hbm>>
      %dma_start3A_468 = tpu.memref_squeeze %dma_start3A_467 : memref<1x1x64xf32, #tpu.memory_space<hbm>> -> memref<64xf32, #tpu.memory_space<hbm>>
      tpu.enqueue_dma source(%dma_start3A_468 : memref<64xf32, #tpu.memory_space<hbm>>) target(%dma_start3A_465 : memref<64xf32, #tpu.memory_space<vmem>>) target_semaphore(%arg12 : memref<!tpu.dma_semaphore, #tpu.memory_space<semaphore_mem>>)
      %slice3A_469 = vector.extract_strided_slice %shift_right_logical3A_63 {offsets = [10], sizes = [1], strides = [1]} : vector<16xi32> to vector<1xi32>
      %squeeze3A_470 = vector.extract %slice3A_469[0] : i32 from vector<1xi32>
      %slice3A_471 = vector.extract_strided_slice %and3A_65 {offsets = [10], sizes = [1], strides = [1]} : vector<16xi32> to vector<1xi32>
      %squeeze3A_472 = vector.extract %slice3A_471[0] : i32 from vector<1xi32>
      %mul3A_473 = arith.constant 16 : i32
      %mul3A_474 = arith.muli %scan3A_47, %mul3A_473 : i32
      %add3A_475 = arith.constant 10 : i32
      %add3A_476 = arith.addi %mul3A_474, %add3A_475 : i32
      %dma_start3A_477 = arith.constant 0 : i32
      %dma_start3A_478 = tpu.memref_slice %arg10[%add3A_476, %dma_start3A_477] : memref<256x64xf32, #tpu.memory_space<vmem>> -> memref<1x64xf32, #tpu.memory_space<vmem>>
      %dma_start3A_479 = tpu.memref_squeeze %dma_start3A_478 : memref<1x64xf32, #tpu.memory_space<vmem>> -> memref<64xf32, #tpu.memory_space<vmem>>
      %dma_start3A_480 = arith.constant 0 : i32
      %dma_start3A_481 = tpu.memref_slice %arg4[%squeeze3A_470, %squeeze3A_472, %dma_start3A_480] : memref<125000x8x64xf32, #tpu.memory_space<hbm>> -> memref<1x1x64xf32, #tpu.memory_space<hbm>>
      %dma_start3A_482 = tpu.memref_squeeze %dma_start3A_481 : memref<1x1x64xf32, #tpu.memory_space<hbm>> -> memref<64xf32, #tpu.memory_space<hbm>>
      %dma_start3A_483 = arith.constant 0 : i32
      %dma_start3A_484 = tpu.memref_slice %arg10[%add3A_476, %dma_start3A_483] : memref<256x64xf32, #tpu.memory_space<vmem>> -> memref<1x64xf32, #tpu.memory_space<vmem>>
      %dma_start3A_485 = tpu.memref_squeeze %dma_start3A_484 : memref<1x64xf32, #tpu.memory_space<vmem>> -> memref<64xf32, #tpu.memory_space<vmem>>
      %dma_start3A_486 = arith.constant 0 : i32
      %dma_start3A_487 = tpu.memref_slice %arg4[%squeeze3A_470, %squeeze3A_472, %dma_start3A_486] : memref<125000x8x64xf32, #tpu.memory_space<hbm>> -> memref<1x1x64xf32, #tpu.memory_space<hbm>>
      %dma_start3A_488 = tpu.memref_squeeze %dma_start3A_487 : memref<1x1x64xf32, #tpu.memory_space<hbm>> -> memref<64xf32, #tpu.memory_space<hbm>>
      tpu.enqueue_dma source(%dma_start3A_488 : memref<64xf32, #tpu.memory_space<hbm>>) target(%dma_start3A_485 : memref<64xf32, #tpu.memory_space<vmem>>) target_semaphore(%arg12 : memref<!tpu.dma_semaphore, #tpu.memory_space<semaphore_mem>>)
      %slice3A_489 = vector.extract_strided_slice %shift_right_logical3A_68 {offsets = [10], sizes = [1], strides = [1]} : vector<16xi32> to vector<1xi32>
      %squeeze3A_490 = vector.extract %slice3A_489[0] : i32 from vector<1xi32>
      %slice3A_491 = vector.extract_strided_slice %and3A_71 {offsets = [10], sizes = [1], strides = [1]} : vector<16xi32> to vector<1xi32>
      %squeeze3A_492 = vector.extract %slice3A_491[0] : i32 from vector<1xi32>
      %mul3A_493 = arith.constant 16 : i32
      %mul3A_494 = arith.muli %scan3A_47, %mul3A_493 : i32
      %add3A_495 = arith.constant 10 : i32
      %add3A_496 = arith.addi %mul3A_494, %add3A_495 : i32
      %dma_start3A_497 = arith.constant 0 : i32
      %dma_start3A_498 = tpu.memref_slice %arg11[%add3A_496, %dma_start3A_497] : memref<256x64xf32, #tpu.memory_space<vmem>> -> memref<1x64xf32, #tpu.memory_space<vmem>>
      %dma_start3A_499 = tpu.memref_squeeze %dma_start3A_498 : memref<1x64xf32, #tpu.memory_space<vmem>> -> memref<64xf32, #tpu.memory_space<vmem>>
      %dma_start3A_500 = arith.constant 0 : i32
      %dma_start3A_501 = tpu.memref_slice %arg5[%squeeze3A_490, %squeeze3A_492, %dma_start3A_500] : memref<12500x8x64xf32, #tpu.memory_space<hbm>> -> memref<1x1x64xf32, #tpu.memory_space<hbm>>
      %dma_start3A_502 = tpu.memref_squeeze %dma_start3A_501 : memref<1x1x64xf32, #tpu.memory_space<hbm>> -> memref<64xf32, #tpu.memory_space<hbm>>
      %dma_start3A_503 = arith.constant 0 : i32
      %dma_start3A_504 = tpu.memref_slice %arg11[%add3A_496, %dma_start3A_503] : memref<256x64xf32, #tpu.memory_space<vmem>> -> memref<1x64xf32, #tpu.memory_space<vmem>>
      %dma_start3A_505 = tpu.memref_squeeze %dma_start3A_504 : memref<1x64xf32, #tpu.memory_space<vmem>> -> memref<64xf32, #tpu.memory_space<vmem>>
      %dma_start3A_506 = arith.constant 0 : i32
      %dma_start3A_507 = tpu.memref_slice %arg5[%squeeze3A_490, %squeeze3A_492, %dma_start3A_506] : memref<12500x8x64xf32, #tpu.memory_space<hbm>> -> memref<1x1x64xf32, #tpu.memory_space<hbm>>
      %dma_start3A_508 = tpu.memref_squeeze %dma_start3A_507 : memref<1x1x64xf32, #tpu.memory_space<hbm>> -> memref<64xf32, #tpu.memory_space<hbm>>
      tpu.enqueue_dma source(%dma_start3A_508 : memref<64xf32, #tpu.memory_space<hbm>>) target(%dma_start3A_505 : memref<64xf32, #tpu.memory_space<vmem>>) target_semaphore(%arg12 : memref<!tpu.dma_semaphore, #tpu.memory_space<semaphore_mem>>)
      %slice3A_509 = vector.extract_strided_slice %shift_right_logical3A_63 {offsets = [11], sizes = [1], strides = [1]} : vector<16xi32> to vector<1xi32>
      %squeeze3A_510 = vector.extract %slice3A_509[0] : i32 from vector<1xi32>
      %slice3A_511 = vector.extract_strided_slice %and3A_65 {offsets = [11], sizes = [1], strides = [1]} : vector<16xi32> to vector<1xi32>
      %squeeze3A_512 = vector.extract %slice3A_511[0] : i32 from vector<1xi32>
      %mul3A_513 = arith.constant 16 : i32
      %mul3A_514 = arith.muli %scan3A_47, %mul3A_513 : i32
      %add3A_515 = arith.constant 11 : i32
      %add3A_516 = arith.addi %mul3A_514, %add3A_515 : i32
      %dma_start3A_517 = arith.constant 0 : i32
      %dma_start3A_518 = tpu.memref_slice %arg10[%add3A_516, %dma_start3A_517] : memref<256x64xf32, #tpu.memory_space<vmem>> -> memref<1x64xf32, #tpu.memory_space<vmem>>
      %dma_start3A_519 = tpu.memref_squeeze %dma_start3A_518 : memref<1x64xf32, #tpu.memory_space<vmem>> -> memref<64xf32, #tpu.memory_space<vmem>>
      %dma_start3A_520 = arith.constant 0 : i32
      %dma_start3A_521 = tpu.memref_slice %arg4[%squeeze3A_510, %squeeze3A_512, %dma_start3A_520] : memref<125000x8x64xf32, #tpu.memory_space<hbm>> -> memref<1x1x64xf32, #tpu.memory_space<hbm>>
      %dma_start3A_522 = tpu.memref_squeeze %dma_start3A_521 : memref<1x1x64xf32, #tpu.memory_space<hbm>> -> memref<64xf32, #tpu.memory_space<hbm>>
      %dma_start3A_523 = arith.constant 0 : i32
      %dma_start3A_524 = tpu.memref_slice %arg10[%add3A_516, %dma_start3A_523] : memref<256x64xf32, #tpu.memory_space<vmem>> -> memref<1x64xf32, #tpu.memory_space<vmem>>
      %dma_start3A_525 = tpu.memref_squeeze %dma_start3A_524 : memref<1x64xf32, #tpu.memory_space<vmem>> -> memref<64xf32, #tpu.memory_space<vmem>>
      %dma_start3A_526 = arith.constant 0 : i32
      %dma_start3A_527 = tpu.memref_slice %arg4[%squeeze3A_510, %squeeze3A_512, %dma_start3A_526] : memref<125000x8x64xf32, #tpu.memory_space<hbm>> -> memref<1x1x64xf32, #tpu.memory_space<hbm>>
      %dma_start3A_528 = tpu.memref_squeeze %dma_start3A_527 : memref<1x1x64xf32, #tpu.memory_space<hbm>> -> memref<64xf32, #tpu.memory_space<hbm>>
      tpu.enqueue_dma source(%dma_start3A_528 : memref<64xf32, #tpu.memory_space<hbm>>) target(%dma_start3A_525 : memref<64xf32, #tpu.memory_space<vmem>>) target_semaphore(%arg12 : memref<!tpu.dma_semaphore, #tpu.memory_space<semaphore_mem>>)
      %slice3A_529 = vector.extract_strided_slice %shift_right_logical3A_68 {offsets = [11], sizes = [1], strides = [1]} : vector<16xi32> to vector<1xi32>
      %squeeze3A_530 = vector.extract %slice3A_529[0] : i32 from vector<1xi32>
      %slice3A_531 = vector.extract_strided_slice %and3A_71 {offsets = [11], sizes = [1], strides = [1]} : vector<16xi32> to vector<1xi32>
      %squeeze3A_532 = vector.extract %slice3A_531[0] : i32 from vector<1xi32>
      %mul3A_533 = arith.constant 16 : i32
      %mul3A_534 = arith.muli %scan3A_47, %mul3A_533 : i32
      %add3A_535 = arith.constant 11 : i32
      %add3A_536 = arith.addi %mul3A_534, %add3A_535 : i32
      %dma_start3A_537 = arith.constant 0 : i32
      %dma_start3A_538 = tpu.memref_slice %arg11[%add3A_536, %dma_start3A_537] : memref<256x64xf32, #tpu.memory_space<vmem>> -> memref<1x64xf32, #tpu.memory_space<vmem>>
      %dma_start3A_539 = tpu.memref_squeeze %dma_start3A_538 : memref<1x64xf32, #tpu.memory_space<vmem>> -> memref<64xf32, #tpu.memory_space<vmem>>
      %dma_start3A_540 = arith.constant 0 : i32
      %dma_start3A_541 = tpu.memref_slice %arg5[%squeeze3A_530, %squeeze3A_532, %dma_start3A_540] : memref<12500x8x64xf32, #tpu.memory_space<hbm>> -> memref<1x1x64xf32, #tpu.memory_space<hbm>>
      %dma_start3A_542 = tpu.memref_squeeze %dma_start3A_541 : memref<1x1x64xf32, #tpu.memory_space<hbm>> -> memref<64xf32, #tpu.memory_space<hbm>>
      %dma_start3A_543 = arith.constant 0 : i32
      %dma_start3A_544 = tpu.memref_slice %arg11[%add3A_536, %dma_start3A_543] : memref<256x64xf32, #tpu.memory_space<vmem>> -> memref<1x64xf32, #tpu.memory_space<vmem>>
      %dma_start3A_545 = tpu.memref_squeeze %dma_start3A_544 : memref<1x64xf32, #tpu.memory_space<vmem>> -> memref<64xf32, #tpu.memory_space<vmem>>
      %dma_start3A_546 = arith.constant 0 : i32
      %dma_start3A_547 = tpu.memref_slice %arg5[%squeeze3A_530, %squeeze3A_532, %dma_start3A_546] : memref<12500x8x64xf32, #tpu.memory_space<hbm>> -> memref<1x1x64xf32, #tpu.memory_space<hbm>>
      %dma_start3A_548 = tpu.memref_squeeze %dma_start3A_547 : memref<1x1x64xf32, #tpu.memory_space<hbm>> -> memref<64xf32, #tpu.memory_space<hbm>>
      tpu.enqueue_dma source(%dma_start3A_548 : memref<64xf32, #tpu.memory_space<hbm>>) target(%dma_start3A_545 : memref<64xf32, #tpu.memory_space<vmem>>) target_semaphore(%arg12 : memref<!tpu.dma_semaphore, #tpu.memory_space<semaphore_mem>>)
      %slice3A_549 = vector.extract_strided_slice %shift_right_logical3A_63 {offsets = [12], sizes = [1], strides = [1]} : vector<16xi32> to vector<1xi32>
      %squeeze3A_550 = vector.extract %slice3A_549[0] : i32 from vector<1xi32>
      %slice3A_551 = vector.extract_strided_slice %and3A_65 {offsets = [12], sizes = [1], strides = [1]} : vector<16xi32> to vector<1xi32>
      %squeeze3A_552 = vector.extract %slice3A_551[0] : i32 from vector<1xi32>
      %mul3A_553 = arith.constant 16 : i32
      %mul3A_554 = arith.muli %scan3A_47, %mul3A_553 : i32
      %add3A_555 = arith.constant 12 : i32
      %add3A_556 = arith.addi %mul3A_554, %add3A_555 : i32
      %dma_start3A_557 = arith.constant 0 : i32
      %dma_start3A_558 = tpu.memref_slice %arg10[%add3A_556, %dma_start3A_557] : memref<256x64xf32, #tpu.memory_space<vmem>> -> memref<1x64xf32, #tpu.memory_space<vmem>>
      %dma_start3A_559 = tpu.memref_squeeze %dma_start3A_558 : memref<1x64xf32, #tpu.memory_space<vmem>> -> memref<64xf32, #tpu.memory_space<vmem>>
      %dma_start3A_560 = arith.constant 0 : i32
      %dma_start3A_561 = tpu.memref_slice %arg4[%squeeze3A_550, %squeeze3A_552, %dma_start3A_560] : memref<125000x8x64xf32, #tpu.memory_space<hbm>> -> memref<1x1x64xf32, #tpu.memory_space<hbm>>
      %dma_start3A_562 = tpu.memref_squeeze %dma_start3A_561 : memref<1x1x64xf32, #tpu.memory_space<hbm>> -> memref<64xf32, #tpu.memory_space<hbm>>
      %dma_start3A_563 = arith.constant 0 : i32
      %dma_start3A_564 = tpu.memref_slice %arg10[%add3A_556, %dma_start3A_563] : memref<256x64xf32, #tpu.memory_space<vmem>> -> memref<1x64xf32, #tpu.memory_space<vmem>>
      %dma_start3A_565 = tpu.memref_squeeze %dma_start3A_564 : memref<1x64xf32, #tpu.memory_space<vmem>> -> memref<64xf32, #tpu.memory_space<vmem>>
      %dma_start3A_566 = arith.constant 0 : i32
      %dma_start3A_567 = tpu.memref_slice %arg4[%squeeze3A_550, %squeeze3A_552, %dma_start3A_566] : memref<125000x8x64xf32, #tpu.memory_space<hbm>> -> memref<1x1x64xf32, #tpu.memory_space<hbm>>
      %dma_start3A_568 = tpu.memref_squeeze %dma_start3A_567 : memref<1x1x64xf32, #tpu.memory_space<hbm>> -> memref<64xf32, #tpu.memory_space<hbm>>
      tpu.enqueue_dma source(%dma_start3A_568 : memref<64xf32, #tpu.memory_space<hbm>>) target(%dma_start3A_565 : memref<64xf32, #tpu.memory_space<vmem>>) target_semaphore(%arg12 : memref<!tpu.dma_semaphore, #tpu.memory_space<semaphore_mem>>)
      %slice3A_569 = vector.extract_strided_slice %shift_right_logical3A_68 {offsets = [12], sizes = [1], strides = [1]} : vector<16xi32> to vector<1xi32>
      %squeeze3A_570 = vector.extract %slice3A_569[0] : i32 from vector<1xi32>
      %slice3A_571 = vector.extract_strided_slice %and3A_71 {offsets = [12], sizes = [1], strides = [1]} : vector<16xi32> to vector<1xi32>
      %squeeze3A_572 = vector.extract %slice3A_571[0] : i32 from vector<1xi32>
      %mul3A_573 = arith.constant 16 : i32
      %mul3A_574 = arith.muli %scan3A_47, %mul3A_573 : i32
      %add3A_575 = arith.constant 12 : i32
      %add3A_576 = arith.addi %mul3A_574, %add3A_575 : i32
      %dma_start3A_577 = arith.constant 0 : i32
      %dma_start3A_578 = tpu.memref_slice %arg11[%add3A_576, %dma_start3A_577] : memref<256x64xf32, #tpu.memory_space<vmem>> -> memref<1x64xf32, #tpu.memory_space<vmem>>
      %dma_start3A_579 = tpu.memref_squeeze %dma_start3A_578 : memref<1x64xf32, #tpu.memory_space<vmem>> -> memref<64xf32, #tpu.memory_space<vmem>>
      %dma_start3A_580 = arith.constant 0 : i32
      %dma_start3A_581 = tpu.memref_slice %arg5[%squeeze3A_570, %squeeze3A_572, %dma_start3A_580] : memref<12500x8x64xf32, #tpu.memory_space<hbm>> -> memref<1x1x64xf32, #tpu.memory_space<hbm>>
      %dma_start3A_582 = tpu.memref_squeeze %dma_start3A_581 : memref<1x1x64xf32, #tpu.memory_space<hbm>> -> memref<64xf32, #tpu.memory_space<hbm>>
      %dma_start3A_583 = arith.constant 0 : i32
      %dma_start3A_584 = tpu.memref_slice %arg11[%add3A_576, %dma_start3A_583] : memref<256x64xf32, #tpu.memory_space<vmem>> -> memref<1x64xf32, #tpu.memory_space<vmem>>
      %dma_start3A_585 = tpu.memref_squeeze %dma_start3A_584 : memref<1x64xf32, #tpu.memory_space<vmem>> -> memref<64xf32, #tpu.memory_space<vmem>>
      %dma_start3A_586 = arith.constant 0 : i32
      %dma_start3A_587 = tpu.memref_slice %arg5[%squeeze3A_570, %squeeze3A_572, %dma_start3A_586] : memref<12500x8x64xf32, #tpu.memory_space<hbm>> -> memref<1x1x64xf32, #tpu.memory_space<hbm>>
      %dma_start3A_588 = tpu.memref_squeeze %dma_start3A_587 : memref<1x1x64xf32, #tpu.memory_space<hbm>> -> memref<64xf32, #tpu.memory_space<hbm>>
      tpu.enqueue_dma source(%dma_start3A_588 : memref<64xf32, #tpu.memory_space<hbm>>) target(%dma_start3A_585 : memref<64xf32, #tpu.memory_space<vmem>>) target_semaphore(%arg12 : memref<!tpu.dma_semaphore, #tpu.memory_space<semaphore_mem>>)
      %slice3A_589 = vector.extract_strided_slice %shift_right_logical3A_63 {offsets = [13], sizes = [1], strides = [1]} : vector<16xi32> to vector<1xi32>
      %squeeze3A_590 = vector.extract %slice3A_589[0] : i32 from vector<1xi32>
      %slice3A_591 = vector.extract_strided_slice %and3A_65 {offsets = [13], sizes = [1], strides = [1]} : vector<16xi32> to vector<1xi32>
      %squeeze3A_592 = vector.extract %slice3A_591[0] : i32 from vector<1xi32>
      %mul3A_593 = arith.constant 16 : i32
      %mul3A_594 = arith.muli %scan3A_47, %mul3A_593 : i32
      %add3A_595 = arith.constant 13 : i32
      %add3A_596 = arith.addi %mul3A_594, %add3A_595 : i32
      %dma_start3A_597 = arith.constant 0 : i32
      %dma_start3A_598 = tpu.memref_slice %arg10[%add3A_596, %dma_start3A_597] : memref<256x64xf32, #tpu.memory_space<vmem>> -> memref<1x64xf32, #tpu.memory_space<vmem>>
      %dma_start3A_599 = tpu.memref_squeeze %dma_start3A_598 : memref<1x64xf32, #tpu.memory_space<vmem>> -> memref<64xf32, #tpu.memory_space<vmem>>
      %dma_start3A_600 = arith.constant 0 : i32
      %dma_start3A_601 = tpu.memref_slice %arg4[%squeeze3A_590, %squeeze3A_592, %dma_start3A_600] : memref<125000x8x64xf32, #tpu.memory_space<hbm>> -> memref<1x1x64xf32, #tpu.memory_space<hbm>>
      %dma_start3A_602 = tpu.memref_squeeze %dma_start3A_601 : memref<1x1x64xf32, #tpu.memory_space<hbm>> -> memref<64xf32, #tpu.memory_space<hbm>>
      %dma_start3A_603 = arith.constant 0 : i32
      %dma_start3A_604 = tpu.memref_slice %arg10[%add3A_596, %dma_start3A_603] : memref<256x64xf32, #tpu.memory_space<vmem>> -> memref<1x64xf32, #tpu.memory_space<vmem>>
      %dma_start3A_605 = tpu.memref_squeeze %dma_start3A_604 : memref<1x64xf32, #tpu.memory_space<vmem>> -> memref<64xf32, #tpu.memory_space<vmem>>
      %dma_start3A_606 = arith.constant 0 : i32
      %dma_start3A_607 = tpu.memref_slice %arg4[%squeeze3A_590, %squeeze3A_592, %dma_start3A_606] : memref<125000x8x64xf32, #tpu.memory_space<hbm>> -> memref<1x1x64xf32, #tpu.memory_space<hbm>>
      %dma_start3A_608 = tpu.memref_squeeze %dma_start3A_607 : memref<1x1x64xf32, #tpu.memory_space<hbm>> -> memref<64xf32, #tpu.memory_space<hbm>>
      tpu.enqueue_dma source(%dma_start3A_608 : memref<64xf32, #tpu.memory_space<hbm>>) target(%dma_start3A_605 : memref<64xf32, #tpu.memory_space<vmem>>) target_semaphore(%arg12 : memref<!tpu.dma_semaphore, #tpu.memory_space<semaphore_mem>>)
      %slice3A_609 = vector.extract_strided_slice %shift_right_logical3A_68 {offsets = [13], sizes = [1], strides = [1]} : vector<16xi32> to vector<1xi32>
      %squeeze3A_610 = vector.extract %slice3A_609[0] : i32 from vector<1xi32>
      %slice3A_611 = vector.extract_strided_slice %and3A_71 {offsets = [13], sizes = [1], strides = [1]} : vector<16xi32> to vector<1xi32>
      %squeeze3A_612 = vector.extract %slice3A_611[0] : i32 from vector<1xi32>
      %mul3A_613 = arith.constant 16 : i32
      %mul3A_614 = arith.muli %scan3A_47, %mul3A_613 : i32
      %add3A_615 = arith.constant 13 : i32
      %add3A_616 = arith.addi %mul3A_614, %add3A_615 : i32
      %dma_start3A_617 = arith.constant 0 : i32
      %dma_start3A_618 = tpu.memref_slice %arg11[%add3A_616, %dma_start3A_617] : memref<256x64xf32, #tpu.memory_space<vmem>> -> memref<1x64xf32, #tpu.memory_space<vmem>>
      %dma_start3A_619 = tpu.memref_squeeze %dma_start3A_618 : memref<1x64xf32, #tpu.memory_space<vmem>> -> memref<64xf32, #tpu.memory_space<vmem>>
      %dma_start3A_620 = arith.constant 0 : i32
      %dma_start3A_621 = tpu.memref_slice %arg5[%squeeze3A_610, %squeeze3A_612, %dma_start3A_620] : memref<12500x8x64xf32, #tpu.memory_space<hbm>> -> memref<1x1x64xf32, #tpu.memory_space<hbm>>
      %dma_start3A_622 = tpu.memref_squeeze %dma_start3A_621 : memref<1x1x64xf32, #tpu.memory_space<hbm>> -> memref<64xf32, #tpu.memory_space<hbm>>
      %dma_start3A_623 = arith.constant 0 : i32
      %dma_start3A_624 = tpu.memref_slice %arg11[%add3A_616, %dma_start3A_623] : memref<256x64xf32, #tpu.memory_space<vmem>> -> memref<1x64xf32, #tpu.memory_space<vmem>>
      %dma_start3A_625 = tpu.memref_squeeze %dma_start3A_624 : memref<1x64xf32, #tpu.memory_space<vmem>> -> memref<64xf32, #tpu.memory_space<vmem>>
      %dma_start3A_626 = arith.constant 0 : i32
      %dma_start3A_627 = tpu.memref_slice %arg5[%squeeze3A_610, %squeeze3A_612, %dma_start3A_626] : memref<12500x8x64xf32, #tpu.memory_space<hbm>> -> memref<1x1x64xf32, #tpu.memory_space<hbm>>
      %dma_start3A_628 = tpu.memref_squeeze %dma_start3A_627 : memref<1x1x64xf32, #tpu.memory_space<hbm>> -> memref<64xf32, #tpu.memory_space<hbm>>
      tpu.enqueue_dma source(%dma_start3A_628 : memref<64xf32, #tpu.memory_space<hbm>>) target(%dma_start3A_625 : memref<64xf32, #tpu.memory_space<vmem>>) target_semaphore(%arg12 : memref<!tpu.dma_semaphore, #tpu.memory_space<semaphore_mem>>)
      %slice3A_629 = vector.extract_strided_slice %shift_right_logical3A_63 {offsets = [14], sizes = [1], strides = [1]} : vector<16xi32> to vector<1xi32>
      %squeeze3A_630 = vector.extract %slice3A_629[0] : i32 from vector<1xi32>
      %slice3A_631 = vector.extract_strided_slice %and3A_65 {offsets = [14], sizes = [1], strides = [1]} : vector<16xi32> to vector<1xi32>
      %squeeze3A_632 = vector.extract %slice3A_631[0] : i32 from vector<1xi32>
      %mul3A_633 = arith.constant 16 : i32
      %mul3A_634 = arith.muli %scan3A_47, %mul3A_633 : i32
      %add3A_635 = arith.constant 14 : i32
      %add3A_636 = arith.addi %mul3A_634, %add3A_635 : i32
      %dma_start3A_637 = arith.constant 0 : i32
      %dma_start3A_638 = tpu.memref_slice %arg10[%add3A_636, %dma_start3A_637] : memref<256x64xf32, #tpu.memory_space<vmem>> -> memref<1x64xf32, #tpu.memory_space<vmem>>
      %dma_start3A_639 = tpu.memref_squeeze %dma_start3A_638 : memref<1x64xf32, #tpu.memory_space<vmem>> -> memref<64xf32, #tpu.memory_space<vmem>>
      %dma_start3A_640 = arith.constant 0 : i32
      %dma_start3A_641 = tpu.memref_slice %arg4[%squeeze3A_630, %squeeze3A_632, %dma_start3A_640] : memref<125000x8x64xf32, #tpu.memory_space<hbm>> -> memref<1x1x64xf32, #tpu.memory_space<hbm>>
      %dma_start3A_642 = tpu.memref_squeeze %dma_start3A_641 : memref<1x1x64xf32, #tpu.memory_space<hbm>> -> memref<64xf32, #tpu.memory_space<hbm>>
      %dma_start3A_643 = arith.constant 0 : i32
      %dma_start3A_644 = tpu.memref_slice %arg10[%add3A_636, %dma_start3A_643] : memref<256x64xf32, #tpu.memory_space<vmem>> -> memref<1x64xf32, #tpu.memory_space<vmem>>
      %dma_start3A_645 = tpu.memref_squeeze %dma_start3A_644 : memref<1x64xf32, #tpu.memory_space<vmem>> -> memref<64xf32, #tpu.memory_space<vmem>>
      %dma_start3A_646 = arith.constant 0 : i32
      %dma_start3A_647 = tpu.memref_slice %arg4[%squeeze3A_630, %squeeze3A_632, %dma_start3A_646] : memref<125000x8x64xf32, #tpu.memory_space<hbm>> -> memref<1x1x64xf32, #tpu.memory_space<hbm>>
      %dma_start3A_648 = tpu.memref_squeeze %dma_start3A_647 : memref<1x1x64xf32, #tpu.memory_space<hbm>> -> memref<64xf32, #tpu.memory_space<hbm>>
      tpu.enqueue_dma source(%dma_start3A_648 : memref<64xf32, #tpu.memory_space<hbm>>) target(%dma_start3A_645 : memref<64xf32, #tpu.memory_space<vmem>>) target_semaphore(%arg12 : memref<!tpu.dma_semaphore, #tpu.memory_space<semaphore_mem>>)
      %slice3A_649 = vector.extract_strided_slice %shift_right_logical3A_68 {offsets = [14], sizes = [1], strides = [1]} : vector<16xi32> to vector<1xi32>
      %squeeze3A_650 = vector.extract %slice3A_649[0] : i32 from vector<1xi32>
      %slice3A_651 = vector.extract_strided_slice %and3A_71 {offsets = [14], sizes = [1], strides = [1]} : vector<16xi32> to vector<1xi32>
      %squeeze3A_652 = vector.extract %slice3A_651[0] : i32 from vector<1xi32>
      %mul3A_653 = arith.constant 16 : i32
      %mul3A_654 = arith.muli %scan3A_47, %mul3A_653 : i32
      %add3A_655 = arith.constant 14 : i32
      %add3A_656 = arith.addi %mul3A_654, %add3A_655 : i32
      %dma_start3A_657 = arith.constant 0 : i32
      %dma_start3A_658 = tpu.memref_slice %arg11[%add3A_656, %dma_start3A_657] : memref<256x64xf32, #tpu.memory_space<vmem>> -> memref<1x64xf32, #tpu.memory_space<vmem>>
      %dma_start3A_659 = tpu.memref_squeeze %dma_start3A_658 : memref<1x64xf32, #tpu.memory_space<vmem>> -> memref<64xf32, #tpu.memory_space<vmem>>
      %dma_start3A_660 = arith.constant 0 : i32
      %dma_start3A_661 = tpu.memref_slice %arg5[%squeeze3A_650, %squeeze3A_652, %dma_start3A_660] : memref<12500x8x64xf32, #tpu.memory_space<hbm>> -> memref<1x1x64xf32, #tpu.memory_space<hbm>>
      %dma_start3A_662 = tpu.memref_squeeze %dma_start3A_661 : memref<1x1x64xf32, #tpu.memory_space<hbm>> -> memref<64xf32, #tpu.memory_space<hbm>>
      %dma_start3A_663 = arith.constant 0 : i32
      %dma_start3A_664 = tpu.memref_slice %arg11[%add3A_656, %dma_start3A_663] : memref<256x64xf32, #tpu.memory_space<vmem>> -> memref<1x64xf32, #tpu.memory_space<vmem>>
      %dma_start3A_665 = tpu.memref_squeeze %dma_start3A_664 : memref<1x64xf32, #tpu.memory_space<vmem>> -> memref<64xf32, #tpu.memory_space<vmem>>
      %dma_start3A_666 = arith.constant 0 : i32
      %dma_start3A_667 = tpu.memref_slice %arg5[%squeeze3A_650, %squeeze3A_652, %dma_start3A_666] : memref<12500x8x64xf32, #tpu.memory_space<hbm>> -> memref<1x1x64xf32, #tpu.memory_space<hbm>>
      %dma_start3A_668 = tpu.memref_squeeze %dma_start3A_667 : memref<1x1x64xf32, #tpu.memory_space<hbm>> -> memref<64xf32, #tpu.memory_space<hbm>>
      tpu.enqueue_dma source(%dma_start3A_668 : memref<64xf32, #tpu.memory_space<hbm>>) target(%dma_start3A_665 : memref<64xf32, #tpu.memory_space<vmem>>) target_semaphore(%arg12 : memref<!tpu.dma_semaphore, #tpu.memory_space<semaphore_mem>>)
      %slice3A_669 = vector.extract_strided_slice %shift_right_logical3A_63 {offsets = [15], sizes = [1], strides = [1]} : vector<16xi32> to vector<1xi32>
      %squeeze3A_670 = vector.extract %slice3A_669[0] : i32 from vector<1xi32>
      %slice3A_671 = vector.extract_strided_slice %and3A_65 {offsets = [15], sizes = [1], strides = [1]} : vector<16xi32> to vector<1xi32>
      %squeeze3A_672 = vector.extract %slice3A_671[0] : i32 from vector<1xi32>
      %mul3A_673 = arith.constant 16 : i32
      %mul3A_674 = arith.muli %scan3A_47, %mul3A_673 : i32
      %add3A_675 = arith.constant 15 : i32
      %add3A_676 = arith.addi %mul3A_674, %add3A_675 : i32
      %dma_start3A_677 = arith.constant 0 : i32
      %dma_start3A_678 = tpu.memref_slice %arg10[%add3A_676, %dma_start3A_677] : memref<256x64xf32, #tpu.memory_space<vmem>> -> memref<1x64xf32, #tpu.memory_space<vmem>>
      %dma_start3A_679 = tpu.memref_squeeze %dma_start3A_678 : memref<1x64xf32, #tpu.memory_space<vmem>> -> memref<64xf32, #tpu.memory_space<vmem>>
      %dma_start3A_680 = arith.constant 0 : i32
      %dma_start3A_681 = tpu.memref_slice %arg4[%squeeze3A_670, %squeeze3A_672, %dma_start3A_680] : memref<125000x8x64xf32, #tpu.memory_space<hbm>> -> memref<1x1x64xf32, #tpu.memory_space<hbm>>
      %dma_start3A_682 = tpu.memref_squeeze %dma_start3A_681 : memref<1x1x64xf32, #tpu.memory_space<hbm>> -> memref<64xf32, #tpu.memory_space<hbm>>
      %dma_start3A_683 = arith.constant 0 : i32
      %dma_start3A_684 = tpu.memref_slice %arg10[%add3A_676, %dma_start3A_683] : memref<256x64xf32, #tpu.memory_space<vmem>> -> memref<1x64xf32, #tpu.memory_space<vmem>>
      %dma_start3A_685 = tpu.memref_squeeze %dma_start3A_684 : memref<1x64xf32, #tpu.memory_space<vmem>> -> memref<64xf32, #tpu.memory_space<vmem>>
      %dma_start3A_686 = arith.constant 0 : i32
      %dma_start3A_687 = tpu.memref_slice %arg4[%squeeze3A_670, %squeeze3A_672, %dma_start3A_686] : memref<125000x8x64xf32, #tpu.memory_space<hbm>> -> memref<1x1x64xf32, #tpu.memory_space<hbm>>
      %dma_start3A_688 = tpu.memref_squeeze %dma_start3A_687 : memref<1x1x64xf32, #tpu.memory_space<hbm>> -> memref<64xf32, #tpu.memory_space<hbm>>
      tpu.enqueue_dma source(%dma_start3A_688 : memref<64xf32, #tpu.memory_space<hbm>>) target(%dma_start3A_685 : memref<64xf32, #tpu.memory_space<vmem>>) target_semaphore(%arg12 : memref<!tpu.dma_semaphore, #tpu.memory_space<semaphore_mem>>)
      %slice3A_689 = vector.extract_strided_slice %shift_right_logical3A_68 {offsets = [15], sizes = [1], strides = [1]} : vector<16xi32> to vector<1xi32>
      %squeeze3A_690 = vector.extract %slice3A_689[0] : i32 from vector<1xi32>
      %slice3A_691 = vector.extract_strided_slice %and3A_71 {offsets = [15], sizes = [1], strides = [1]} : vector<16xi32> to vector<1xi32>
      %squeeze3A_692 = vector.extract %slice3A_691[0] : i32 from vector<1xi32>
      %mul3A_693 = arith.constant 16 : i32
      %mul3A_694 = arith.muli %scan3A_47, %mul3A_693 : i32
      %add3A_695 = arith.constant 15 : i32
      %add3A_696 = arith.addi %mul3A_694, %add3A_695 : i32
      %dma_start3A_697 = arith.constant 0 : i32
      %dma_start3A_698 = tpu.memref_slice %arg11[%add3A_696, %dma_start3A_697] : memref<256x64xf32, #tpu.memory_space<vmem>> -> memref<1x64xf32, #tpu.memory_space<vmem>>
      %dma_start3A_699 = tpu.memref_squeeze %dma_start3A_698 : memref<1x64xf32, #tpu.memory_space<vmem>> -> memref<64xf32, #tpu.memory_space<vmem>>
      %dma_start3A_700 = arith.constant 0 : i32
      %dma_start3A_701 = tpu.memref_slice %arg5[%squeeze3A_690, %squeeze3A_692, %dma_start3A_700] : memref<12500x8x64xf32, #tpu.memory_space<hbm>> -> memref<1x1x64xf32, #tpu.memory_space<hbm>>
      %dma_start3A_702 = tpu.memref_squeeze %dma_start3A_701 : memref<1x1x64xf32, #tpu.memory_space<hbm>> -> memref<64xf32, #tpu.memory_space<hbm>>
      %dma_start3A_703 = arith.constant 0 : i32
      %dma_start3A_704 = tpu.memref_slice %arg11[%add3A_696, %dma_start3A_703] : memref<256x64xf32, #tpu.memory_space<vmem>> -> memref<1x64xf32, #tpu.memory_space<vmem>>
      %dma_start3A_705 = tpu.memref_squeeze %dma_start3A_704 : memref<1x64xf32, #tpu.memory_space<vmem>> -> memref<64xf32, #tpu.memory_space<vmem>>
      %dma_start3A_706 = arith.constant 0 : i32
      %dma_start3A_707 = tpu.memref_slice %arg5[%squeeze3A_690, %squeeze3A_692, %dma_start3A_706] : memref<12500x8x64xf32, #tpu.memory_space<hbm>> -> memref<1x1x64xf32, #tpu.memory_space<hbm>>
      %dma_start3A_708 = tpu.memref_squeeze %dma_start3A_707 : memref<1x1x64xf32, #tpu.memory_space<hbm>> -> memref<64xf32, #tpu.memory_space<hbm>>
      tpu.enqueue_dma source(%dma_start3A_708 : memref<64xf32, #tpu.memory_space<hbm>>) target(%dma_start3A_705 : memref<64xf32, #tpu.memory_space<vmem>>) target_semaphore(%arg12 : memref<!tpu.dma_semaphore, #tpu.memory_space<semaphore_mem>>)
      %scan3A_709 = arith.constant 0 : i32
      scf.yield %scan3A_709 : i32
    }
    %scan3A_8 = arith.constant 16 : i32
    %add3A_9 = arith.constant 0 : i32
    %add3A_10 = arith.addi %mul3A_2, %add3A_9 : i32
    %dma_wait3A = arith.constant 0 : i32
    %dma_wait3A_11 = tpu.memref_slice %arg6[%add3A_10, %dma_wait3A] : memref<16384x64xf32, #tpu.memory_space<hbm>> -> memref<256x64xf32, #tpu.memory_space<hbm>>
    %dma_wait3A_12 = arith.constant 0 : i32
    %dma_wait3A_13 = tpu.memref_slice %arg6[%add3A_10, %dma_wait3A_12] : memref<16384x64xf32, #tpu.memory_space<hbm>> -> memref<256x64xf32, #tpu.memory_space<hbm>>
    tpu.wait_dma2 semaphore(%arg12 : memref<!tpu.dma_semaphore, #tpu.memory_space<semaphore_mem>>) src(%dma_wait3A_13 : memref<256x64xf32, #tpu.memory_space<hbm>>) dst(%arg10 : memref<256x64xf32, #tpu.memory_space<vmem>>)
    %add3A_14 = arith.constant 0 : i32
    %add3A_15 = arith.addi %mul3A_2, %add3A_14 : i32
    %dma_wait3A_16 = arith.constant 0 : i32
    %dma_wait3A_17 = tpu.memref_slice %arg7[%add3A_15, %dma_wait3A_16] : memref<16384x64xf32, #tpu.memory_space<hbm>> -> memref<256x64xf32, #tpu.memory_space<hbm>>
    %dma_wait3A_18 = arith.constant 0 : i32
    %dma_wait3A_19 = tpu.memref_slice %arg7[%add3A_15, %dma_wait3A_18] : memref<16384x64xf32, #tpu.memory_space<hbm>> -> memref<256x64xf32, #tpu.memory_space<hbm>>
    tpu.wait_dma2 semaphore(%arg12 : memref<!tpu.dma_semaphore, #tpu.memory_space<semaphore_mem>>) src(%dma_wait3A_19 : memref<256x64xf32, #tpu.memory_space<hbm>>) dst(%arg11 : memref<256x64xf32, #tpu.memory_space<vmem>>)
    %add3A_20 = arith.constant 0 : i32
    %add3A_21 = arith.addi %mul3A_2, %add3A_20 : i32
    "tpu.region"() ({
      %run_scoped3A = tpu.sem_alloc : memref<!tpu.dma_semaphore, #tpu.memory_space<semaphore_mem>>
      %dma_start3A = arith.constant 0 : i32
      %dma_start3A_47 = tpu.memref_slice %arg6[%add3A_21, %dma_start3A] : memref<16384x64xf32, #tpu.memory_space<hbm>> -> memref<256x64xf32, #tpu.memory_space<hbm>>
      %dma_start3A_48 = arith.constant 0 : i32
      %dma_start3A_49 = tpu.memref_slice %arg6[%add3A_21, %dma_start3A_48] : memref<16384x64xf32, #tpu.memory_space<hbm>> -> memref<256x64xf32, #tpu.memory_space<hbm>>
      tpu.enqueue_dma source(%arg10 : memref<256x64xf32, #tpu.memory_space<vmem>>) target(%dma_start3A_49 : memref<256x64xf32, #tpu.memory_space<hbm>>) target_semaphore(%run_scoped3A : memref<!tpu.dma_semaphore, #tpu.memory_space<semaphore_mem>>)
      %dma_wait3A_50 = arith.constant 0 : i32
      %dma_wait3A_51 = tpu.memref_slice %arg6[%add3A_21, %dma_wait3A_50] : memref<16384x64xf32, #tpu.memory_space<hbm>> -> memref<256x64xf32, #tpu.memory_space<hbm>>
      %dma_wait3A_52 = arith.constant 0 : i32
      %dma_wait3A_53 = tpu.memref_slice %arg6[%add3A_21, %dma_wait3A_52] : memref<16384x64xf32, #tpu.memory_space<hbm>> -> memref<256x64xf32, #tpu.memory_space<hbm>>
      tpu.wait_dma2 semaphore(%run_scoped3A : memref<!tpu.dma_semaphore, #tpu.memory_space<semaphore_mem>>) src(%arg10 : memref<256x64xf32, #tpu.memory_space<vmem>>) dst(%dma_wait3A_53 : memref<256x64xf32, #tpu.memory_space<hbm>>)
      tpu.yield
    }) : () -> ()
    %add3A_22 = arith.constant 0 : i32
    %add3A_23 = arith.addi %mul3A_2, %add3A_22 : i32
    "tpu.region"() ({
      %run_scoped3A = tpu.sem_alloc : memref<!tpu.dma_semaphore, #tpu.memory_space<semaphore_mem>>
      %dma_start3A = arith.constant 0 : i32
      %dma_start3A_47 = tpu.memref_slice %arg7[%add3A_23, %dma_start3A] : memref<16384x64xf32, #tpu.memory_space<hbm>> -> memref<256x64xf32, #tpu.memory_space<hbm>>
      %dma_start3A_48 = arith.constant 0 : i32
      %dma_start3A_49 = tpu.memref_slice %arg7[%add3A_23, %dma_start3A_48] : memref<16384x64xf32, #tpu.memory_space<hbm>> -> memref<256x64xf32, #tpu.memory_space<hbm>>
      tpu.enqueue_dma source(%arg11 : memref<256x64xf32, #tpu.memory_space<vmem>>) target(%dma_start3A_49 : memref<256x64xf32, #tpu.memory_space<hbm>>) target_semaphore(%run_scoped3A : memref<!tpu.dma_semaphore, #tpu.memory_space<semaphore_mem>>)
      %dma_wait3A_50 = arith.constant 0 : i32
      %dma_wait3A_51 = tpu.memref_slice %arg7[%add3A_23, %dma_wait3A_50] : memref<16384x64xf32, #tpu.memory_space<hbm>> -> memref<256x64xf32, #tpu.memory_space<hbm>>
      %dma_wait3A_52 = arith.constant 0 : i32
      %dma_wait3A_53 = tpu.memref_slice %arg7[%add3A_23, %dma_wait3A_52] : memref<16384x64xf32, #tpu.memory_space<hbm>> -> memref<256x64xf32, #tpu.memory_space<hbm>>
      tpu.wait_dma2 semaphore(%run_scoped3A : memref<!tpu.dma_semaphore, #tpu.memory_space<semaphore_mem>>) src(%arg11 : memref<256x64xf32, #tpu.memory_space<vmem>>) dst(%dma_wait3A_53 : memref<256x64xf32, #tpu.memory_space<hbm>>)
      tpu.yield
    }) : () -> ()
    %scan3A_24 = arith.constant 0 : i32
    %scan3A_25 = arith.constant 0 : i32
    %scan3A_26 = arith.constant 16 : i32
    %scan3A_27 = arith.addi %scan3A_25, %scan3A_26 : i32
    %scan3A_28 = arith.constant 1 : i32
    %scan3A_29 = scf.for %scan3A_47 = %scan3A_25 to %scan3A_27 step %scan3A_28 iter_args(%scan3A_48 = %scan3A_24) -> (i32)  : i32 {
      %mul3A_49 = arith.constant 16 : i32
      %mul3A_50 = arith.muli %scan3A_47, %mul3A_49 : i32
      %add3A_51 = arith.constant 256 : i32
      %add3A_52 = arith.addi %add3A_51, %mul3A_50 : i32
      %get3A = arith.index_cast %add3A_52 : i32 to index
      %get3A_53 = tpu.vector_load %arg8[%get3A] {strides = array<i32>} : memref<512xi32, #tpu.memory_space<vmem>>, vector<16xi32>,
      %get3A_54 = vector.shape_cast %get3A_53 : vector<16xi32> to vector<16xi32>
      %mul3A_55 = arith.constant 16 : i32
      %mul3A_56 = arith.muli %scan3A_47, %mul3A_55 : i32
      %add3A_57 = arith.constant 256 : i32
      %add3A_58 = arith.addi %add3A_57, %mul3A_56 : i32
      %get3A_59 = arith.index_cast %add3A_58 : i32 to index
      %get3A_60 = tpu.vector_load %arg9[%get3A_59] {strides = array<i32>} : memref<512xi32, #tpu.memory_space<vmem>>, vector<16xi32>,
      %get3A_61 = vector.shape_cast %get3A_60 : vector<16xi32> to vector<16xi32>
      %shift_right_logical3A = arith.constant 3 : i32
      %shift_right_logical3A_62 = vector.broadcast %shift_right_logical3A : i32 to vector<16xi32>
      %shift_right_logical3A_63 = arith.shrui %get3A_54, %shift_right_logical3A_62 : vector<16xi32>
      %and3A = arith.constant 7 : i32
      %and3A_64 = vector.broadcast %and3A : i32 to vector<16xi32>
      %and3A_65 = arith.andi %get3A_54, %and3A_64 : vector<16xi32>
      %shift_right_logical3A_66 = arith.constant 3 : i32
      %shift_right_logical3A_67 = vector.broadcast %shift_right_logical3A_66 : i32 to vector<16xi32>
      %shift_right_logical3A_68 = arith.shrui %get3A_61, %shift_right_logical3A_67 : vector<16xi32>
      %and3A_69 = arith.constant 7 : i32
      %and3A_70 = vector.broadcast %and3A_69 : i32 to vector<16xi32>
      %and3A_71 = arith.andi %get3A_61, %and3A_70 : vector<16xi32>
      %slice3A = vector.extract_strided_slice %shift_right_logical3A_63 {offsets = [0], sizes = [1], strides = [1]} : vector<16xi32> to vector<1xi32>
      %squeeze3A = vector.extract %slice3A[0] : i32 from vector<1xi32>
      %slice3A_72 = vector.extract_strided_slice %and3A_65 {offsets = [0], sizes = [1], strides = [1]} : vector<16xi32> to vector<1xi32>
      %squeeze3A_73 = vector.extract %slice3A_72[0] : i32 from vector<1xi32>
      %mul3A_74 = arith.constant 16 : i32
      %mul3A_75 = arith.muli %scan3A_47, %mul3A_74 : i32
      %add3A_76 = arith.constant 0 : i32
      %add3A_77 = arith.addi %mul3A_75, %add3A_76 : i32
      %dma_start3A = arith.constant 0 : i32
      %dma_start3A_78 = tpu.memref_slice %arg10[%add3A_77, %dma_start3A] : memref<256x64xf32, #tpu.memory_space<vmem>> -> memref<1x64xf32, #tpu.memory_space<vmem>>
      %dma_start3A_79 = tpu.memref_squeeze %dma_start3A_78 : memref<1x64xf32, #tpu.memory_space<vmem>> -> memref<64xf32, #tpu.memory_space<vmem>>
      %dma_start3A_80 = arith.constant 0 : i32
      %dma_start3A_81 = tpu.memref_slice %arg4[%squeeze3A, %squeeze3A_73, %dma_start3A_80] : memref<125000x8x64xf32, #tpu.memory_space<hbm>> -> memref<1x1x64xf32, #tpu.memory_space<hbm>>
      %dma_start3A_82 = tpu.memref_squeeze %dma_start3A_81 : memref<1x1x64xf32, #tpu.memory_space<hbm>> -> memref<64xf32, #tpu.memory_space<hbm>>
      %dma_start3A_83 = arith.constant 0 : i32
      %dma_start3A_84 = tpu.memref_slice %arg10[%add3A_77, %dma_start3A_83] : memref<256x64xf32, #tpu.memory_space<vmem>> -> memref<1x64xf32, #tpu.memory_space<vmem>>
      %dma_start3A_85 = tpu.memref_squeeze %dma_start3A_84 : memref<1x64xf32, #tpu.memory_space<vmem>> -> memref<64xf32, #tpu.memory_space<vmem>>
      %dma_start3A_86 = arith.constant 0 : i32
      %dma_start3A_87 = tpu.memref_slice %arg4[%squeeze3A, %squeeze3A_73, %dma_start3A_86] : memref<125000x8x64xf32, #tpu.memory_space<hbm>> -> memref<1x1x64xf32, #tpu.memory_space<hbm>>
      %dma_start3A_88 = tpu.memref_squeeze %dma_start3A_87 : memref<1x1x64xf32, #tpu.memory_space<hbm>> -> memref<64xf32, #tpu.memory_space<hbm>>
      tpu.enqueue_dma source(%dma_start3A_88 : memref<64xf32, #tpu.memory_space<hbm>>) target(%dma_start3A_85 : memref<64xf32, #tpu.memory_space<vmem>>) target_semaphore(%arg12 : memref<!tpu.dma_semaphore, #tpu.memory_space<semaphore_mem>>)
      %slice3A_89 = vector.extract_strided_slice %shift_right_logical3A_68 {offsets = [0], sizes = [1], strides = [1]} : vector<16xi32> to vector<1xi32>
      %squeeze3A_90 = vector.extract %slice3A_89[0] : i32 from vector<1xi32>
      %slice3A_91 = vector.extract_strided_slice %and3A_71 {offsets = [0], sizes = [1], strides = [1]} : vector<16xi32> to vector<1xi32>
      %squeeze3A_92 = vector.extract %slice3A_91[0] : i32 from vector<1xi32>
      %mul3A_93 = arith.constant 16 : i32
      %mul3A_94 = arith.muli %scan3A_47, %mul3A_93 : i32
      %add3A_95 = arith.constant 0 : i32
      %add3A_96 = arith.addi %mul3A_94, %add3A_95 : i32
      %dma_start3A_97 = arith.constant 0 : i32
      %dma_start3A_98 = tpu.memref_slice %arg11[%add3A_96, %dma_start3A_97] : memref<256x64xf32, #tpu.memory_space<vmem>> -> memref<1x64xf32, #tpu.memory_space<vmem>>
      %dma_start3A_99 = tpu.memref_squeeze %dma_start3A_98 : memref<1x64xf32, #tpu.memory_space<vmem>> -> memref<64xf32, #tpu.memory_space<vmem>>
      %dma_start3A_100 = arith.constant 0 : i32
      %dma_start3A_101 = tpu.memref_slice %arg5[%squeeze3A_90, %squeeze3A_92, %dma_start3A_100] : memref<12500x8x64xf32, #tpu.memory_space<hbm>> -> memref<1x1x64xf32, #tpu.memory_space<hbm>>
      %dma_start3A_102 = tpu.memref_squeeze %dma_start3A_101 : memref<1x1x64xf32, #tpu.memory_space<hbm>> -> memref<64xf32, #tpu.memory_space<hbm>>
      %dma_start3A_103 = arith.constant 0 : i32
      %dma_start3A_104 = tpu.memref_slice %arg11[%add3A_96, %dma_start3A_103] : memref<256x64xf32, #tpu.memory_space<vmem>> -> memref<1x64xf32, #tpu.memory_space<vmem>>
      %dma_start3A_105 = tpu.memref_squeeze %dma_start3A_104 : memref<1x64xf32, #tpu.memory_space<vmem>> -> memref<64xf32, #tpu.memory_space<vmem>>
      %dma_start3A_106 = arith.constant 0 : i32
      %dma_start3A_107 = tpu.memref_slice %arg5[%squeeze3A_90, %squeeze3A_92, %dma_start3A_106] : memref<12500x8x64xf32, #tpu.memory_space<hbm>> -> memref<1x1x64xf32, #tpu.memory_space<hbm>>
      %dma_start3A_108 = tpu.memref_squeeze %dma_start3A_107 : memref<1x1x64xf32, #tpu.memory_space<hbm>> -> memref<64xf32, #tpu.memory_space<hbm>>
      tpu.enqueue_dma source(%dma_start3A_108 : memref<64xf32, #tpu.memory_space<hbm>>) target(%dma_start3A_105 : memref<64xf32, #tpu.memory_space<vmem>>) target_semaphore(%arg12 : memref<!tpu.dma_semaphore, #tpu.memory_space<semaphore_mem>>)
      %slice3A_109 = vector.extract_strided_slice %shift_right_logical3A_63 {offsets = [1], sizes = [1], strides = [1]} : vector<16xi32> to vector<1xi32>
      %squeeze3A_110 = vector.extract %slice3A_109[0] : i32 from vector<1xi32>
      %slice3A_111 = vector.extract_strided_slice %and3A_65 {offsets = [1], sizes = [1], strides = [1]} : vector<16xi32> to vector<1xi32>
      %squeeze3A_112 = vector.extract %slice3A_111[0] : i32 from vector<1xi32>
      %mul3A_113 = arith.constant 16 : i32
      %mul3A_114 = arith.muli %scan3A_47, %mul3A_113 : i32
      %add3A_115 = arith.constant 1 : i32
      %add3A_116 = arith.addi %mul3A_114, %add3A_115 : i32
      %dma_start3A_117 = arith.constant 0 : i32
      %dma_start3A_118 = tpu.memref_slice %arg10[%add3A_116, %dma_start3A_117] : memref<256x64xf32, #tpu.memory_space<vmem>> -> memref<1x64xf32, #tpu.memory_space<vmem>>
      %dma_start3A_119 = tpu.memref_squeeze %dma_start3A_118 : memref<1x64xf32, #tpu.memory_space<vmem>> -> memref<64xf32, #tpu.memory_space<vmem>>
      %dma_start3A_120 = arith.constant 0 : i32
      %dma_start3A_121 = tpu.memref_slice %arg4[%squeeze3A_110, %squeeze3A_112, %dma_start3A_120] : memref<125000x8x64xf32, #tpu.memory_space<hbm>> -> memref<1x1x64xf32, #tpu.memory_space<hbm>>
      %dma_start3A_122 = tpu.memref_squeeze %dma_start3A_121 : memref<1x1x64xf32, #tpu.memory_space<hbm>> -> memref<64xf32, #tpu.memory_space<hbm>>
      %dma_start3A_123 = arith.constant 0 : i32
      %dma_start3A_124 = tpu.memref_slice %arg10[%add3A_116, %dma_start3A_123] : memref<256x64xf32, #tpu.memory_space<vmem>> -> memref<1x64xf32, #tpu.memory_space<vmem>>
      %dma_start3A_125 = tpu.memref_squeeze %dma_start3A_124 : memref<1x64xf32, #tpu.memory_space<vmem>> -> memref<64xf32, #tpu.memory_space<vmem>>
      %dma_start3A_126 = arith.constant 0 : i32
      %dma_start3A_127 = tpu.memref_slice %arg4[%squeeze3A_110, %squeeze3A_112, %dma_start3A_126] : memref<125000x8x64xf32, #tpu.memory_space<hbm>> -> memref<1x1x64xf32, #tpu.memory_space<hbm>>
      %dma_start3A_128 = tpu.memref_squeeze %dma_start3A_127 : memref<1x1x64xf32, #tpu.memory_space<hbm>> -> memref<64xf32, #tpu.memory_space<hbm>>
      tpu.enqueue_dma source(%dma_start3A_128 : memref<64xf32, #tpu.memory_space<hbm>>) target(%dma_start3A_125 : memref<64xf32, #tpu.memory_space<vmem>>) target_semaphore(%arg12 : memref<!tpu.dma_semaphore, #tpu.memory_space<semaphore_mem>>)
      %slice3A_129 = vector.extract_strided_slice %shift_right_logical3A_68 {offsets = [1], sizes = [1], strides = [1]} : vector<16xi32> to vector<1xi32>
      %squeeze3A_130 = vector.extract %slice3A_129[0] : i32 from vector<1xi32>
      %slice3A_131 = vector.extract_strided_slice %and3A_71 {offsets = [1], sizes = [1], strides = [1]} : vector<16xi32> to vector<1xi32>
      %squeeze3A_132 = vector.extract %slice3A_131[0] : i32 from vector<1xi32>
      %mul3A_133 = arith.constant 16 : i32
      %mul3A_134 = arith.muli %scan3A_47, %mul3A_133 : i32
      %add3A_135 = arith.constant 1 : i32
      %add3A_136 = arith.addi %mul3A_134, %add3A_135 : i32
      %dma_start3A_137 = arith.constant 0 : i32
      %dma_start3A_138 = tpu.memref_slice %arg11[%add3A_136, %dma_start3A_137] : memref<256x64xf32, #tpu.memory_space<vmem>> -> memref<1x64xf32, #tpu.memory_space<vmem>>
      %dma_start3A_139 = tpu.memref_squeeze %dma_start3A_138 : memref<1x64xf32, #tpu.memory_space<vmem>> -> memref<64xf32, #tpu.memory_space<vmem>>
      %dma_start3A_140 = arith.constant 0 : i32
      %dma_start3A_141 = tpu.memref_slice %arg5[%squeeze3A_130, %squeeze3A_132, %dma_start3A_140] : memref<12500x8x64xf32, #tpu.memory_space<hbm>> -> memref<1x1x64xf32, #tpu.memory_space<hbm>>
      %dma_start3A_142 = tpu.memref_squeeze %dma_start3A_141 : memref<1x1x64xf32, #tpu.memory_space<hbm>> -> memref<64xf32, #tpu.memory_space<hbm>>
      %dma_start3A_143 = arith.constant 0 : i32
      %dma_start3A_144 = tpu.memref_slice %arg11[%add3A_136, %dma_start3A_143] : memref<256x64xf32, #tpu.memory_space<vmem>> -> memref<1x64xf32, #tpu.memory_space<vmem>>
      %dma_start3A_145 = tpu.memref_squeeze %dma_start3A_144 : memref<1x64xf32, #tpu.memory_space<vmem>> -> memref<64xf32, #tpu.memory_space<vmem>>
      %dma_start3A_146 = arith.constant 0 : i32
      %dma_start3A_147 = tpu.memref_slice %arg5[%squeeze3A_130, %squeeze3A_132, %dma_start3A_146] : memref<12500x8x64xf32, #tpu.memory_space<hbm>> -> memref<1x1x64xf32, #tpu.memory_space<hbm>>
      %dma_start3A_148 = tpu.memref_squeeze %dma_start3A_147 : memref<1x1x64xf32, #tpu.memory_space<hbm>> -> memref<64xf32, #tpu.memory_space<hbm>>
      tpu.enqueue_dma source(%dma_start3A_148 : memref<64xf32, #tpu.memory_space<hbm>>) target(%dma_start3A_145 : memref<64xf32, #tpu.memory_space<vmem>>) target_semaphore(%arg12 : memref<!tpu.dma_semaphore, #tpu.memory_space<semaphore_mem>>)
      %slice3A_149 = vector.extract_strided_slice %shift_right_logical3A_63 {offsets = [2], sizes = [1], strides = [1]} : vector<16xi32> to vector<1xi32>
      %squeeze3A_150 = vector.extract %slice3A_149[0] : i32 from vector<1xi32>
      %slice3A_151 = vector.extract_strided_slice %and3A_65 {offsets = [2], sizes = [1], strides = [1]} : vector<16xi32> to vector<1xi32>
      %squeeze3A_152 = vector.extract %slice3A_151[0] : i32 from vector<1xi32>
      %mul3A_153 = arith.constant 16 : i32
      %mul3A_154 = arith.muli %scan3A_47, %mul3A_153 : i32
      %add3A_155 = arith.constant 2 : i32
      %add3A_156 = arith.addi %mul3A_154, %add3A_155 : i32
      %dma_start3A_157 = arith.constant 0 : i32
      %dma_start3A_158 = tpu.memref_slice %arg10[%add3A_156, %dma_start3A_157] : memref<256x64xf32, #tpu.memory_space<vmem>> -> memref<1x64xf32, #tpu.memory_space<vmem>>
      %dma_start3A_159 = tpu.memref_squeeze %dma_start3A_158 : memref<1x64xf32, #tpu.memory_space<vmem>> -> memref<64xf32, #tpu.memory_space<vmem>>
      %dma_start3A_160 = arith.constant 0 : i32
      %dma_start3A_161 = tpu.memref_slice %arg4[%squeeze3A_150, %squeeze3A_152, %dma_start3A_160] : memref<125000x8x64xf32, #tpu.memory_space<hbm>> -> memref<1x1x64xf32, #tpu.memory_space<hbm>>
      %dma_start3A_162 = tpu.memref_squeeze %dma_start3A_161 : memref<1x1x64xf32, #tpu.memory_space<hbm>> -> memref<64xf32, #tpu.memory_space<hbm>>
      %dma_start3A_163 = arith.constant 0 : i32
      %dma_start3A_164 = tpu.memref_slice %arg10[%add3A_156, %dma_start3A_163] : memref<256x64xf32, #tpu.memory_space<vmem>> -> memref<1x64xf32, #tpu.memory_space<vmem>>
      %dma_start3A_165 = tpu.memref_squeeze %dma_start3A_164 : memref<1x64xf32, #tpu.memory_space<vmem>> -> memref<64xf32, #tpu.memory_space<vmem>>
      %dma_start3A_166 = arith.constant 0 : i32
      %dma_start3A_167 = tpu.memref_slice %arg4[%squeeze3A_150, %squeeze3A_152, %dma_start3A_166] : memref<125000x8x64xf32, #tpu.memory_space<hbm>> -> memref<1x1x64xf32, #tpu.memory_space<hbm>>
      %dma_start3A_168 = tpu.memref_squeeze %dma_start3A_167 : memref<1x1x64xf32, #tpu.memory_space<hbm>> -> memref<64xf32, #tpu.memory_space<hbm>>
      tpu.enqueue_dma source(%dma_start3A_168 : memref<64xf32, #tpu.memory_space<hbm>>) target(%dma_start3A_165 : memref<64xf32, #tpu.memory_space<vmem>>) target_semaphore(%arg12 : memref<!tpu.dma_semaphore, #tpu.memory_space<semaphore_mem>>)
      %slice3A_169 = vector.extract_strided_slice %shift_right_logical3A_68 {offsets = [2], sizes = [1], strides = [1]} : vector<16xi32> to vector<1xi32>
      %squeeze3A_170 = vector.extract %slice3A_169[0] : i32 from vector<1xi32>
      %slice3A_171 = vector.extract_strided_slice %and3A_71 {offsets = [2], sizes = [1], strides = [1]} : vector<16xi32> to vector<1xi32>
      %squeeze3A_172 = vector.extract %slice3A_171[0] : i32 from vector<1xi32>
      %mul3A_173 = arith.constant 16 : i32
      %mul3A_174 = arith.muli %scan3A_47, %mul3A_173 : i32
      %add3A_175 = arith.constant 2 : i32
      %add3A_176 = arith.addi %mul3A_174, %add3A_175 : i32
      %dma_start3A_177 = arith.constant 0 : i32
      %dma_start3A_178 = tpu.memref_slice %arg11[%add3A_176, %dma_start3A_177] : memref<256x64xf32, #tpu.memory_space<vmem>> -> memref<1x64xf32, #tpu.memory_space<vmem>>
      %dma_start3A_179 = tpu.memref_squeeze %dma_start3A_178 : memref<1x64xf32, #tpu.memory_space<vmem>> -> memref<64xf32, #tpu.memory_space<vmem>>
      %dma_start3A_180 = arith.constant 0 : i32
      %dma_start3A_181 = tpu.memref_slice %arg5[%squeeze3A_170, %squeeze3A_172, %dma_start3A_180] : memref<12500x8x64xf32, #tpu.memory_space<hbm>> -> memref<1x1x64xf32, #tpu.memory_space<hbm>>
      %dma_start3A_182 = tpu.memref_squeeze %dma_start3A_181 : memref<1x1x64xf32, #tpu.memory_space<hbm>> -> memref<64xf32, #tpu.memory_space<hbm>>
      %dma_start3A_183 = arith.constant 0 : i32
      %dma_start3A_184 = tpu.memref_slice %arg11[%add3A_176, %dma_start3A_183] : memref<256x64xf32, #tpu.memory_space<vmem>> -> memref<1x64xf32, #tpu.memory_space<vmem>>
      %dma_start3A_185 = tpu.memref_squeeze %dma_start3A_184 : memref<1x64xf32, #tpu.memory_space<vmem>> -> memref<64xf32, #tpu.memory_space<vmem>>
      %dma_start3A_186 = arith.constant 0 : i32
      %dma_start3A_187 = tpu.memref_slice %arg5[%squeeze3A_170, %squeeze3A_172, %dma_start3A_186] : memref<12500x8x64xf32, #tpu.memory_space<hbm>> -> memref<1x1x64xf32, #tpu.memory_space<hbm>>
      %dma_start3A_188 = tpu.memref_squeeze %dma_start3A_187 : memref<1x1x64xf32, #tpu.memory_space<hbm>> -> memref<64xf32, #tpu.memory_space<hbm>>
      tpu.enqueue_dma source(%dma_start3A_188 : memref<64xf32, #tpu.memory_space<hbm>>) target(%dma_start3A_185 : memref<64xf32, #tpu.memory_space<vmem>>) target_semaphore(%arg12 : memref<!tpu.dma_semaphore, #tpu.memory_space<semaphore_mem>>)
      %slice3A_189 = vector.extract_strided_slice %shift_right_logical3A_63 {offsets = [3], sizes = [1], strides = [1]} : vector<16xi32> to vector<1xi32>
      %squeeze3A_190 = vector.extract %slice3A_189[0] : i32 from vector<1xi32>
      %slice3A_191 = vector.extract_strided_slice %and3A_65 {offsets = [3], sizes = [1], strides = [1]} : vector<16xi32> to vector<1xi32>
      %squeeze3A_192 = vector.extract %slice3A_191[0] : i32 from vector<1xi32>
      %mul3A_193 = arith.constant 16 : i32
      %mul3A_194 = arith.muli %scan3A_47, %mul3A_193 : i32
      %add3A_195 = arith.constant 3 : i32
      %add3A_196 = arith.addi %mul3A_194, %add3A_195 : i32
      %dma_start3A_197 = arith.constant 0 : i32
      %dma_start3A_198 = tpu.memref_slice %arg10[%add3A_196, %dma_start3A_197] : memref<256x64xf32, #tpu.memory_space<vmem>> -> memref<1x64xf32, #tpu.memory_space<vmem>>
      %dma_start3A_199 = tpu.memref_squeeze %dma_start3A_198 : memref<1x64xf32, #tpu.memory_space<vmem>> -> memref<64xf32, #tpu.memory_space<vmem>>
      %dma_start3A_200 = arith.constant 0 : i32
      %dma_start3A_201 = tpu.memref_slice %arg4[%squeeze3A_190, %squeeze3A_192, %dma_start3A_200] : memref<125000x8x64xf32, #tpu.memory_space<hbm>> -> memref<1x1x64xf32, #tpu.memory_space<hbm>>
      %dma_start3A_202 = tpu.memref_squeeze %dma_start3A_201 : memref<1x1x64xf32, #tpu.memory_space<hbm>> -> memref<64xf32, #tpu.memory_space<hbm>>
      %dma_start3A_203 = arith.constant 0 : i32
      %dma_start3A_204 = tpu.memref_slice %arg10[%add3A_196, %dma_start3A_203] : memref<256x64xf32, #tpu.memory_space<vmem>> -> memref<1x64xf32, #tpu.memory_space<vmem>>
      %dma_start3A_205 = tpu.memref_squeeze %dma_start3A_204 : memref<1x64xf32, #tpu.memory_space<vmem>> -> memref<64xf32, #tpu.memory_space<vmem>>
      %dma_start3A_206 = arith.constant 0 : i32
      %dma_start3A_207 = tpu.memref_slice %arg4[%squeeze3A_190, %squeeze3A_192, %dma_start3A_206] : memref<125000x8x64xf32, #tpu.memory_space<hbm>> -> memref<1x1x64xf32, #tpu.memory_space<hbm>>
      %dma_start3A_208 = tpu.memref_squeeze %dma_start3A_207 : memref<1x1x64xf32, #tpu.memory_space<hbm>> -> memref<64xf32, #tpu.memory_space<hbm>>
      tpu.enqueue_dma source(%dma_start3A_208 : memref<64xf32, #tpu.memory_space<hbm>>) target(%dma_start3A_205 : memref<64xf32, #tpu.memory_space<vmem>>) target_semaphore(%arg12 : memref<!tpu.dma_semaphore, #tpu.memory_space<semaphore_mem>>)
      %slice3A_209 = vector.extract_strided_slice %shift_right_logical3A_68 {offsets = [3], sizes = [1], strides = [1]} : vector<16xi32> to vector<1xi32>
      %squeeze3A_210 = vector.extract %slice3A_209[0] : i32 from vector<1xi32>
      %slice3A_211 = vector.extract_strided_slice %and3A_71 {offsets = [3], sizes = [1], strides = [1]} : vector<16xi32> to vector<1xi32>
      %squeeze3A_212 = vector.extract %slice3A_211[0] : i32 from vector<1xi32>
      %mul3A_213 = arith.constant 16 : i32
      %mul3A_214 = arith.muli %scan3A_47, %mul3A_213 : i32
      %add3A_215 = arith.constant 3 : i32
      %add3A_216 = arith.addi %mul3A_214, %add3A_215 : i32
      %dma_start3A_217 = arith.constant 0 : i32
      %dma_start3A_218 = tpu.memref_slice %arg11[%add3A_216, %dma_start3A_217] : memref<256x64xf32, #tpu.memory_space<vmem>> -> memref<1x64xf32, #tpu.memory_space<vmem>>
      %dma_start3A_219 = tpu.memref_squeeze %dma_start3A_218 : memref<1x64xf32, #tpu.memory_space<vmem>> -> memref<64xf32, #tpu.memory_space<vmem>>
      %dma_start3A_220 = arith.constant 0 : i32
      %dma_start3A_221 = tpu.memref_slice %arg5[%squeeze3A_210, %squeeze3A_212, %dma_start3A_220] : memref<12500x8x64xf32, #tpu.memory_space<hbm>> -> memref<1x1x64xf32, #tpu.memory_space<hbm>>
      %dma_start3A_222 = tpu.memref_squeeze %dma_start3A_221 : memref<1x1x64xf32, #tpu.memory_space<hbm>> -> memref<64xf32, #tpu.memory_space<hbm>>
      %dma_start3A_223 = arith.constant 0 : i32
      %dma_start3A_224 = tpu.memref_slice %arg11[%add3A_216, %dma_start3A_223] : memref<256x64xf32, #tpu.memory_space<vmem>> -> memref<1x64xf32, #tpu.memory_space<vmem>>
      %dma_start3A_225 = tpu.memref_squeeze %dma_start3A_224 : memref<1x64xf32, #tpu.memory_space<vmem>> -> memref<64xf32, #tpu.memory_space<vmem>>
      %dma_start3A_226 = arith.constant 0 : i32
      %dma_start3A_227 = tpu.memref_slice %arg5[%squeeze3A_210, %squeeze3A_212, %dma_start3A_226] : memref<12500x8x64xf32, #tpu.memory_space<hbm>> -> memref<1x1x64xf32, #tpu.memory_space<hbm>>
      %dma_start3A_228 = tpu.memref_squeeze %dma_start3A_227 : memref<1x1x64xf32, #tpu.memory_space<hbm>> -> memref<64xf32, #tpu.memory_space<hbm>>
      tpu.enqueue_dma source(%dma_start3A_228 : memref<64xf32, #tpu.memory_space<hbm>>) target(%dma_start3A_225 : memref<64xf32, #tpu.memory_space<vmem>>) target_semaphore(%arg12 : memref<!tpu.dma_semaphore, #tpu.memory_space<semaphore_mem>>)
      %slice3A_229 = vector.extract_strided_slice %shift_right_logical3A_63 {offsets = [4], sizes = [1], strides = [1]} : vector<16xi32> to vector<1xi32>
      %squeeze3A_230 = vector.extract %slice3A_229[0] : i32 from vector<1xi32>
      %slice3A_231 = vector.extract_strided_slice %and3A_65 {offsets = [4], sizes = [1], strides = [1]} : vector<16xi32> to vector<1xi32>
      %squeeze3A_232 = vector.extract %slice3A_231[0] : i32 from vector<1xi32>
      %mul3A_233 = arith.constant 16 : i32
      %mul3A_234 = arith.muli %scan3A_47, %mul3A_233 : i32
      %add3A_235 = arith.constant 4 : i32
      %add3A_236 = arith.addi %mul3A_234, %add3A_235 : i32
      %dma_start3A_237 = arith.constant 0 : i32
      %dma_start3A_238 = tpu.memref_slice %arg10[%add3A_236, %dma_start3A_237] : memref<256x64xf32, #tpu.memory_space<vmem>> -> memref<1x64xf32, #tpu.memory_space<vmem>>
      %dma_start3A_239 = tpu.memref_squeeze %dma_start3A_238 : memref<1x64xf32, #tpu.memory_space<vmem>> -> memref<64xf32, #tpu.memory_space<vmem>>
      %dma_start3A_240 = arith.constant 0 : i32
      %dma_start3A_241 = tpu.memref_slice %arg4[%squeeze3A_230, %squeeze3A_232, %dma_start3A_240] : memref<125000x8x64xf32, #tpu.memory_space<hbm>> -> memref<1x1x64xf32, #tpu.memory_space<hbm>>
      %dma_start3A_242 = tpu.memref_squeeze %dma_start3A_241 : memref<1x1x64xf32, #tpu.memory_space<hbm>> -> memref<64xf32, #tpu.memory_space<hbm>>
      %dma_start3A_243 = arith.constant 0 : i32
      %dma_start3A_244 = tpu.memref_slice %arg10[%add3A_236, %dma_start3A_243] : memref<256x64xf32, #tpu.memory_space<vmem>> -> memref<1x64xf32, #tpu.memory_space<vmem>>
      %dma_start3A_245 = tpu.memref_squeeze %dma_start3A_244 : memref<1x64xf32, #tpu.memory_space<vmem>> -> memref<64xf32, #tpu.memory_space<vmem>>
      %dma_start3A_246 = arith.constant 0 : i32
      %dma_start3A_247 = tpu.memref_slice %arg4[%squeeze3A_230, %squeeze3A_232, %dma_start3A_246] : memref<125000x8x64xf32, #tpu.memory_space<hbm>> -> memref<1x1x64xf32, #tpu.memory_space<hbm>>
      %dma_start3A_248 = tpu.memref_squeeze %dma_start3A_247 : memref<1x1x64xf32, #tpu.memory_space<hbm>> -> memref<64xf32, #tpu.memory_space<hbm>>
      tpu.enqueue_dma source(%dma_start3A_248 : memref<64xf32, #tpu.memory_space<hbm>>) target(%dma_start3A_245 : memref<64xf32, #tpu.memory_space<vmem>>) target_semaphore(%arg12 : memref<!tpu.dma_semaphore, #tpu.memory_space<semaphore_mem>>)
      %slice3A_249 = vector.extract_strided_slice %shift_right_logical3A_68 {offsets = [4], sizes = [1], strides = [1]} : vector<16xi32> to vector<1xi32>
      %squeeze3A_250 = vector.extract %slice3A_249[0] : i32 from vector<1xi32>
      %slice3A_251 = vector.extract_strided_slice %and3A_71 {offsets = [4], sizes = [1], strides = [1]} : vector<16xi32> to vector<1xi32>
      %squeeze3A_252 = vector.extract %slice3A_251[0] : i32 from vector<1xi32>
      %mul3A_253 = arith.constant 16 : i32
      %mul3A_254 = arith.muli %scan3A_47, %mul3A_253 : i32
      %add3A_255 = arith.constant 4 : i32
      %add3A_256 = arith.addi %mul3A_254, %add3A_255 : i32
      %dma_start3A_257 = arith.constant 0 : i32
      %dma_start3A_258 = tpu.memref_slice %arg11[%add3A_256, %dma_start3A_257] : memref<256x64xf32, #tpu.memory_space<vmem>> -> memref<1x64xf32, #tpu.memory_space<vmem>>
      %dma_start3A_259 = tpu.memref_squeeze %dma_start3A_258 : memref<1x64xf32, #tpu.memory_space<vmem>> -> memref<64xf32, #tpu.memory_space<vmem>>
      %dma_start3A_260 = arith.constant 0 : i32
      %dma_start3A_261 = tpu.memref_slice %arg5[%squeeze3A_250, %squeeze3A_252, %dma_start3A_260] : memref<12500x8x64xf32, #tpu.memory_space<hbm>> -> memref<1x1x64xf32, #tpu.memory_space<hbm>>
      %dma_start3A_262 = tpu.memref_squeeze %dma_start3A_261 : memref<1x1x64xf32, #tpu.memory_space<hbm>> -> memref<64xf32, #tpu.memory_space<hbm>>
      %dma_start3A_263 = arith.constant 0 : i32
      %dma_start3A_264 = tpu.memref_slice %arg11[%add3A_256, %dma_start3A_263] : memref<256x64xf32, #tpu.memory_space<vmem>> -> memref<1x64xf32, #tpu.memory_space<vmem>>
      %dma_start3A_265 = tpu.memref_squeeze %dma_start3A_264 : memref<1x64xf32, #tpu.memory_space<vmem>> -> memref<64xf32, #tpu.memory_space<vmem>>
      %dma_start3A_266 = arith.constant 0 : i32
      %dma_start3A_267 = tpu.memref_slice %arg5[%squeeze3A_250, %squeeze3A_252, %dma_start3A_266] : memref<12500x8x64xf32, #tpu.memory_space<hbm>> -> memref<1x1x64xf32, #tpu.memory_space<hbm>>
      %dma_start3A_268 = tpu.memref_squeeze %dma_start3A_267 : memref<1x1x64xf32, #tpu.memory_space<hbm>> -> memref<64xf32, #tpu.memory_space<hbm>>
      tpu.enqueue_dma source(%dma_start3A_268 : memref<64xf32, #tpu.memory_space<hbm>>) target(%dma_start3A_265 : memref<64xf32, #tpu.memory_space<vmem>>) target_semaphore(%arg12 : memref<!tpu.dma_semaphore, #tpu.memory_space<semaphore_mem>>)
      %slice3A_269 = vector.extract_strided_slice %shift_right_logical3A_63 {offsets = [5], sizes = [1], strides = [1]} : vector<16xi32> to vector<1xi32>
      %squeeze3A_270 = vector.extract %slice3A_269[0] : i32 from vector<1xi32>
      %slice3A_271 = vector.extract_strided_slice %and3A_65 {offsets = [5], sizes = [1], strides = [1]} : vector<16xi32> to vector<1xi32>
      %squeeze3A_272 = vector.extract %slice3A_271[0] : i32 from vector<1xi32>
      %mul3A_273 = arith.constant 16 : i32
      %mul3A_274 = arith.muli %scan3A_47, %mul3A_273 : i32
      %add3A_275 = arith.constant 5 : i32
      %add3A_276 = arith.addi %mul3A_274, %add3A_275 : i32
      %dma_start3A_277 = arith.constant 0 : i32
      %dma_start3A_278 = tpu.memref_slice %arg10[%add3A_276, %dma_start3A_277] : memref<256x64xf32, #tpu.memory_space<vmem>> -> memref<1x64xf32, #tpu.memory_space<vmem>>
      %dma_start3A_279 = tpu.memref_squeeze %dma_start3A_278 : memref<1x64xf32, #tpu.memory_space<vmem>> -> memref<64xf32, #tpu.memory_space<vmem>>
      %dma_start3A_280 = arith.constant 0 : i32
      %dma_start3A_281 = tpu.memref_slice %arg4[%squeeze3A_270, %squeeze3A_272, %dma_start3A_280] : memref<125000x8x64xf32, #tpu.memory_space<hbm>> -> memref<1x1x64xf32, #tpu.memory_space<hbm>>
      %dma_start3A_282 = tpu.memref_squeeze %dma_start3A_281 : memref<1x1x64xf32, #tpu.memory_space<hbm>> -> memref<64xf32, #tpu.memory_space<hbm>>
      %dma_start3A_283 = arith.constant 0 : i32
      %dma_start3A_284 = tpu.memref_slice %arg10[%add3A_276, %dma_start3A_283] : memref<256x64xf32, #tpu.memory_space<vmem>> -> memref<1x64xf32, #tpu.memory_space<vmem>>
      %dma_start3A_285 = tpu.memref_squeeze %dma_start3A_284 : memref<1x64xf32, #tpu.memory_space<vmem>> -> memref<64xf32, #tpu.memory_space<vmem>>
      %dma_start3A_286 = arith.constant 0 : i32
      %dma_start3A_287 = tpu.memref_slice %arg4[%squeeze3A_270, %squeeze3A_272, %dma_start3A_286] : memref<125000x8x64xf32, #tpu.memory_space<hbm>> -> memref<1x1x64xf32, #tpu.memory_space<hbm>>
      %dma_start3A_288 = tpu.memref_squeeze %dma_start3A_287 : memref<1x1x64xf32, #tpu.memory_space<hbm>> -> memref<64xf32, #tpu.memory_space<hbm>>
      tpu.enqueue_dma source(%dma_start3A_288 : memref<64xf32, #tpu.memory_space<hbm>>) target(%dma_start3A_285 : memref<64xf32, #tpu.memory_space<vmem>>) target_semaphore(%arg12 : memref<!tpu.dma_semaphore, #tpu.memory_space<semaphore_mem>>)
      %slice3A_289 = vector.extract_strided_slice %shift_right_logical3A_68 {offsets = [5], sizes = [1], strides = [1]} : vector<16xi32> to vector<1xi32>
      %squeeze3A_290 = vector.extract %slice3A_289[0] : i32 from vector<1xi32>
      %slice3A_291 = vector.extract_strided_slice %and3A_71 {offsets = [5], sizes = [1], strides = [1]} : vector<16xi32> to vector<1xi32>
      %squeeze3A_292 = vector.extract %slice3A_291[0] : i32 from vector<1xi32>
      %mul3A_293 = arith.constant 16 : i32
      %mul3A_294 = arith.muli %scan3A_47, %mul3A_293 : i32
      %add3A_295 = arith.constant 5 : i32
      %add3A_296 = arith.addi %mul3A_294, %add3A_295 : i32
      %dma_start3A_297 = arith.constant 0 : i32
      %dma_start3A_298 = tpu.memref_slice %arg11[%add3A_296, %dma_start3A_297] : memref<256x64xf32, #tpu.memory_space<vmem>> -> memref<1x64xf32, #tpu.memory_space<vmem>>
      %dma_start3A_299 = tpu.memref_squeeze %dma_start3A_298 : memref<1x64xf32, #tpu.memory_space<vmem>> -> memref<64xf32, #tpu.memory_space<vmem>>
      %dma_start3A_300 = arith.constant 0 : i32
      %dma_start3A_301 = tpu.memref_slice %arg5[%squeeze3A_290, %squeeze3A_292, %dma_start3A_300] : memref<12500x8x64xf32, #tpu.memory_space<hbm>> -> memref<1x1x64xf32, #tpu.memory_space<hbm>>
      %dma_start3A_302 = tpu.memref_squeeze %dma_start3A_301 : memref<1x1x64xf32, #tpu.memory_space<hbm>> -> memref<64xf32, #tpu.memory_space<hbm>>
      %dma_start3A_303 = arith.constant 0 : i32
      %dma_start3A_304 = tpu.memref_slice %arg11[%add3A_296, %dma_start3A_303] : memref<256x64xf32, #tpu.memory_space<vmem>> -> memref<1x64xf32, #tpu.memory_space<vmem>>
      %dma_start3A_305 = tpu.memref_squeeze %dma_start3A_304 : memref<1x64xf32, #tpu.memory_space<vmem>> -> memref<64xf32, #tpu.memory_space<vmem>>
      %dma_start3A_306 = arith.constant 0 : i32
      %dma_start3A_307 = tpu.memref_slice %arg5[%squeeze3A_290, %squeeze3A_292, %dma_start3A_306] : memref<12500x8x64xf32, #tpu.memory_space<hbm>> -> memref<1x1x64xf32, #tpu.memory_space<hbm>>
      %dma_start3A_308 = tpu.memref_squeeze %dma_start3A_307 : memref<1x1x64xf32, #tpu.memory_space<hbm>> -> memref<64xf32, #tpu.memory_space<hbm>>
      tpu.enqueue_dma source(%dma_start3A_308 : memref<64xf32, #tpu.memory_space<hbm>>) target(%dma_start3A_305 : memref<64xf32, #tpu.memory_space<vmem>>) target_semaphore(%arg12 : memref<!tpu.dma_semaphore, #tpu.memory_space<semaphore_mem>>)
      %slice3A_309 = vector.extract_strided_slice %shift_right_logical3A_63 {offsets = [6], sizes = [1], strides = [1]} : vector<16xi32> to vector<1xi32>
      %squeeze3A_310 = vector.extract %slice3A_309[0] : i32 from vector<1xi32>
      %slice3A_311 = vector.extract_strided_slice %and3A_65 {offsets = [6], sizes = [1], strides = [1]} : vector<16xi32> to vector<1xi32>
      %squeeze3A_312 = vector.extract %slice3A_311[0] : i32 from vector<1xi32>
      %mul3A_313 = arith.constant 16 : i32
      %mul3A_314 = arith.muli %scan3A_47, %mul3A_313 : i32
      %add3A_315 = arith.constant 6 : i32
      %add3A_316 = arith.addi %mul3A_314, %add3A_315 : i32
      %dma_start3A_317 = arith.constant 0 : i32
      %dma_start3A_318 = tpu.memref_slice %arg10[%add3A_316, %dma_start3A_317] : memref<256x64xf32, #tpu.memory_space<vmem>> -> memref<1x64xf32, #tpu.memory_space<vmem>>
      %dma_start3A_319 = tpu.memref_squeeze %dma_start3A_318 : memref<1x64xf32, #tpu.memory_space<vmem>> -> memref<64xf32, #tpu.memory_space<vmem>>
      %dma_start3A_320 = arith.constant 0 : i32
      %dma_start3A_321 = tpu.memref_slice %arg4[%squeeze3A_310, %squeeze3A_312, %dma_start3A_320] : memref<125000x8x64xf32, #tpu.memory_space<hbm>> -> memref<1x1x64xf32, #tpu.memory_space<hbm>>
      %dma_start3A_322 = tpu.memref_squeeze %dma_start3A_321 : memref<1x1x64xf32, #tpu.memory_space<hbm>> -> memref<64xf32, #tpu.memory_space<hbm>>
      %dma_start3A_323 = arith.constant 0 : i32
      %dma_start3A_324 = tpu.memref_slice %arg10[%add3A_316, %dma_start3A_323] : memref<256x64xf32, #tpu.memory_space<vmem>> -> memref<1x64xf32, #tpu.memory_space<vmem>>
      %dma_start3A_325 = tpu.memref_squeeze %dma_start3A_324 : memref<1x64xf32, #tpu.memory_space<vmem>> -> memref<64xf32, #tpu.memory_space<vmem>>
      %dma_start3A_326 = arith.constant 0 : i32
      %dma_start3A_327 = tpu.memref_slice %arg4[%squeeze3A_310, %squeeze3A_312, %dma_start3A_326] : memref<125000x8x64xf32, #tpu.memory_space<hbm>> -> memref<1x1x64xf32, #tpu.memory_space<hbm>>
      %dma_start3A_328 = tpu.memref_squeeze %dma_start3A_327 : memref<1x1x64xf32, #tpu.memory_space<hbm>> -> memref<64xf32, #tpu.memory_space<hbm>>
      tpu.enqueue_dma source(%dma_start3A_328 : memref<64xf32, #tpu.memory_space<hbm>>) target(%dma_start3A_325 : memref<64xf32, #tpu.memory_space<vmem>>) target_semaphore(%arg12 : memref<!tpu.dma_semaphore, #tpu.memory_space<semaphore_mem>>)
      %slice3A_329 = vector.extract_strided_slice %shift_right_logical3A_68 {offsets = [6], sizes = [1], strides = [1]} : vector<16xi32> to vector<1xi32>
      %squeeze3A_330 = vector.extract %slice3A_329[0] : i32 from vector<1xi32>
      %slice3A_331 = vector.extract_strided_slice %and3A_71 {offsets = [6], sizes = [1], strides = [1]} : vector<16xi32> to vector<1xi32>
      %squeeze3A_332 = vector.extract %slice3A_331[0] : i32 from vector<1xi32>
      %mul3A_333 = arith.constant 16 : i32
      %mul3A_334 = arith.muli %scan3A_47, %mul3A_333 : i32
      %add3A_335 = arith.constant 6 : i32
      %add3A_336 = arith.addi %mul3A_334, %add3A_335 : i32
      %dma_start3A_337 = arith.constant 0 : i32
      %dma_start3A_338 = tpu.memref_slice %arg11[%add3A_336, %dma_start3A_337] : memref<256x64xf32, #tpu.memory_space<vmem>> -> memref<1x64xf32, #tpu.memory_space<vmem>>
      %dma_start3A_339 = tpu.memref_squeeze %dma_start3A_338 : memref<1x64xf32, #tpu.memory_space<vmem>> -> memref<64xf32, #tpu.memory_space<vmem>>
      %dma_start3A_340 = arith.constant 0 : i32
      %dma_start3A_341 = tpu.memref_slice %arg5[%squeeze3A_330, %squeeze3A_332, %dma_start3A_340] : memref<12500x8x64xf32, #tpu.memory_space<hbm>> -> memref<1x1x64xf32, #tpu.memory_space<hbm>>
      %dma_start3A_342 = tpu.memref_squeeze %dma_start3A_341 : memref<1x1x64xf32, #tpu.memory_space<hbm>> -> memref<64xf32, #tpu.memory_space<hbm>>
      %dma_start3A_343 = arith.constant 0 : i32
      %dma_start3A_344 = tpu.memref_slice %arg11[%add3A_336, %dma_start3A_343] : memref<256x64xf32, #tpu.memory_space<vmem>> -> memref<1x64xf32, #tpu.memory_space<vmem>>
      %dma_start3A_345 = tpu.memref_squeeze %dma_start3A_344 : memref<1x64xf32, #tpu.memory_space<vmem>> -> memref<64xf32, #tpu.memory_space<vmem>>
      %dma_start3A_346 = arith.constant 0 : i32
      %dma_start3A_347 = tpu.memref_slice %arg5[%squeeze3A_330, %squeeze3A_332, %dma_start3A_346] : memref<12500x8x64xf32, #tpu.memory_space<hbm>> -> memref<1x1x64xf32, #tpu.memory_space<hbm>>
      %dma_start3A_348 = tpu.memref_squeeze %dma_start3A_347 : memref<1x1x64xf32, #tpu.memory_space<hbm>> -> memref<64xf32, #tpu.memory_space<hbm>>
      tpu.enqueue_dma source(%dma_start3A_348 : memref<64xf32, #tpu.memory_space<hbm>>) target(%dma_start3A_345 : memref<64xf32, #tpu.memory_space<vmem>>) target_semaphore(%arg12 : memref<!tpu.dma_semaphore, #tpu.memory_space<semaphore_mem>>)
      %slice3A_349 = vector.extract_strided_slice %shift_right_logical3A_63 {offsets = [7], sizes = [1], strides = [1]} : vector<16xi32> to vector<1xi32>
      %squeeze3A_350 = vector.extract %slice3A_349[0] : i32 from vector<1xi32>
      %slice3A_351 = vector.extract_strided_slice %and3A_65 {offsets = [7], sizes = [1], strides = [1]} : vector<16xi32> to vector<1xi32>
      %squeeze3A_352 = vector.extract %slice3A_351[0] : i32 from vector<1xi32>
      %mul3A_353 = arith.constant 16 : i32
      %mul3A_354 = arith.muli %scan3A_47, %mul3A_353 : i32
      %add3A_355 = arith.constant 7 : i32
      %add3A_356 = arith.addi %mul3A_354, %add3A_355 : i32
      %dma_start3A_357 = arith.constant 0 : i32
      %dma_start3A_358 = tpu.memref_slice %arg10[%add3A_356, %dma_start3A_357] : memref<256x64xf32, #tpu.memory_space<vmem>> -> memref<1x64xf32, #tpu.memory_space<vmem>>
      %dma_start3A_359 = tpu.memref_squeeze %dma_start3A_358 : memref<1x64xf32, #tpu.memory_space<vmem>> -> memref<64xf32, #tpu.memory_space<vmem>>
      %dma_start3A_360 = arith.constant 0 : i32
      %dma_start3A_361 = tpu.memref_slice %arg4[%squeeze3A_350, %squeeze3A_352, %dma_start3A_360] : memref<125000x8x64xf32, #tpu.memory_space<hbm>> -> memref<1x1x64xf32, #tpu.memory_space<hbm>>
      %dma_start3A_362 = tpu.memref_squeeze %dma_start3A_361 : memref<1x1x64xf32, #tpu.memory_space<hbm>> -> memref<64xf32, #tpu.memory_space<hbm>>
      %dma_start3A_363 = arith.constant 0 : i32
      %dma_start3A_364 = tpu.memref_slice %arg10[%add3A_356, %dma_start3A_363] : memref<256x64xf32, #tpu.memory_space<vmem>> -> memref<1x64xf32, #tpu.memory_space<vmem>>
      %dma_start3A_365 = tpu.memref_squeeze %dma_start3A_364 : memref<1x64xf32, #tpu.memory_space<vmem>> -> memref<64xf32, #tpu.memory_space<vmem>>
      %dma_start3A_366 = arith.constant 0 : i32
      %dma_start3A_367 = tpu.memref_slice %arg4[%squeeze3A_350, %squeeze3A_352, %dma_start3A_366] : memref<125000x8x64xf32, #tpu.memory_space<hbm>> -> memref<1x1x64xf32, #tpu.memory_space<hbm>>
      %dma_start3A_368 = tpu.memref_squeeze %dma_start3A_367 : memref<1x1x64xf32, #tpu.memory_space<hbm>> -> memref<64xf32, #tpu.memory_space<hbm>>
      tpu.enqueue_dma source(%dma_start3A_368 : memref<64xf32, #tpu.memory_space<hbm>>) target(%dma_start3A_365 : memref<64xf32, #tpu.memory_space<vmem>>) target_semaphore(%arg12 : memref<!tpu.dma_semaphore, #tpu.memory_space<semaphore_mem>>)
      %slice3A_369 = vector.extract_strided_slice %shift_right_logical3A_68 {offsets = [7], sizes = [1], strides = [1]} : vector<16xi32> to vector<1xi32>
      %squeeze3A_370 = vector.extract %slice3A_369[0] : i32 from vector<1xi32>
      %slice3A_371 = vector.extract_strided_slice %and3A_71 {offsets = [7], sizes = [1], strides = [1]} : vector<16xi32> to vector<1xi32>
      %squeeze3A_372 = vector.extract %slice3A_371[0] : i32 from vector<1xi32>
      %mul3A_373 = arith.constant 16 : i32
      %mul3A_374 = arith.muli %scan3A_47, %mul3A_373 : i32
      %add3A_375 = arith.constant 7 : i32
      %add3A_376 = arith.addi %mul3A_374, %add3A_375 : i32
      %dma_start3A_377 = arith.constant 0 : i32
      %dma_start3A_378 = tpu.memref_slice %arg11[%add3A_376, %dma_start3A_377] : memref<256x64xf32, #tpu.memory_space<vmem>> -> memref<1x64xf32, #tpu.memory_space<vmem>>
      %dma_start3A_379 = tpu.memref_squeeze %dma_start3A_378 : memref<1x64xf32, #tpu.memory_space<vmem>> -> memref<64xf32, #tpu.memory_space<vmem>>
      %dma_start3A_380 = arith.constant 0 : i32
      %dma_start3A_381 = tpu.memref_slice %arg5[%squeeze3A_370, %squeeze3A_372, %dma_start3A_380] : memref<12500x8x64xf32, #tpu.memory_space<hbm>> -> memref<1x1x64xf32, #tpu.memory_space<hbm>>
      %dma_start3A_382 = tpu.memref_squeeze %dma_start3A_381 : memref<1x1x64xf32, #tpu.memory_space<hbm>> -> memref<64xf32, #tpu.memory_space<hbm>>
      %dma_start3A_383 = arith.constant 0 : i32
      %dma_start3A_384 = tpu.memref_slice %arg11[%add3A_376, %dma_start3A_383] : memref<256x64xf32, #tpu.memory_space<vmem>> -> memref<1x64xf32, #tpu.memory_space<vmem>>
      %dma_start3A_385 = tpu.memref_squeeze %dma_start3A_384 : memref<1x64xf32, #tpu.memory_space<vmem>> -> memref<64xf32, #tpu.memory_space<vmem>>
      %dma_start3A_386 = arith.constant 0 : i32
      %dma_start3A_387 = tpu.memref_slice %arg5[%squeeze3A_370, %squeeze3A_372, %dma_start3A_386] : memref<12500x8x64xf32, #tpu.memory_space<hbm>> -> memref<1x1x64xf32, #tpu.memory_space<hbm>>
      %dma_start3A_388 = tpu.memref_squeeze %dma_start3A_387 : memref<1x1x64xf32, #tpu.memory_space<hbm>> -> memref<64xf32, #tpu.memory_space<hbm>>
      tpu.enqueue_dma source(%dma_start3A_388 : memref<64xf32, #tpu.memory_space<hbm>>) target(%dma_start3A_385 : memref<64xf32, #tpu.memory_space<vmem>>) target_semaphore(%arg12 : memref<!tpu.dma_semaphore, #tpu.memory_space<semaphore_mem>>)
      %slice3A_389 = vector.extract_strided_slice %shift_right_logical3A_63 {offsets = [8], sizes = [1], strides = [1]} : vector<16xi32> to vector<1xi32>
      %squeeze3A_390 = vector.extract %slice3A_389[0] : i32 from vector<1xi32>
      %slice3A_391 = vector.extract_strided_slice %and3A_65 {offsets = [8], sizes = [1], strides = [1]} : vector<16xi32> to vector<1xi32>
      %squeeze3A_392 = vector.extract %slice3A_391[0] : i32 from vector<1xi32>
      %mul3A_393 = arith.constant 16 : i32
      %mul3A_394 = arith.muli %scan3A_47, %mul3A_393 : i32
      %add3A_395 = arith.constant 8 : i32
      %add3A_396 = arith.addi %mul3A_394, %add3A_395 : i32
      %dma_start3A_397 = arith.constant 0 : i32
      %dma_start3A_398 = tpu.memref_slice %arg10[%add3A_396, %dma_start3A_397] : memref<256x64xf32, #tpu.memory_space<vmem>> -> memref<1x64xf32, #tpu.memory_space<vmem>>
      %dma_start3A_399 = tpu.memref_squeeze %dma_start3A_398 : memref<1x64xf32, #tpu.memory_space<vmem>> -> memref<64xf32, #tpu.memory_space<vmem>>
      %dma_start3A_400 = arith.constant 0 : i32
      %dma_start3A_401 = tpu.memref_slice %arg4[%squeeze3A_390, %squeeze3A_392, %dma_start3A_400] : memref<125000x8x64xf32, #tpu.memory_space<hbm>> -> memref<1x1x64xf32, #tpu.memory_space<hbm>>
      %dma_start3A_402 = tpu.memref_squeeze %dma_start3A_401 : memref<1x1x64xf32, #tpu.memory_space<hbm>> -> memref<64xf32, #tpu.memory_space<hbm>>
      %dma_start3A_403 = arith.constant 0 : i32
      %dma_start3A_404 = tpu.memref_slice %arg10[%add3A_396, %dma_start3A_403] : memref<256x64xf32, #tpu.memory_space<vmem>> -> memref<1x64xf32, #tpu.memory_space<vmem>>
      %dma_start3A_405 = tpu.memref_squeeze %dma_start3A_404 : memref<1x64xf32, #tpu.memory_space<vmem>> -> memref<64xf32, #tpu.memory_space<vmem>>
      %dma_start3A_406 = arith.constant 0 : i32
      %dma_start3A_407 = tpu.memref_slice %arg4[%squeeze3A_390, %squeeze3A_392, %dma_start3A_406] : memref<125000x8x64xf32, #tpu.memory_space<hbm>> -> memref<1x1x64xf32, #tpu.memory_space<hbm>>
      %dma_start3A_408 = tpu.memref_squeeze %dma_start3A_407 : memref<1x1x64xf32, #tpu.memory_space<hbm>> -> memref<64xf32, #tpu.memory_space<hbm>>
      tpu.enqueue_dma source(%dma_start3A_408 : memref<64xf32, #tpu.memory_space<hbm>>) target(%dma_start3A_405 : memref<64xf32, #tpu.memory_space<vmem>>) target_semaphore(%arg12 : memref<!tpu.dma_semaphore, #tpu.memory_space<semaphore_mem>>)
      %slice3A_409 = vector.extract_strided_slice %shift_right_logical3A_68 {offsets = [8], sizes = [1], strides = [1]} : vector<16xi32> to vector<1xi32>
      %squeeze3A_410 = vector.extract %slice3A_409[0] : i32 from vector<1xi32>
      %slice3A_411 = vector.extract_strided_slice %and3A_71 {offsets = [8], sizes = [1], strides = [1]} : vector<16xi32> to vector<1xi32>
      %squeeze3A_412 = vector.extract %slice3A_411[0] : i32 from vector<1xi32>
      %mul3A_413 = arith.constant 16 : i32
      %mul3A_414 = arith.muli %scan3A_47, %mul3A_413 : i32
      %add3A_415 = arith.constant 8 : i32
      %add3A_416 = arith.addi %mul3A_414, %add3A_415 : i32
      %dma_start3A_417 = arith.constant 0 : i32
      %dma_start3A_418 = tpu.memref_slice %arg11[%add3A_416, %dma_start3A_417] : memref<256x64xf32, #tpu.memory_space<vmem>> -> memref<1x64xf32, #tpu.memory_space<vmem>>
      %dma_start3A_419 = tpu.memref_squeeze %dma_start3A_418 : memref<1x64xf32, #tpu.memory_space<vmem>> -> memref<64xf32, #tpu.memory_space<vmem>>
      %dma_start3A_420 = arith.constant 0 : i32
      %dma_start3A_421 = tpu.memref_slice %arg5[%squeeze3A_410, %squeeze3A_412, %dma_start3A_420] : memref<12500x8x64xf32, #tpu.memory_space<hbm>> -> memref<1x1x64xf32, #tpu.memory_space<hbm>>
      %dma_start3A_422 = tpu.memref_squeeze %dma_start3A_421 : memref<1x1x64xf32, #tpu.memory_space<hbm>> -> memref<64xf32, #tpu.memory_space<hbm>>
      %dma_start3A_423 = arith.constant 0 : i32
      %dma_start3A_424 = tpu.memref_slice %arg11[%add3A_416, %dma_start3A_423] : memref<256x64xf32, #tpu.memory_space<vmem>> -> memref<1x64xf32, #tpu.memory_space<vmem>>
      %dma_start3A_425 = tpu.memref_squeeze %dma_start3A_424 : memref<1x64xf32, #tpu.memory_space<vmem>> -> memref<64xf32, #tpu.memory_space<vmem>>
      %dma_start3A_426 = arith.constant 0 : i32
      %dma_start3A_427 = tpu.memref_slice %arg5[%squeeze3A_410, %squeeze3A_412, %dma_start3A_426] : memref<12500x8x64xf32, #tpu.memory_space<hbm>> -> memref<1x1x64xf32, #tpu.memory_space<hbm>>
      %dma_start3A_428 = tpu.memref_squeeze %dma_start3A_427 : memref<1x1x64xf32, #tpu.memory_space<hbm>> -> memref<64xf32, #tpu.memory_space<hbm>>
      tpu.enqueue_dma source(%dma_start3A_428 : memref<64xf32, #tpu.memory_space<hbm>>) target(%dma_start3A_425 : memref<64xf32, #tpu.memory_space<vmem>>) target_semaphore(%arg12 : memref<!tpu.dma_semaphore, #tpu.memory_space<semaphore_mem>>)
      %slice3A_429 = vector.extract_strided_slice %shift_right_logical3A_63 {offsets = [9], sizes = [1], strides = [1]} : vector<16xi32> to vector<1xi32>
      %squeeze3A_430 = vector.extract %slice3A_429[0] : i32 from vector<1xi32>
      %slice3A_431 = vector.extract_strided_slice %and3A_65 {offsets = [9], sizes = [1], strides = [1]} : vector<16xi32> to vector<1xi32>
      %squeeze3A_432 = vector.extract %slice3A_431[0] : i32 from vector<1xi32>
      %mul3A_433 = arith.constant 16 : i32
      %mul3A_434 = arith.muli %scan3A_47, %mul3A_433 : i32
      %add3A_435 = arith.constant 9 : i32
      %add3A_436 = arith.addi %mul3A_434, %add3A_435 : i32
      %dma_start3A_437 = arith.constant 0 : i32
      %dma_start3A_438 = tpu.memref_slice %arg10[%add3A_436, %dma_start3A_437] : memref<256x64xf32, #tpu.memory_space<vmem>> -> memref<1x64xf32, #tpu.memory_space<vmem>>
      %dma_start3A_439 = tpu.memref_squeeze %dma_start3A_438 : memref<1x64xf32, #tpu.memory_space<vmem>> -> memref<64xf32, #tpu.memory_space<vmem>>
      %dma_start3A_440 = arith.constant 0 : i32
      %dma_start3A_441 = tpu.memref_slice %arg4[%squeeze3A_430, %squeeze3A_432, %dma_start3A_440] : memref<125000x8x64xf32, #tpu.memory_space<hbm>> -> memref<1x1x64xf32, #tpu.memory_space<hbm>>
      %dma_start3A_442 = tpu.memref_squeeze %dma_start3A_441 : memref<1x1x64xf32, #tpu.memory_space<hbm>> -> memref<64xf32, #tpu.memory_space<hbm>>
      %dma_start3A_443 = arith.constant 0 : i32
      %dma_start3A_444 = tpu.memref_slice %arg10[%add3A_436, %dma_start3A_443] : memref<256x64xf32, #tpu.memory_space<vmem>> -> memref<1x64xf32, #tpu.memory_space<vmem>>
      %dma_start3A_445 = tpu.memref_squeeze %dma_start3A_444 : memref<1x64xf32, #tpu.memory_space<vmem>> -> memref<64xf32, #tpu.memory_space<vmem>>
      %dma_start3A_446 = arith.constant 0 : i32
      %dma_start3A_447 = tpu.memref_slice %arg4[%squeeze3A_430, %squeeze3A_432, %dma_start3A_446] : memref<125000x8x64xf32, #tpu.memory_space<hbm>> -> memref<1x1x64xf32, #tpu.memory_space<hbm>>
      %dma_start3A_448 = tpu.memref_squeeze %dma_start3A_447 : memref<1x1x64xf32, #tpu.memory_space<hbm>> -> memref<64xf32, #tpu.memory_space<hbm>>
      tpu.enqueue_dma source(%dma_start3A_448 : memref<64xf32, #tpu.memory_space<hbm>>) target(%dma_start3A_445 : memref<64xf32, #tpu.memory_space<vmem>>) target_semaphore(%arg12 : memref<!tpu.dma_semaphore, #tpu.memory_space<semaphore_mem>>)
      %slice3A_449 = vector.extract_strided_slice %shift_right_logical3A_68 {offsets = [9], sizes = [1], strides = [1]} : vector<16xi32> to vector<1xi32>
      %squeeze3A_450 = vector.extract %slice3A_449[0] : i32 from vector<1xi32>
      %slice3A_451 = vector.extract_strided_slice %and3A_71 {offsets = [9], sizes = [1], strides = [1]} : vector<16xi32> to vector<1xi32>
      %squeeze3A_452 = vector.extract %slice3A_451[0] : i32 from vector<1xi32>
      %mul3A_453 = arith.constant 16 : i32
      %mul3A_454 = arith.muli %scan3A_47, %mul3A_453 : i32
      %add3A_455 = arith.constant 9 : i32
      %add3A_456 = arith.addi %mul3A_454, %add3A_455 : i32
      %dma_start3A_457 = arith.constant 0 : i32
      %dma_start3A_458 = tpu.memref_slice %arg11[%add3A_456, %dma_start3A_457] : memref<256x64xf32, #tpu.memory_space<vmem>> -> memref<1x64xf32, #tpu.memory_space<vmem>>
      %dma_start3A_459 = tpu.memref_squeeze %dma_start3A_458 : memref<1x64xf32, #tpu.memory_space<vmem>> -> memref<64xf32, #tpu.memory_space<vmem>>
      %dma_start3A_460 = arith.constant 0 : i32
      %dma_start3A_461 = tpu.memref_slice %arg5[%squeeze3A_450, %squeeze3A_452, %dma_start3A_460] : memref<12500x8x64xf32, #tpu.memory_space<hbm>> -> memref<1x1x64xf32, #tpu.memory_space<hbm>>
      %dma_start3A_462 = tpu.memref_squeeze %dma_start3A_461 : memref<1x1x64xf32, #tpu.memory_space<hbm>> -> memref<64xf32, #tpu.memory_space<hbm>>
      %dma_start3A_463 = arith.constant 0 : i32
      %dma_start3A_464 = tpu.memref_slice %arg11[%add3A_456, %dma_start3A_463] : memref<256x64xf32, #tpu.memory_space<vmem>> -> memref<1x64xf32, #tpu.memory_space<vmem>>
      %dma_start3A_465 = tpu.memref_squeeze %dma_start3A_464 : memref<1x64xf32, #tpu.memory_space<vmem>> -> memref<64xf32, #tpu.memory_space<vmem>>
      %dma_start3A_466 = arith.constant 0 : i32
      %dma_start3A_467 = tpu.memref_slice %arg5[%squeeze3A_450, %squeeze3A_452, %dma_start3A_466] : memref<12500x8x64xf32, #tpu.memory_space<hbm>> -> memref<1x1x64xf32, #tpu.memory_space<hbm>>
      %dma_start3A_468 = tpu.memref_squeeze %dma_start3A_467 : memref<1x1x64xf32, #tpu.memory_space<hbm>> -> memref<64xf32, #tpu.memory_space<hbm>>
      tpu.enqueue_dma source(%dma_start3A_468 : memref<64xf32, #tpu.memory_space<hbm>>) target(%dma_start3A_465 : memref<64xf32, #tpu.memory_space<vmem>>) target_semaphore(%arg12 : memref<!tpu.dma_semaphore, #tpu.memory_space<semaphore_mem>>)
      %slice3A_469 = vector.extract_strided_slice %shift_right_logical3A_63 {offsets = [10], sizes = [1], strides = [1]} : vector<16xi32> to vector<1xi32>
      %squeeze3A_470 = vector.extract %slice3A_469[0] : i32 from vector<1xi32>
      %slice3A_471 = vector.extract_strided_slice %and3A_65 {offsets = [10], sizes = [1], strides = [1]} : vector<16xi32> to vector<1xi32>
      %squeeze3A_472 = vector.extract %slice3A_471[0] : i32 from vector<1xi32>
      %mul3A_473 = arith.constant 16 : i32
      %mul3A_474 = arith.muli %scan3A_47, %mul3A_473 : i32
      %add3A_475 = arith.constant 10 : i32
      %add3A_476 = arith.addi %mul3A_474, %add3A_475 : i32
      %dma_start3A_477 = arith.constant 0 : i32
      %dma_start3A_478 = tpu.memref_slice %arg10[%add3A_476, %dma_start3A_477] : memref<256x64xf32, #tpu.memory_space<vmem>> -> memref<1x64xf32, #tpu.memory_space<vmem>>
      %dma_start3A_479 = tpu.memref_squeeze %dma_start3A_478 : memref<1x64xf32, #tpu.memory_space<vmem>> -> memref<64xf32, #tpu.memory_space<vmem>>
      %dma_start3A_480 = arith.constant 0 : i32
      %dma_start3A_481 = tpu.memref_slice %arg4[%squeeze3A_470, %squeeze3A_472, %dma_start3A_480] : memref<125000x8x64xf32, #tpu.memory_space<hbm>> -> memref<1x1x64xf32, #tpu.memory_space<hbm>>
      %dma_start3A_482 = tpu.memref_squeeze %dma_start3A_481 : memref<1x1x64xf32, #tpu.memory_space<hbm>> -> memref<64xf32, #tpu.memory_space<hbm>>
      %dma_start3A_483 = arith.constant 0 : i32
      %dma_start3A_484 = tpu.memref_slice %arg10[%add3A_476, %dma_start3A_483] : memref<256x64xf32, #tpu.memory_space<vmem>> -> memref<1x64xf32, #tpu.memory_space<vmem>>
      %dma_start3A_485 = tpu.memref_squeeze %dma_start3A_484 : memref<1x64xf32, #tpu.memory_space<vmem>> -> memref<64xf32, #tpu.memory_space<vmem>>
      %dma_start3A_486 = arith.constant 0 : i32
      %dma_start3A_487 = tpu.memref_slice %arg4[%squeeze3A_470, %squeeze3A_472, %dma_start3A_486] : memref<125000x8x64xf32, #tpu.memory_space<hbm>> -> memref<1x1x64xf32, #tpu.memory_space<hbm>>
      %dma_start3A_488 = tpu.memref_squeeze %dma_start3A_487 : memref<1x1x64xf32, #tpu.memory_space<hbm>> -> memref<64xf32, #tpu.memory_space<hbm>>
      tpu.enqueue_dma source(%dma_start3A_488 : memref<64xf32, #tpu.memory_space<hbm>>) target(%dma_start3A_485 : memref<64xf32, #tpu.memory_space<vmem>>) target_semaphore(%arg12 : memref<!tpu.dma_semaphore, #tpu.memory_space<semaphore_mem>>)
      %slice3A_489 = vector.extract_strided_slice %shift_right_logical3A_68 {offsets = [10], sizes = [1], strides = [1]} : vector<16xi32> to vector<1xi32>
      %squeeze3A_490 = vector.extract %slice3A_489[0] : i32 from vector<1xi32>
      %slice3A_491 = vector.extract_strided_slice %and3A_71 {offsets = [10], sizes = [1], strides = [1]} : vector<16xi32> to vector<1xi32>
      %squeeze3A_492 = vector.extract %slice3A_491[0] : i32 from vector<1xi32>
      %mul3A_493 = arith.constant 16 : i32
      %mul3A_494 = arith.muli %scan3A_47, %mul3A_493 : i32
      %add3A_495 = arith.constant 10 : i32
      %add3A_496 = arith.addi %mul3A_494, %add3A_495 : i32
      %dma_start3A_497 = arith.constant 0 : i32
      %dma_start3A_498 = tpu.memref_slice %arg11[%add3A_496, %dma_start3A_497] : memref<256x64xf32, #tpu.memory_space<vmem>> -> memref<1x64xf32, #tpu.memory_space<vmem>>
      %dma_start3A_499 = tpu.memref_squeeze %dma_start3A_498 : memref<1x64xf32, #tpu.memory_space<vmem>> -> memref<64xf32, #tpu.memory_space<vmem>>
      %dma_start3A_500 = arith.constant 0 : i32
      %dma_start3A_501 = tpu.memref_slice %arg5[%squeeze3A_490, %squeeze3A_492, %dma_start3A_500] : memref<12500x8x64xf32, #tpu.memory_space<hbm>> -> memref<1x1x64xf32, #tpu.memory_space<hbm>>
      %dma_start3A_502 = tpu.memref_squeeze %dma_start3A_501 : memref<1x1x64xf32, #tpu.memory_space<hbm>> -> memref<64xf32, #tpu.memory_space<hbm>>
      %dma_start3A_503 = arith.constant 0 : i32
      %dma_start3A_504 = tpu.memref_slice %arg11[%add3A_496, %dma_start3A_503] : memref<256x64xf32, #tpu.memory_space<vmem>> -> memref<1x64xf32, #tpu.memory_space<vmem>>
      %dma_start3A_505 = tpu.memref_squeeze %dma_start3A_504 : memref<1x64xf32, #tpu.memory_space<vmem>> -> memref<64xf32, #tpu.memory_space<vmem>>
      %dma_start3A_506 = arith.constant 0 : i32
      %dma_start3A_507 = tpu.memref_slice %arg5[%squeeze3A_490, %squeeze3A_492, %dma_start3A_506] : memref<12500x8x64xf32, #tpu.memory_space<hbm>> -> memref<1x1x64xf32, #tpu.memory_space<hbm>>
      %dma_start3A_508 = tpu.memref_squeeze %dma_start3A_507 : memref<1x1x64xf32, #tpu.memory_space<hbm>> -> memref<64xf32, #tpu.memory_space<hbm>>
      tpu.enqueue_dma source(%dma_start3A_508 : memref<64xf32, #tpu.memory_space<hbm>>) target(%dma_start3A_505 : memref<64xf32, #tpu.memory_space<vmem>>) target_semaphore(%arg12 : memref<!tpu.dma_semaphore, #tpu.memory_space<semaphore_mem>>)
      %slice3A_509 = vector.extract_strided_slice %shift_right_logical3A_63 {offsets = [11], sizes = [1], strides = [1]} : vector<16xi32> to vector<1xi32>
      %squeeze3A_510 = vector.extract %slice3A_509[0] : i32 from vector<1xi32>
      %slice3A_511 = vector.extract_strided_slice %and3A_65 {offsets = [11], sizes = [1], strides = [1]} : vector<16xi32> to vector<1xi32>
      %squeeze3A_512 = vector.extract %slice3A_511[0] : i32 from vector<1xi32>
      %mul3A_513 = arith.constant 16 : i32
      %mul3A_514 = arith.muli %scan3A_47, %mul3A_513 : i32
      %add3A_515 = arith.constant 11 : i32
      %add3A_516 = arith.addi %mul3A_514, %add3A_515 : i32
      %dma_start3A_517 = arith.constant 0 : i32
      %dma_start3A_518 = tpu.memref_slice %arg10[%add3A_516, %dma_start3A_517] : memref<256x64xf32, #tpu.memory_space<vmem>> -> memref<1x64xf32, #tpu.memory_space<vmem>>
      %dma_start3A_519 = tpu.memref_squeeze %dma_start3A_518 : memref<1x64xf32, #tpu.memory_space<vmem>> -> memref<64xf32, #tpu.memory_space<vmem>>
      %dma_start3A_520 = arith.constant 0 : i32
      %dma_start3A_521 = tpu.memref_slice %arg4[%squeeze3A_510, %squeeze3A_512, %dma_start3A_520] : memref<125000x8x64xf32, #tpu.memory_space<hbm>> -> memref<1x1x64xf32, #tpu.memory_space<hbm>>
      %dma_start3A_522 = tpu.memref_squeeze %dma_start3A_521 : memref<1x1x64xf32, #tpu.memory_space<hbm>> -> memref<64xf32, #tpu.memory_space<hbm>>
      %dma_start3A_523 = arith.constant 0 : i32
      %dma_start3A_524 = tpu.memref_slice %arg10[%add3A_516, %dma_start3A_523] : memref<256x64xf32, #tpu.memory_space<vmem>> -> memref<1x64xf32, #tpu.memory_space<vmem>>
      %dma_start3A_525 = tpu.memref_squeeze %dma_start3A_524 : memref<1x64xf32, #tpu.memory_space<vmem>> -> memref<64xf32, #tpu.memory_space<vmem>>
      %dma_start3A_526 = arith.constant 0 : i32
      %dma_start3A_527 = tpu.memref_slice %arg4[%squeeze3A_510, %squeeze3A_512, %dma_start3A_526] : memref<125000x8x64xf32, #tpu.memory_space<hbm>> -> memref<1x1x64xf32, #tpu.memory_space<hbm>>
      %dma_start3A_528 = tpu.memref_squeeze %dma_start3A_527 : memref<1x1x64xf32, #tpu.memory_space<hbm>> -> memref<64xf32, #tpu.memory_space<hbm>>
      tpu.enqueue_dma source(%dma_start3A_528 : memref<64xf32, #tpu.memory_space<hbm>>) target(%dma_start3A_525 : memref<64xf32, #tpu.memory_space<vmem>>) target_semaphore(%arg12 : memref<!tpu.dma_semaphore, #tpu.memory_space<semaphore_mem>>)
      %slice3A_529 = vector.extract_strided_slice %shift_right_logical3A_68 {offsets = [11], sizes = [1], strides = [1]} : vector<16xi32> to vector<1xi32>
      %squeeze3A_530 = vector.extract %slice3A_529[0] : i32 from vector<1xi32>
      %slice3A_531 = vector.extract_strided_slice %and3A_71 {offsets = [11], sizes = [1], strides = [1]} : vector<16xi32> to vector<1xi32>
      %squeeze3A_532 = vector.extract %slice3A_531[0] : i32 from vector<1xi32>
      %mul3A_533 = arith.constant 16 : i32
      %mul3A_534 = arith.muli %scan3A_47, %mul3A_533 : i32
      %add3A_535 = arith.constant 11 : i32
      %add3A_536 = arith.addi %mul3A_534, %add3A_535 : i32
      %dma_start3A_537 = arith.constant 0 : i32
      %dma_start3A_538 = tpu.memref_slice %arg11[%add3A_536, %dma_start3A_537] : memref<256x64xf32, #tpu.memory_space<vmem>> -> memref<1x64xf32, #tpu.memory_space<vmem>>
      %dma_start3A_539 = tpu.memref_squeeze %dma_start3A_538 : memref<1x64xf32, #tpu.memory_space<vmem>> -> memref<64xf32, #tpu.memory_space<vmem>>
      %dma_start3A_540 = arith.constant 0 : i32
      %dma_start3A_541 = tpu.memref_slice %arg5[%squeeze3A_530, %squeeze3A_532, %dma_start3A_540] : memref<12500x8x64xf32, #tpu.memory_space<hbm>> -> memref<1x1x64xf32, #tpu.memory_space<hbm>>
      %dma_start3A_542 = tpu.memref_squeeze %dma_start3A_541 : memref<1x1x64xf32, #tpu.memory_space<hbm>> -> memref<64xf32, #tpu.memory_space<hbm>>
      %dma_start3A_543 = arith.constant 0 : i32
      %dma_start3A_544 = tpu.memref_slice %arg11[%add3A_536, %dma_start3A_543] : memref<256x64xf32, #tpu.memory_space<vmem>> -> memref<1x64xf32, #tpu.memory_space<vmem>>
      %dma_start3A_545 = tpu.memref_squeeze %dma_start3A_544 : memref<1x64xf32, #tpu.memory_space<vmem>> -> memref<64xf32, #tpu.memory_space<vmem>>
      %dma_start3A_546 = arith.constant 0 : i32
      %dma_start3A_547 = tpu.memref_slice %arg5[%squeeze3A_530, %squeeze3A_532, %dma_start3A_546] : memref<12500x8x64xf32, #tpu.memory_space<hbm>> -> memref<1x1x64xf32, #tpu.memory_space<hbm>>
      %dma_start3A_548 = tpu.memref_squeeze %dma_start3A_547 : memref<1x1x64xf32, #tpu.memory_space<hbm>> -> memref<64xf32, #tpu.memory_space<hbm>>
      tpu.enqueue_dma source(%dma_start3A_548 : memref<64xf32, #tpu.memory_space<hbm>>) target(%dma_start3A_545 : memref<64xf32, #tpu.memory_space<vmem>>) target_semaphore(%arg12 : memref<!tpu.dma_semaphore, #tpu.memory_space<semaphore_mem>>)
      %slice3A_549 = vector.extract_strided_slice %shift_right_logical3A_63 {offsets = [12], sizes = [1], strides = [1]} : vector<16xi32> to vector<1xi32>
      %squeeze3A_550 = vector.extract %slice3A_549[0] : i32 from vector<1xi32>
      %slice3A_551 = vector.extract_strided_slice %and3A_65 {offsets = [12], sizes = [1], strides = [1]} : vector<16xi32> to vector<1xi32>
      %squeeze3A_552 = vector.extract %slice3A_551[0] : i32 from vector<1xi32>
      %mul3A_553 = arith.constant 16 : i32
      %mul3A_554 = arith.muli %scan3A_47, %mul3A_553 : i32
      %add3A_555 = arith.constant 12 : i32
      %add3A_556 = arith.addi %mul3A_554, %add3A_555 : i32
      %dma_start3A_557 = arith.constant 0 : i32
      %dma_start3A_558 = tpu.memref_slice %arg10[%add3A_556, %dma_start3A_557] : memref<256x64xf32, #tpu.memory_space<vmem>> -> memref<1x64xf32, #tpu.memory_space<vmem>>
      %dma_start3A_559 = tpu.memref_squeeze %dma_start3A_558 : memref<1x64xf32, #tpu.memory_space<vmem>> -> memref<64xf32, #tpu.memory_space<vmem>>
      %dma_start3A_560 = arith.constant 0 : i32
      %dma_start3A_561 = tpu.memref_slice %arg4[%squeeze3A_550, %squeeze3A_552, %dma_start3A_560] : memref<125000x8x64xf32, #tpu.memory_space<hbm>> -> memref<1x1x64xf32, #tpu.memory_space<hbm>>
      %dma_start3A_562 = tpu.memref_squeeze %dma_start3A_561 : memref<1x1x64xf32, #tpu.memory_space<hbm>> -> memref<64xf32, #tpu.memory_space<hbm>>
      %dma_start3A_563 = arith.constant 0 : i32
      %dma_start3A_564 = tpu.memref_slice %arg10[%add3A_556, %dma_start3A_563] : memref<256x64xf32, #tpu.memory_space<vmem>> -> memref<1x64xf32, #tpu.memory_space<vmem>>
      %dma_start3A_565 = tpu.memref_squeeze %dma_start3A_564 : memref<1x64xf32, #tpu.memory_space<vmem>> -> memref<64xf32, #tpu.memory_space<vmem>>
      %dma_start3A_566 = arith.constant 0 : i32
      %dma_start3A_567 = tpu.memref_slice %arg4[%squeeze3A_550, %squeeze3A_552, %dma_start3A_566] : memref<125000x8x64xf32, #tpu.memory_space<hbm>> -> memref<1x1x64xf32, #tpu.memory_space<hbm>>
      %dma_start3A_568 = tpu.memref_squeeze %dma_start3A_567 : memref<1x1x64xf32, #tpu.memory_space<hbm>> -> memref<64xf32, #tpu.memory_space<hbm>>
      tpu.enqueue_dma source(%dma_start3A_568 : memref<64xf32, #tpu.memory_space<hbm>>) target(%dma_start3A_565 : memref<64xf32, #tpu.memory_space<vmem>>) target_semaphore(%arg12 : memref<!tpu.dma_semaphore, #tpu.memory_space<semaphore_mem>>)
      %slice3A_569 = vector.extract_strided_slice %shift_right_logical3A_68 {offsets = [12], sizes = [1], strides = [1]} : vector<16xi32> to vector<1xi32>
      %squeeze3A_570 = vector.extract %slice3A_569[0] : i32 from vector<1xi32>
      %slice3A_571 = vector.extract_strided_slice %and3A_71 {offsets = [12], sizes = [1], strides = [1]} : vector<16xi32> to vector<1xi32>
      %squeeze3A_572 = vector.extract %slice3A_571[0] : i32 from vector<1xi32>
      %mul3A_573 = arith.constant 16 : i32
      %mul3A_574 = arith.muli %scan3A_47, %mul3A_573 : i32
      %add3A_575 = arith.constant 12 : i32
      %add3A_576 = arith.addi %mul3A_574, %add3A_575 : i32
      %dma_start3A_577 = arith.constant 0 : i32
      %dma_start3A_578 = tpu.memref_slice %arg11[%add3A_576, %dma_start3A_577] : memref<256x64xf32, #tpu.memory_space<vmem>> -> memref<1x64xf32, #tpu.memory_space<vmem>>
      %dma_start3A_579 = tpu.memref_squeeze %dma_start3A_578 : memref<1x64xf32, #tpu.memory_space<vmem>> -> memref<64xf32, #tpu.memory_space<vmem>>
      %dma_start3A_580 = arith.constant 0 : i32
      %dma_start3A_581 = tpu.memref_slice %arg5[%squeeze3A_570, %squeeze3A_572, %dma_start3A_580] : memref<12500x8x64xf32, #tpu.memory_space<hbm>> -> memref<1x1x64xf32, #tpu.memory_space<hbm>>
      %dma_start3A_582 = tpu.memref_squeeze %dma_start3A_581 : memref<1x1x64xf32, #tpu.memory_space<hbm>> -> memref<64xf32, #tpu.memory_space<hbm>>
      %dma_start3A_583 = arith.constant 0 : i32
      %dma_start3A_584 = tpu.memref_slice %arg11[%add3A_576, %dma_start3A_583] : memref<256x64xf32, #tpu.memory_space<vmem>> -> memref<1x64xf32, #tpu.memory_space<vmem>>
      %dma_start3A_585 = tpu.memref_squeeze %dma_start3A_584 : memref<1x64xf32, #tpu.memory_space<vmem>> -> memref<64xf32, #tpu.memory_space<vmem>>
      %dma_start3A_586 = arith.constant 0 : i32
      %dma_start3A_587 = tpu.memref_slice %arg5[%squeeze3A_570, %squeeze3A_572, %dma_start3A_586] : memref<12500x8x64xf32, #tpu.memory_space<hbm>> -> memref<1x1x64xf32, #tpu.memory_space<hbm>>
      %dma_start3A_588 = tpu.memref_squeeze %dma_start3A_587 : memref<1x1x64xf32, #tpu.memory_space<hbm>> -> memref<64xf32, #tpu.memory_space<hbm>>
      tpu.enqueue_dma source(%dma_start3A_588 : memref<64xf32, #tpu.memory_space<hbm>>) target(%dma_start3A_585 : memref<64xf32, #tpu.memory_space<vmem>>) target_semaphore(%arg12 : memref<!tpu.dma_semaphore, #tpu.memory_space<semaphore_mem>>)
      %slice3A_589 = vector.extract_strided_slice %shift_right_logical3A_63 {offsets = [13], sizes = [1], strides = [1]} : vector<16xi32> to vector<1xi32>
      %squeeze3A_590 = vector.extract %slice3A_589[0] : i32 from vector<1xi32>
      %slice3A_591 = vector.extract_strided_slice %and3A_65 {offsets = [13], sizes = [1], strides = [1]} : vector<16xi32> to vector<1xi32>
      %squeeze3A_592 = vector.extract %slice3A_591[0] : i32 from vector<1xi32>
      %mul3A_593 = arith.constant 16 : i32
      %mul3A_594 = arith.muli %scan3A_47, %mul3A_593 : i32
      %add3A_595 = arith.constant 13 : i32
      %add3A_596 = arith.addi %mul3A_594, %add3A_595 : i32
      %dma_start3A_597 = arith.constant 0 : i32
      %dma_start3A_598 = tpu.memref_slice %arg10[%add3A_596, %dma_start3A_597] : memref<256x64xf32, #tpu.memory_space<vmem>> -> memref<1x64xf32, #tpu.memory_space<vmem>>
      %dma_start3A_599 = tpu.memref_squeeze %dma_start3A_598 : memref<1x64xf32, #tpu.memory_space<vmem>> -> memref<64xf32, #tpu.memory_space<vmem>>
      %dma_start3A_600 = arith.constant 0 : i32
      %dma_start3A_601 = tpu.memref_slice %arg4[%squeeze3A_590, %squeeze3A_592, %dma_start3A_600] : memref<125000x8x64xf32, #tpu.memory_space<hbm>> -> memref<1x1x64xf32, #tpu.memory_space<hbm>>
      %dma_start3A_602 = tpu.memref_squeeze %dma_start3A_601 : memref<1x1x64xf32, #tpu.memory_space<hbm>> -> memref<64xf32, #tpu.memory_space<hbm>>
      %dma_start3A_603 = arith.constant 0 : i32
      %dma_start3A_604 = tpu.memref_slice %arg10[%add3A_596, %dma_start3A_603] : memref<256x64xf32, #tpu.memory_space<vmem>> -> memref<1x64xf32, #tpu.memory_space<vmem>>
      %dma_start3A_605 = tpu.memref_squeeze %dma_start3A_604 : memref<1x64xf32, #tpu.memory_space<vmem>> -> memref<64xf32, #tpu.memory_space<vmem>>
      %dma_start3A_606 = arith.constant 0 : i32
      %dma_start3A_607 = tpu.memref_slice %arg4[%squeeze3A_590, %squeeze3A_592, %dma_start3A_606] : memref<125000x8x64xf32, #tpu.memory_space<hbm>> -> memref<1x1x64xf32, #tpu.memory_space<hbm>>
      %dma_start3A_608 = tpu.memref_squeeze %dma_start3A_607 : memref<1x1x64xf32, #tpu.memory_space<hbm>> -> memref<64xf32, #tpu.memory_space<hbm>>
      tpu.enqueue_dma source(%dma_start3A_608 : memref<64xf32, #tpu.memory_space<hbm>>) target(%dma_start3A_605 : memref<64xf32, #tpu.memory_space<vmem>>) target_semaphore(%arg12 : memref<!tpu.dma_semaphore, #tpu.memory_space<semaphore_mem>>)
      %slice3A_609 = vector.extract_strided_slice %shift_right_logical3A_68 {offsets = [13], sizes = [1], strides = [1]} : vector<16xi32> to vector<1xi32>
      %squeeze3A_610 = vector.extract %slice3A_609[0] : i32 from vector<1xi32>
      %slice3A_611 = vector.extract_strided_slice %and3A_71 {offsets = [13], sizes = [1], strides = [1]} : vector<16xi32> to vector<1xi32>
      %squeeze3A_612 = vector.extract %slice3A_611[0] : i32 from vector<1xi32>
      %mul3A_613 = arith.constant 16 : i32
      %mul3A_614 = arith.muli %scan3A_47, %mul3A_613 : i32
      %add3A_615 = arith.constant 13 : i32
      %add3A_616 = arith.addi %mul3A_614, %add3A_615 : i32
      %dma_start3A_617 = arith.constant 0 : i32
      %dma_start3A_618 = tpu.memref_slice %arg11[%add3A_616, %dma_start3A_617] : memref<256x64xf32, #tpu.memory_space<vmem>> -> memref<1x64xf32, #tpu.memory_space<vmem>>
      %dma_start3A_619 = tpu.memref_squeeze %dma_start3A_618 : memref<1x64xf32, #tpu.memory_space<vmem>> -> memref<64xf32, #tpu.memory_space<vmem>>
      %dma_start3A_620 = arith.constant 0 : i32
      %dma_start3A_621 = tpu.memref_slice %arg5[%squeeze3A_610, %squeeze3A_612, %dma_start3A_620] : memref<12500x8x64xf32, #tpu.memory_space<hbm>> -> memref<1x1x64xf32, #tpu.memory_space<hbm>>
      %dma_start3A_622 = tpu.memref_squeeze %dma_start3A_621 : memref<1x1x64xf32, #tpu.memory_space<hbm>> -> memref<64xf32, #tpu.memory_space<hbm>>
      %dma_start3A_623 = arith.constant 0 : i32
      %dma_start3A_624 = tpu.memref_slice %arg11[%add3A_616, %dma_start3A_623] : memref<256x64xf32, #tpu.memory_space<vmem>> -> memref<1x64xf32, #tpu.memory_space<vmem>>
      %dma_start3A_625 = tpu.memref_squeeze %dma_start3A_624 : memref<1x64xf32, #tpu.memory_space<vmem>> -> memref<64xf32, #tpu.memory_space<vmem>>
      %dma_start3A_626 = arith.constant 0 : i32
      %dma_start3A_627 = tpu.memref_slice %arg5[%squeeze3A_610, %squeeze3A_612, %dma_start3A_626] : memref<12500x8x64xf32, #tpu.memory_space<hbm>> -> memref<1x1x64xf32, #tpu.memory_space<hbm>>
      %dma_start3A_628 = tpu.memref_squeeze %dma_start3A_627 : memref<1x1x64xf32, #tpu.memory_space<hbm>> -> memref<64xf32, #tpu.memory_space<hbm>>
      tpu.enqueue_dma source(%dma_start3A_628 : memref<64xf32, #tpu.memory_space<hbm>>) target(%dma_start3A_625 : memref<64xf32, #tpu.memory_space<vmem>>) target_semaphore(%arg12 : memref<!tpu.dma_semaphore, #tpu.memory_space<semaphore_mem>>)
      %slice3A_629 = vector.extract_strided_slice %shift_right_logical3A_63 {offsets = [14], sizes = [1], strides = [1]} : vector<16xi32> to vector<1xi32>
      %squeeze3A_630 = vector.extract %slice3A_629[0] : i32 from vector<1xi32>
      %slice3A_631 = vector.extract_strided_slice %and3A_65 {offsets = [14], sizes = [1], strides = [1]} : vector<16xi32> to vector<1xi32>
      %squeeze3A_632 = vector.extract %slice3A_631[0] : i32 from vector<1xi32>
      %mul3A_633 = arith.constant 16 : i32
      %mul3A_634 = arith.muli %scan3A_47, %mul3A_633 : i32
      %add3A_635 = arith.constant 14 : i32
      %add3A_636 = arith.addi %mul3A_634, %add3A_635 : i32
      %dma_start3A_637 = arith.constant 0 : i32
      %dma_start3A_638 = tpu.memref_slice %arg10[%add3A_636, %dma_start3A_637] : memref<256x64xf32, #tpu.memory_space<vmem>> -> memref<1x64xf32, #tpu.memory_space<vmem>>
      %dma_start3A_639 = tpu.memref_squeeze %dma_start3A_638 : memref<1x64xf32, #tpu.memory_space<vmem>> -> memref<64xf32, #tpu.memory_space<vmem>>
      %dma_start3A_640 = arith.constant 0 : i32
      %dma_start3A_641 = tpu.memref_slice %arg4[%squeeze3A_630, %squeeze3A_632, %dma_start3A_640] : memref<125000x8x64xf32, #tpu.memory_space<hbm>> -> memref<1x1x64xf32, #tpu.memory_space<hbm>>
      %dma_start3A_642 = tpu.memref_squeeze %dma_start3A_641 : memref<1x1x64xf32, #tpu.memory_space<hbm>> -> memref<64xf32, #tpu.memory_space<hbm>>
      %dma_start3A_643 = arith.constant 0 : i32
      %dma_start3A_644 = tpu.memref_slice %arg10[%add3A_636, %dma_start3A_643] : memref<256x64xf32, #tpu.memory_space<vmem>> -> memref<1x64xf32, #tpu.memory_space<vmem>>
      %dma_start3A_645 = tpu.memref_squeeze %dma_start3A_644 : memref<1x64xf32, #tpu.memory_space<vmem>> -> memref<64xf32, #tpu.memory_space<vmem>>
      %dma_start3A_646 = arith.constant 0 : i32
      %dma_start3A_647 = tpu.memref_slice %arg4[%squeeze3A_630, %squeeze3A_632, %dma_start3A_646] : memref<125000x8x64xf32, #tpu.memory_space<hbm>> -> memref<1x1x64xf32, #tpu.memory_space<hbm>>
      %dma_start3A_648 = tpu.memref_squeeze %dma_start3A_647 : memref<1x1x64xf32, #tpu.memory_space<hbm>> -> memref<64xf32, #tpu.memory_space<hbm>>
      tpu.enqueue_dma source(%dma_start3A_648 : memref<64xf32, #tpu.memory_space<hbm>>) target(%dma_start3A_645 : memref<64xf32, #tpu.memory_space<vmem>>) target_semaphore(%arg12 : memref<!tpu.dma_semaphore, #tpu.memory_space<semaphore_mem>>)
      %slice3A_649 = vector.extract_strided_slice %shift_right_logical3A_68 {offsets = [14], sizes = [1], strides = [1]} : vector<16xi32> to vector<1xi32>
      %squeeze3A_650 = vector.extract %slice3A_649[0] : i32 from vector<1xi32>
      %slice3A_651 = vector.extract_strided_slice %and3A_71 {offsets = [14], sizes = [1], strides = [1]} : vector<16xi32> to vector<1xi32>
      %squeeze3A_652 = vector.extract %slice3A_651[0] : i32 from vector<1xi32>
      %mul3A_653 = arith.constant 16 : i32
      %mul3A_654 = arith.muli %scan3A_47, %mul3A_653 : i32
      %add3A_655 = arith.constant 14 : i32
      %add3A_656 = arith.addi %mul3A_654, %add3A_655 : i32
      %dma_start3A_657 = arith.constant 0 : i32
      %dma_start3A_658 = tpu.memref_slice %arg11[%add3A_656, %dma_start3A_657] : memref<256x64xf32, #tpu.memory_space<vmem>> -> memref<1x64xf32, #tpu.memory_space<vmem>>
      %dma_start3A_659 = tpu.memref_squeeze %dma_start3A_658 : memref<1x64xf32, #tpu.memory_space<vmem>> -> memref<64xf32, #tpu.memory_space<vmem>>
      %dma_start3A_660 = arith.constant 0 : i32
      %dma_start3A_661 = tpu.memref_slice %arg5[%squeeze3A_650, %squeeze3A_652, %dma_start3A_660] : memref<12500x8x64xf32, #tpu.memory_space<hbm>> -> memref<1x1x64xf32, #tpu.memory_space<hbm>>
      %dma_start3A_662 = tpu.memref_squeeze %dma_start3A_661 : memref<1x1x64xf32, #tpu.memory_space<hbm>> -> memref<64xf32, #tpu.memory_space<hbm>>
      %dma_start3A_663 = arith.constant 0 : i32
      %dma_start3A_664 = tpu.memref_slice %arg11[%add3A_656, %dma_start3A_663] : memref<256x64xf32, #tpu.memory_space<vmem>> -> memref<1x64xf32, #tpu.memory_space<vmem>>
      %dma_start3A_665 = tpu.memref_squeeze %dma_start3A_664 : memref<1x64xf32, #tpu.memory_space<vmem>> -> memref<64xf32, #tpu.memory_space<vmem>>
      %dma_start3A_666 = arith.constant 0 : i32
      %dma_start3A_667 = tpu.memref_slice %arg5[%squeeze3A_650, %squeeze3A_652, %dma_start3A_666] : memref<12500x8x64xf32, #tpu.memory_space<hbm>> -> memref<1x1x64xf32, #tpu.memory_space<hbm>>
      %dma_start3A_668 = tpu.memref_squeeze %dma_start3A_667 : memref<1x1x64xf32, #tpu.memory_space<hbm>> -> memref<64xf32, #tpu.memory_space<hbm>>
      tpu.enqueue_dma source(%dma_start3A_668 : memref<64xf32, #tpu.memory_space<hbm>>) target(%dma_start3A_665 : memref<64xf32, #tpu.memory_space<vmem>>) target_semaphore(%arg12 : memref<!tpu.dma_semaphore, #tpu.memory_space<semaphore_mem>>)
      %slice3A_669 = vector.extract_strided_slice %shift_right_logical3A_63 {offsets = [15], sizes = [1], strides = [1]} : vector<16xi32> to vector<1xi32>
      %squeeze3A_670 = vector.extract %slice3A_669[0] : i32 from vector<1xi32>
      %slice3A_671 = vector.extract_strided_slice %and3A_65 {offsets = [15], sizes = [1], strides = [1]} : vector<16xi32> to vector<1xi32>
      %squeeze3A_672 = vector.extract %slice3A_671[0] : i32 from vector<1xi32>
      %mul3A_673 = arith.constant 16 : i32
      %mul3A_674 = arith.muli %scan3A_47, %mul3A_673 : i32
      %add3A_675 = arith.constant 15 : i32
      %add3A_676 = arith.addi %mul3A_674, %add3A_675 : i32
      %dma_start3A_677 = arith.constant 0 : i32
      %dma_start3A_678 = tpu.memref_slice %arg10[%add3A_676, %dma_start3A_677] : memref<256x64xf32, #tpu.memory_space<vmem>> -> memref<1x64xf32, #tpu.memory_space<vmem>>
      %dma_start3A_679 = tpu.memref_squeeze %dma_start3A_678 : memref<1x64xf32, #tpu.memory_space<vmem>> -> memref<64xf32, #tpu.memory_space<vmem>>
      %dma_start3A_680 = arith.constant 0 : i32
      %dma_start3A_681 = tpu.memref_slice %arg4[%squeeze3A_670, %squeeze3A_672, %dma_start3A_680] : memref<125000x8x64xf32, #tpu.memory_space<hbm>> -> memref<1x1x64xf32, #tpu.memory_space<hbm>>
      %dma_start3A_682 = tpu.memref_squeeze %dma_start3A_681 : memref<1x1x64xf32, #tpu.memory_space<hbm>> -> memref<64xf32, #tpu.memory_space<hbm>>
      %dma_start3A_683 = arith.constant 0 : i32
      %dma_start3A_684 = tpu.memref_slice %arg10[%add3A_676, %dma_start3A_683] : memref<256x64xf32, #tpu.memory_space<vmem>> -> memref<1x64xf32, #tpu.memory_space<vmem>>
      %dma_start3A_685 = tpu.memref_squeeze %dma_start3A_684 : memref<1x64xf32, #tpu.memory_space<vmem>> -> memref<64xf32, #tpu.memory_space<vmem>>
      %dma_start3A_686 = arith.constant 0 : i32
      %dma_start3A_687 = tpu.memref_slice %arg4[%squeeze3A_670, %squeeze3A_672, %dma_start3A_686] : memref<125000x8x64xf32, #tpu.memory_space<hbm>> -> memref<1x1x64xf32, #tpu.memory_space<hbm>>
      %dma_start3A_688 = tpu.memref_squeeze %dma_start3A_687 : memref<1x1x64xf32, #tpu.memory_space<hbm>> -> memref<64xf32, #tpu.memory_space<hbm>>
      tpu.enqueue_dma source(%dma_start3A_688 : memref<64xf32, #tpu.memory_space<hbm>>) target(%dma_start3A_685 : memref<64xf32, #tpu.memory_space<vmem>>) target_semaphore(%arg12 : memref<!tpu.dma_semaphore, #tpu.memory_space<semaphore_mem>>)
      %slice3A_689 = vector.extract_strided_slice %shift_right_logical3A_68 {offsets = [15], sizes = [1], strides = [1]} : vector<16xi32> to vector<1xi32>
      %squeeze3A_690 = vector.extract %slice3A_689[0] : i32 from vector<1xi32>
      %slice3A_691 = vector.extract_strided_slice %and3A_71 {offsets = [15], sizes = [1], strides = [1]} : vector<16xi32> to vector<1xi32>
      %squeeze3A_692 = vector.extract %slice3A_691[0] : i32 from vector<1xi32>
      %mul3A_693 = arith.constant 16 : i32
      %mul3A_694 = arith.muli %scan3A_47, %mul3A_693 : i32
      %add3A_695 = arith.constant 15 : i32
      %add3A_696 = arith.addi %mul3A_694, %add3A_695 : i32
      %dma_start3A_697 = arith.constant 0 : i32
      %dma_start3A_698 = tpu.memref_slice %arg11[%add3A_696, %dma_start3A_697] : memref<256x64xf32, #tpu.memory_space<vmem>> -> memref<1x64xf32, #tpu.memory_space<vmem>>
      %dma_start3A_699 = tpu.memref_squeeze %dma_start3A_698 : memref<1x64xf32, #tpu.memory_space<vmem>> -> memref<64xf32, #tpu.memory_space<vmem>>
      %dma_start3A_700 = arith.constant 0 : i32
      %dma_start3A_701 = tpu.memref_slice %arg5[%squeeze3A_690, %squeeze3A_692, %dma_start3A_700] : memref<12500x8x64xf32, #tpu.memory_space<hbm>> -> memref<1x1x64xf32, #tpu.memory_space<hbm>>
      %dma_start3A_702 = tpu.memref_squeeze %dma_start3A_701 : memref<1x1x64xf32, #tpu.memory_space<hbm>> -> memref<64xf32, #tpu.memory_space<hbm>>
      %dma_start3A_703 = arith.constant 0 : i32
      %dma_start3A_704 = tpu.memref_slice %arg11[%add3A_696, %dma_start3A_703] : memref<256x64xf32, #tpu.memory_space<vmem>> -> memref<1x64xf32, #tpu.memory_space<vmem>>
      %dma_start3A_705 = tpu.memref_squeeze %dma_start3A_704 : memref<1x64xf32, #tpu.memory_space<vmem>> -> memref<64xf32, #tpu.memory_space<vmem>>
      %dma_start3A_706 = arith.constant 0 : i32
      %dma_start3A_707 = tpu.memref_slice %arg5[%squeeze3A_690, %squeeze3A_692, %dma_start3A_706] : memref<12500x8x64xf32, #tpu.memory_space<hbm>> -> memref<1x1x64xf32, #tpu.memory_space<hbm>>
      %dma_start3A_708 = tpu.memref_squeeze %dma_start3A_707 : memref<1x1x64xf32, #tpu.memory_space<hbm>> -> memref<64xf32, #tpu.memory_space<hbm>>
      tpu.enqueue_dma source(%dma_start3A_708 : memref<64xf32, #tpu.memory_space<hbm>>) target(%dma_start3A_705 : memref<64xf32, #tpu.memory_space<vmem>>) target_semaphore(%arg12 : memref<!tpu.dma_semaphore, #tpu.memory_space<semaphore_mem>>)
      %scan3A_709 = arith.constant 0 : i32
      scf.yield %scan3A_709 : i32
    }
    %scan3A_30 = arith.constant 16 : i32
    %add3A_31 = arith.constant 256 : i32
    %add3A_32 = arith.addi %mul3A_2, %add3A_31 : i32
    %dma_wait3A_33 = arith.constant 0 : i32
    %dma_wait3A_34 = tpu.memref_slice %arg6[%add3A_32, %dma_wait3A_33] : memref<16384x64xf32, #tpu.memory_space<hbm>> -> memref<256x64xf32, #tpu.memory_space<hbm>>
    %dma_wait3A_35 = arith.constant 0 : i32
    %dma_wait3A_36 = tpu.memref_slice %arg6[%add3A_32, %dma_wait3A_35] : memref<16384x64xf32, #tpu.memory_space<hbm>> -> memref<256x64xf32, #tpu.memory_space<hbm>>
    tpu.wait_dma2 semaphore(%arg12 : memref<!tpu.dma_semaphore, #tpu.memory_space<semaphore_mem>>) src(%dma_wait3A_36 : memref<256x64xf32, #tpu.memory_space<hbm>>) dst(%arg10 : memref<256x64xf32, #tpu.memory_space<vmem>>)
    %add3A_37 = arith.constant 256 : i32
    %add3A_38 = arith.addi %mul3A_2, %add3A_37 : i32
    %dma_wait3A_39 = arith.constant 0 : i32
    %dma_wait3A_40 = tpu.memref_slice %arg7[%add3A_38, %dma_wait3A_39] : memref<16384x64xf32, #tpu.memory_space<hbm>> -> memref<256x64xf32, #tpu.memory_space<hbm>>
    %dma_wait3A_41 = arith.constant 0 : i32
    %dma_wait3A_42 = tpu.memref_slice %arg7[%add3A_38, %dma_wait3A_41] : memref<16384x64xf32, #tpu.memory_space<hbm>> -> memref<256x64xf32, #tpu.memory_space<hbm>>
    tpu.wait_dma2 semaphore(%arg12 : memref<!tpu.dma_semaphore, #tpu.memory_space<semaphore_mem>>) src(%dma_wait3A_42 : memref<256x64xf32, #tpu.memory_space<hbm>>) dst(%arg11 : memref<256x64xf32, #tpu.memory_space<vmem>>)
    %add3A_43 = arith.constant 256 : i32
    %add3A_44 = arith.addi %mul3A_2, %add3A_43 : i32
    "tpu.region"() ({
      %run_scoped3A = tpu.sem_alloc : memref<!tpu.dma_semaphore, #tpu.memory_space<semaphore_mem>>
      %dma_start3A = arith.constant 0 : i32
      %dma_start3A_47 = tpu.memref_slice %arg6[%add3A_44, %dma_start3A] : memref<16384x64xf32, #tpu.memory_space<hbm>> -> memref<256x64xf32, #tpu.memory_space<hbm>>
      %dma_start3A_48 = arith.constant 0 : i32
      %dma_start3A_49 = tpu.memref_slice %arg6[%add3A_44, %dma_start3A_48] : memref<16384x64xf32, #tpu.memory_space<hbm>> -> memref<256x64xf32, #tpu.memory_space<hbm>>
      tpu.enqueue_dma source(%arg10 : memref<256x64xf32, #tpu.memory_space<vmem>>) target(%dma_start3A_49 : memref<256x64xf32, #tpu.memory_space<hbm>>) target_semaphore(%run_scoped3A : memref<!tpu.dma_semaphore, #tpu.memory_space<semaphore_mem>>)
      %dma_wait3A_50 = arith.constant 0 : i32
      %dma_wait3A_51 = tpu.memref_slice %arg6[%add3A_44, %dma_wait3A_50] : memref<16384x64xf32, #tpu.memory_space<hbm>> -> memref<256x64xf32, #tpu.memory_space<hbm>>
      %dma_wait3A_52 = arith.constant 0 : i32
      %dma_wait3A_53 = tpu.memref_slice %arg6[%add3A_44, %dma_wait3A_52] : memref<16384x64xf32, #tpu.memory_space<hbm>> -> memref<256x64xf32, #tpu.memory_space<hbm>>
      tpu.wait_dma2 semaphore(%run_scoped3A : memref<!tpu.dma_semaphore, #tpu.memory_space<semaphore_mem>>) src(%arg10 : memref<256x64xf32, #tpu.memory_space<vmem>>) dst(%dma_wait3A_53 : memref<256x64xf32, #tpu.memory_space<hbm>>)
      tpu.yield
    }) : () -> ()
    %add3A_45 = arith.constant 256 : i32
    %add3A_46 = arith.addi %mul3A_2, %add3A_45 : i32
    "tpu.region"() ({
      %run_scoped3A = tpu.sem_alloc : memref<!tpu.dma_semaphore, #tpu.memory_space<semaphore_mem>>
      %dma_start3A = arith.constant 0 : i32
      %dma_start3A_47 = tpu.memref_slice %arg7[%add3A_46, %dma_start3A] : memref<16384x64xf32, #tpu.memory_space<hbm>> -> memref<256x64xf32, #tpu.memory_space<hbm>>
      %dma_start3A_48 = arith.constant 0 : i32
      %dma_start3A_49 = tpu.memref_slice %arg7[%add3A_46, %dma_start3A_48] : memref<16384x64xf32, #tpu.memory_space<hbm>> -> memref<256x64xf32, #tpu.memory_space<hbm>>
      tpu.enqueue_dma source(%arg11 : memref<256x64xf32, #tpu.memory_space<vmem>>) target(%dma_start3A_49 : memref<256x64xf32, #tpu.memory_space<hbm>>) target_semaphore(%run_scoped3A : memref<!tpu.dma_semaphore, #tpu.memory_space<semaphore_mem>>)
      %dma_wait3A_50 = arith.constant 0 : i32
      %dma_wait3A_51 = tpu.memref_slice %arg7[%add3A_46, %dma_wait3A_50] : memref<16384x64xf32, #tpu.memory_space<hbm>> -> memref<256x64xf32, #tpu.memory_space<hbm>>
      %dma_wait3A_52 = arith.constant 0 : i32
      %dma_wait3A_53 = tpu.memref_slice %arg7[%add3A_46, %dma_wait3A_52] : memref<16384x64xf32, #tpu.memory_space<hbm>> -> memref<256x64xf32, #tpu.memory_space<hbm>>
      tpu.wait_dma2 semaphore(%run_scoped3A : memref<!tpu.dma_semaphore, #tpu.memory_space<semaphore_mem>>) src(%arg11 : memref<256x64xf32, #tpu.memory_space<vmem>>) dst(%dma_wait3A_53 : memref<256x64xf32, #tpu.memory_space<hbm>>)
      tpu.yield
    }) : () -> ()
    return
  }
}

module attributes {stable_mosaic.version = 14 : i64} {
  func.func @_tc_body(%arg0: i32, %arg1: memref<4096x64xf32, #tpu.memory_space<vmem>>, %arg2: memref<4096x64xf32, #tpu.memory_space<vmem>>, %arg3: memref<64x64xf32, #tpu.memory_space<vmem>>, %arg4: memref<64x64xf32, #tpu.memory_space<vmem>>, %arg5: memref<64x4096xf32, #tpu.memory_space<vmem>>, %arg6: memref<64x4096xf32, #tpu.memory_space<vmem>>, %arg7: memref<64x4096xf32, #tpu.memory_space<vmem>>, %arg8: memref<64x4096xf32, #tpu.memory_space<vmem>>) attributes {dimension_semantics = [#tpu.dimension_semantics<arbitrary>], iteration_bounds = array<i64: 4>, scalar_prefetch = 0 : i64, scratch_operands = 0 : i64, tpu.core_type = #tpu.core_type<tc>, window_params = [{transform_indices = @transform_0, window_bounds = array<i64: 4096, 64>}, {transform_indices = @transform_1, window_bounds = array<i64: 4096, 64>}, {pipeline_mode = #tpu.pipeline_mode<synchronous>, transform_indices = @transform_2, window_bounds = array<i64: 64, 64>}, {pipeline_mode = #tpu.pipeline_mode<synchronous>, transform_indices = @transform_3, window_bounds = array<i64: 64, 64>}, {transform_indices = @transform_4, window_bounds = array<i64: 64, 4096>}, {transform_indices = @transform_5, window_bounds = array<i64: 64, 4096>}, {transform_indices = @transform_6, window_bounds = array<i64: 64, 4096>}, {transform_indices = @transform_7, window_bounds = array<i64: 64, 4096>}]} {
    %get3A = arith.constant 0 : index
    %get3A_0 = arith.constant 0 : index
    %get3A_1 = vector.load %arg1[%get3A, %get3A_0] : memref<4096x64xf32, #tpu.memory_space<vmem>>, vector<4096x64xf32>
    %get3A_2 = arith.constant 0 : index
    %get3A_3 = arith.constant 0 : index
    %get3A_4 = vector.load %arg2[%get3A_2, %get3A_3] : memref<4096x64xf32, #tpu.memory_space<vmem>>, vector<4096x64xf32>
    %get3A_5 = arith.constant 0 : index
    %get3A_6 = arith.constant 0 : index
    %get3A_7 = vector.load %arg3[%get3A_5, %get3A_6] : memref<64x64xf32, #tpu.memory_space<vmem>>, vector<64x64xf32>
    %get3A_8 = arith.constant 0 : index
    %get3A_9 = arith.constant 0 : index
    %get3A_10 = vector.load %arg4[%get3A_8, %get3A_9] : memref<64x64xf32, #tpu.memory_space<vmem>>, vector<64x64xf32>
    %dot_general3A = arith.constant dense<0.000000e+00> : vector<64x4096xf32>
    %dot_general3A_11 = tpu.matmul %get3A_7, %get3A_1, %dot_general3A {dimension_numbers = #tpu.dot_dimension_numbers<[1], [1], [0], [0], [0, 0, 1, 0], [], []>, transpose_lhs_hint = false} : vector<64x64xf32>, vector<4096x64xf32>, vector<64x4096xf32> -> vector<64x4096xf32>
    %mul3A = arith.mulf %get3A_1, %get3A_4 : vector<4096x64xf32>
    %dot_general3A_12 = arith.constant dense<0.000000e+00> : vector<64x4096xf32>
    %dot_general3A_13 = tpu.matmul %get3A_7, %mul3A, %dot_general3A_12 {dimension_numbers = #tpu.dot_dimension_numbers<[1], [1], [0], [0], [0, 0, 1, 0], [], []>, transpose_lhs_hint = false} : vector<64x64xf32>, vector<4096x64xf32>, vector<64x4096xf32> -> vector<64x4096xf32>
    %iota3A = tpu.iota {dimensions = array<i32: 0>} : vector<64x4096xi32>
    %reduce_max3A = arith.constant dense<0xFF800000> : vector<4096xf32>
    %reduce_max3A_14 = vector.multi_reduction <maximumf>, %dot_general3A_13, %reduce_max3A [0] : vector<64x4096xf32> to vector<4096xf32>
    %broadcast_in_dim3A = vector.shape_cast %reduce_max3A_14 : vector<4096xf32> to vector<1x4096xf32>
    %eq3A = vector.broadcast %broadcast_in_dim3A : vector<1x4096xf32> to vector<64x4096xf32>
    %eq3A_15 = arith.cmpf oeq, %dot_general3A_13, %eq3A : vector<64x4096xf32>
    %jit3A = arith.constant 64 : i32
    %broadcast_in_dim3A_16 = vector.broadcast %jit3A : i32 to vector<64x4096xi32>
    %select_n3A = arith.select %eq3A_15, %iota3A, %broadcast_in_dim3A_16 : vector<64x4096xi1>, vector<64x4096xi32>
    %reduce_min3A = arith.constant dense<2147483647> : vector<4096xi32>
    %reduce_min3A_17 = vector.multi_reduction <minsi>, %select_n3A, %reduce_min3A [0] : vector<64x4096xi32> to vector<4096xi32>
    %broadcast_in_dim3A_18 = vector.shape_cast %reduce_min3A_17 : vector<4096xi32> to vector<1x4096xi32>
    %eq3A_19 = vector.broadcast %broadcast_in_dim3A_18 : vector<1x4096xi32> to vector<64x4096xi32>
    %eq3A_20 = arith.cmpi eq, %iota3A, %eq3A_19 : vector<64x4096xi32>
    %convert_element_type3A = arith.extui %eq3A_20 : vector<64x4096xi1> to vector<64x4096xi32>
    %convert_element_type3A_21 = arith.sitofp %convert_element_type3A : vector<64x4096xi32> to vector<64x4096xf32>
    %dot_general3A_22 = arith.constant dense<0.000000e+00> : vector<64x4096xf32>
    %dot_general3A_23 = tpu.matmul %get3A_7, %convert_element_type3A_21, %dot_general3A_22 {dimension_numbers = #tpu.dot_dimension_numbers<[0], [0], [1], [1], [0, 1, 1, 1], [], []>, transpose_lhs_hint = false} : vector<64x64xf32>, vector<64x4096xf32>, vector<64x4096xf32> -> vector<64x4096xf32>
    %swap3A = arith.constant 0 : index
    %swap3A_24 = arith.constant 0 : index
    %swap3A_25 = vector.load %arg8[%swap3A, %swap3A_24] : memref<64x4096xf32, #tpu.memory_space<vmem>>, vector<64x4096xf32>
    tpu.vector_store %arg8[%swap3A, %swap3A_24], %dot_general3A_23 {strides = array<i32>} : memref<64x4096xf32, #tpu.memory_space<vmem>>, vector<64x4096xf32>,
    %sub3A = vector.broadcast %broadcast_in_dim3A : vector<1x4096xf32> to vector<64x4096xf32>
    %sub3A_26 = arith.subf %dot_general3A_13, %sub3A : vector<64x4096xf32>
    %exp3A = math.exp %sub3A_26 : vector<64x4096xf32>
    %reduce_sum3A = arith.constant dense<0.000000e+00> : vector<4096xf32>
    %reduce_sum3A_27 = vector.multi_reduction <add>, %exp3A, %reduce_sum3A [0] : vector<64x4096xf32> to vector<4096xf32>
    %broadcast_in_dim3A_28 = vector.shape_cast %reduce_sum3A_27 : vector<4096xf32> to vector<1x4096xf32>
    %div3A = vector.broadcast %broadcast_in_dim3A_28 : vector<1x4096xf32> to vector<64x4096xf32>
    %div3A_29 = arith.divf %exp3A, %div3A : vector<64x4096xf32>
    %swap3A_30 = arith.constant 0 : index
    %swap3A_31 = arith.constant 0 : index
    %swap3A_32 = vector.load %arg5[%swap3A_30, %swap3A_31] : memref<64x4096xf32, #tpu.memory_space<vmem>>, vector<64x4096xf32>
    tpu.vector_store %arg5[%swap3A_30, %swap3A_31], %div3A_29 {strides = array<i32>} : memref<64x4096xf32, #tpu.memory_space<vmem>>, vector<64x4096xf32>,
    %reduce_max3A_33 = arith.constant dense<0xFF800000> : vector<4096xf32>
    %reduce_max3A_34 = vector.multi_reduction <maximumf>, %dot_general3A_11, %reduce_max3A_33 [0] : vector<64x4096xf32> to vector<4096xf32>
    %broadcast_in_dim3A_35 = vector.shape_cast %reduce_max3A_34 : vector<4096xf32> to vector<1x4096xf32>
    %sub3A_36 = vector.broadcast %broadcast_in_dim3A_35 : vector<1x4096xf32> to vector<64x4096xf32>
    %sub3A_37 = arith.subf %dot_general3A_11, %sub3A_36 : vector<64x4096xf32>
    %exp3A_38 = math.exp %sub3A_37 : vector<64x4096xf32>
    %reduce_sum3A_39 = arith.constant dense<0.000000e+00> : vector<4096xf32>
    %reduce_sum3A_40 = vector.multi_reduction <add>, %exp3A_38, %reduce_sum3A_39 [0] : vector<64x4096xf32> to vector<4096xf32>
    %broadcast_in_dim3A_41 = vector.shape_cast %reduce_sum3A_40 : vector<4096xf32> to vector<1x4096xf32>
    %div3A_42 = vector.broadcast %broadcast_in_dim3A_41 : vector<1x4096xf32> to vector<64x4096xf32>
    %div3A_43 = arith.divf %exp3A_38, %div3A_42 : vector<64x4096xf32>
    %swap3A_44 = arith.constant 0 : index
    %swap3A_45 = arith.constant 0 : index
    %swap3A_46 = vector.load %arg6[%swap3A_44, %swap3A_45] : memref<64x4096xf32, #tpu.memory_space<vmem>>, vector<64x4096xf32>
    tpu.vector_store %arg6[%swap3A_44, %swap3A_45], %div3A_43 {strides = array<i32>} : memref<64x4096xf32, #tpu.memory_space<vmem>>, vector<64x4096xf32>,
    %dot_general3A_47 = arith.constant dense<0.000000e+00> : vector<64x4096xf32>
    %dot_general3A_48 = tpu.matmul %get3A_10, %get3A_1, %dot_general3A_47 {dimension_numbers = #tpu.dot_dimension_numbers<[1], [1], [0], [0], [0, 0, 1, 0], [], []>, transpose_lhs_hint = false} : vector<64x64xf32>, vector<4096x64xf32>, vector<64x4096xf32> -> vector<64x4096xf32>
    %swap3A_49 = arith.constant 0 : index
    %swap3A_50 = arith.constant 0 : index
    %swap3A_51 = vector.load %arg7[%swap3A_49, %swap3A_50] : memref<64x4096xf32, #tpu.memory_space<vmem>>, vector<64x4096xf32>
    tpu.vector_store %arg7[%swap3A_49, %swap3A_50], %dot_general3A_48 {strides = array<i32>} : memref<64x4096xf32, #tpu.memory_space<vmem>>, vector<64x4096xf32>,
    return
  }
  func.func @transform_0(%arg0: i32) -> (i32, i32) {
    %c0_i32 = arith.constant 0 : i32
    %c0_i32_0 = arith.constant 0 : i32
    return %arg0, %c0_i32 : i32, i32
  }
  func.func @transform_1(%arg0: i32) -> (i32, i32) {
    %c0_i32 = arith.constant 0 : i32
    %c0_i32_0 = arith.constant 0 : i32
    return %arg0, %c0_i32 : i32, i32
  }
  func.func @transform_2(%arg0: i32) -> (i32, i32) {
    %c0_i32 = arith.constant 0 : i32
    %c0_i32_0 = arith.constant 0 : i32
    %c0_i32_1 = arith.constant 0 : i32
    return %c0_i32, %c0_i32_0 : i32, i32
  }
  func.func @transform_3(%arg0: i32) -> (i32, i32) {
    %c0_i32 = arith.constant 0 : i32
    %c0_i32_0 = arith.constant 0 : i32
    %c0_i32_1 = arith.constant 0 : i32
    return %c0_i32, %c0_i32_0 : i32, i32
  }
  func.func @transform_4(%arg0: i32) -> (i32, i32) {
    %c0_i32 = arith.constant 0 : i32
    %c0_i32_0 = arith.constant 0 : i32
    return %c0_i32, %arg0 : i32, i32
  }
  func.func @transform_5(%arg0: i32) -> (i32, i32) {
    %c0_i32 = arith.constant 0 : i32
    %c0_i32_0 = arith.constant 0 : i32
    return %c0_i32, %arg0 : i32, i32
  }
  func.func @transform_6(%arg0: i32) -> (i32, i32) {
    %c0_i32 = arith.constant 0 : i32
    %c0_i32_0 = arith.constant 0 : i32
    return %c0_i32, %arg0 : i32, i32
  }
  func.func @transform_7(%arg0: i32) -> (i32, i32) {
    %c0_i32 = arith.constant 0 : i32
    %c0_i32_0 = arith.constant 0 : i32
    return %c0_i32, %arg0 : i32, i32
  }
}

</mosaic_0001>

<sc_bundles>
// kernel: kernel.4.cloned.1.call-start
scs
__scs_entry_jumppad:
0x0: {  	(pc) =	sbr.rel $0x88, $3  }
0x1: {  	(tag) =	ssettag $0x0;
	lr =	simm.s32 $0x1  }
0x2: {  	[smem:$0x3F9C] =	sst lr;
	_ =	strace $0xD0000000  }
0x3: {  	_ = 	snop  }
0x4: {  	_ = 	snop  }
0x5: {  	_ = 	snop  }
0x6: {  	_ = 	snop  }
0x7: {  	_ = 	snop  }
__scs_overlays_trampoline_lowered:
0x8: {  	[smem:$0x3FAB] =	sst s0  }
0x9: {  	[smem:$0x3FAC] =	sst s1  }
0xa: {  	[smem:$0x3FAD] =	sst s2  }
0xb: {  	[smem:$0x3FAE] =	sst s3  }
0xc: {  	[smem:$0x3FAF] =	sst s4  }
0xd: {  	[smem:$0x3FB0] =	sst s5  }
0xe: {  	[smem:$0x3FB1] =	sst s6  }
0xf: {  	[smem:$0x3FB2] =	sst s7  }
0x10: {  	[smem:$0x3FB3] =	sst s8  }
0x11: {  	[smem:$0x3FB4] =	sst s9;
	s0 =	simm.s32 @!p0 $0x0  }
0x12: {  	s1 =	sld [smem:$0x3F9A];
	s0 =	simm.s32 @p0 $0x1  }
0x13: {  	[smem:$0x3FB5] =	sst s0;
	s0 =	simm.s32 @!p1 $0x0  }
0x14: {  	s2 =	sld [smem:$0x3F99];
	s0 =	simm.s32 @p1 $0x1  }
0x15: {  	[smem:$0x3FB6] =	sst s0;
	s0 =	simm.s32 @!p2 $0x0  }
0x16: {  	s3 =	sld [smem:$0x3FDB];
	s0 =	simm.s32 @p2 $0x1  }
0x17: {  	s4 =	simm.s32 $0x1BF5;
	[smem:$0x3FB8] =	sst s0  }
0x18: {  	s0 =	sld [smem:$0x3F9B];
	_ =	swait.ge [sflag:s4], $0x0  }
0x19: {  	s7 =	sld [smem:$0x3F9C]  }
0x1a: {  	s8 =	sadd.s32 $0xFFFFE003, lr  }
0x1b: {  	s9 =	sadd.s32 $0xFFFFFEF7, lr;
	s5 =	simm.s32 $0xFFFFFFFF;
	p2 =	slt.u32 s8, $0xFFFFF086  }
0x1c: {  	p1 =	slt.u32 s9, $0xF7A;
	s5 =	simm.s32 @!p2 $0x0  }
0x1d: {  	s5 =	simm.s32 @p1 $0x1;
	p0 =	seq.s32 s7, s2  }
0x1e: {  	s7 =	smul.u32 @!p0 $0xF7A, s2;
	p2 =	seq.s32 @!p0 s5, $0x0  }
0x1f: {  	s9 =	smul.u32 $0xF7A, s1;
	s8 =	simm.s32 @!p0 $0x1BF5;
	p2 =	por !p2, p0  }
0x20: {  	[sflag:s8] =	ssyncset.s32 @!p0 $0xFFFFF086;
	s6 =	sadd.s32 @!p0 s3, s7;
	s7 =	simm.s32 @!p0 $0x108  }
0x21: {  	s3 =	sadd.s32 s3, s9;
	s6 =	sadd.s32 @!p0 $0x88, s6;
	s7 =	simm.s32 @p2 $0x1082  }
0x22: {  	[simem:s7], [sflag:s8] =	dma.local @!p0 [hbm:s6], $0xF7A  }
0x23: {  	s9 =	sor.u32 $0xD0000000, s2;
	s6 =	simm.s32 $0x108;
	_ =	swait.ge @!p0 [sflag:s8], $0x0  }
0x24: {  	s3 =	sadd.s32 $0x88, s3;
	s6 =	simm.s32 @!p1 $0x1082;
	[sflag:s4] =	ssyncset.s32 $0xFFFFF086  }
0x25: {  	[simem:s6], [sflag:s4] =	dma.local [hbm:s3], $0xF7A  }
0x26: {  	[smem:$0x3F9C] =	sst s1;
	(tag) =	ssettag s2;
	_ =	strace s9  }
0x27: {  	s1 =	sld [smem:$0x3FAC]  }
0x28: {  	s2 =	sld [smem:$0x3FAD]  }
0x29: {  	s4 =	sld [smem:$0x3FAF]  }
0x2a: {  	p0 =	seq.s32 s5, $0x0;
	s5 =	sld [smem:$0x3FB0]  }
0x2b: {  	s6 =	sld [smem:$0x3FB1]  }
0x2c: {  	s7 =	sld [smem:$0x3FB2]  }
0x2d: {  	s3 =	simm.s32 $0x108;
	s8 =	sld [smem:$0x3FB3]  }
0x2e: {  	s3 =	simm.s32 @!p0 $0x1082;
	s9 =	sld [smem:$0x3FB4]  }
0x2f: {  	lr =	sadd.s32 s0, s3;
	s0 =	sld [smem:$0x3FAB]  }
0x30: {  	s3 =	sld [smem:$0x3FAE]  }
0x31: {  	[smem:$0x3FB7] =	sst s10  }
0x32: {  	s10 =	sld [smem:$0x3FB5];
	_ =	sdelay $0x3  }
0x33: {  	p0 =	seq.s32 s10, $0x1;
	s10 =	sld [smem:$0x3FB7];
	_ =	sdelay $0x3  }
0x34: {  	[smem:$0x3FB7] =	sst s10  }
0x35: {  	s10 =	sld [smem:$0x3FB6];
	_ =	sdelay $0x3  }
0x36: {  	p1 =	seq.s32 s10, $0x1;
	s10 =	sld [smem:$0x3FB7];
	_ =	sdelay $0x3  }
0x37: {  	[smem:$0x3FB7] =	sst s10  }
0x38: {  	s10 =	sld [smem:$0x3FB8]  }
0x39: {  	_ = 	snop;
	(pc) =	sbr.ind lr, $3  }
0x3a: {  	_ = 	snop  }
0x3b: {  	_ = 	snop  }
0x3c: {  	p2 =	seq.s32 s10, $0x1;
	s10 =	sld [smem:$0x3FB7]  }
0x3d: {  	_ =	shalt  }
0x3e: {  	_ =	shalt  }
0x3f: {  	_ =	shalt  }
0x40: {  	_ =	shalt  }
0x41: {  	_ =	shalt  }
0x42: {  	_ =	shalt  }
0x43: {  	_ =	shalt  }
0x44: {  	_ =	shalt  }
0x45: {  	_ =	shalt  }
0x46: {  	_ =	shalt  }
0x47: {  	_ =	shalt  }
0x48: {  	_ =	shalt  }
0x49: {  	_ =	shalt  }
0x4a: {  	_ =	shalt  }
0x4b: {  	_ =	shalt  }
0x4c: {  	_ =	shalt  }
0x4d: {  	_ =	shalt  }
0x4e: {  	_ =	shalt  }
0x4f: {  	_ =	shalt  }
0x50: {  	_ =	shalt  }
0x51: {  	_ =	shalt  }
0x52: {  	_ =	shalt  }
0x53: {  	_ =	shalt  }
0x54: {  	_ =	shalt  }
0x55: {  	_ =	shalt  }
0x56: {  	_ =	shalt  }
0x57: {  	_ =	shalt  }
0x58: {  	_ =	shalt  }
0x59: {  	_ =	shalt  }
0x5a: {  	_ =	shalt  }
0x5b: {  	_ =	shalt  }
0x5c: {  	_ =	shalt  }
0x5d: {  	_ =	shalt  }
0x5e: {  	_ =	shalt  }
0x5f: {  	_ =	shalt  }
0x60: {  	_ =	shalt  }
0x61: {  	_ =	shalt  }
0x62: {  	_ =	shalt  }
0x63: {  	_ =	shalt  }
0x64: {  	_ =	shalt  }
0x65: {  	_ =	shalt  }
0x66: {  	_ =	shalt  }
0x67: {  	_ =	shalt  }
0x68: {  	_ =	shalt  }
0x69: {  	_ =	shalt  }
0x6a: {  	_ =	shalt  }
0x6b: {  	_ =	shalt  }
0x6c: {  	_ =	shalt  }
0x6d: {  	_ =	shalt  }
0x6e: {  	_ =	shalt  }
0x6f: {  	_ =	shalt  }
0x70: {  	_ =	shalt  }
0x71: {  	_ =	shalt  }
0x72: {  	_ =	shalt  }
0x73: {  	_ =	shalt  }
0x74: {  	_ =	shalt  }
0x75: {  	_ =	shalt  }
0x76: {  	_ =	shalt  }
0x77: {  	_ =	shalt  }
0x78: {  	_ =	shalt  }
0x79: {  	_ =	shalt  }
0x7a: {  	_ =	shalt  }
0x7b: {  	_ =	shalt  }
0x7c: {  	_ =	shalt  }
0x7d: {  	_ =	shalt  }
0x7e: {  	_ =	shalt  }
0x7f: {  	_ =	shalt  }
0x80: {  	_ =	shalt  }
0x81: {  	_ =	shalt  }
0x82: {  	_ =	shalt  }
0x83: {  	_ =	shalt  }
0x84: {  	_ =	shalt  }
0x85: {  	_ =	shalt  }
0x86: {  	_ =	shalt  }
0x87: {  	_ =	shalt  }
.Lfunc_end0:
.L_simem_size_0:
called_computation_lowered:
.L_overlay_start_0:
0x88: {  	s2 =	sld [smem:$0x3FD9]  }
0x89: {  	s3 =	sld [smem:$0x3FFE];
	_ =	sdelay $0x1  }
0x8a: {  	s1 =	srdreg.scid  }
0x8b: {  	s0 =	sand.u32 $0x1, s1  }
0x8c: {  	s17 =	sshll.u32 s0, $0xA;
	s2 =	sadd.s32 s3, s2  }
0x8d: {  	s2 =	sadd.s32 s2, s17  }
0x8e: {  	[smem:$0x3FC3] =	sst s2  }
0x8f: {  	_ = 	snop  }
0x90: {  	s2 =	sld [smem:$0x3FC9]  }
0x91: {  	s18 =	sld [smem:$0x3FC8];
	(tm) =	ssettm $0x1  }
0x92: {  	s4 =	sld [smem:$0x3FFB];
	_ =	sdelay $0x3  }
0x93: {  	_ =	strace s4  }
0x94: {  	s4 =	sld [smem:$0x3FFC];
	_ =	sdelay $0x3  }
0x95: {  	_ =	strace s4  }
0x96: {  	s4 =	sld [smem:$0x3FFD];
	_ =	sdelay $0x3  }
0x97: {  	_ =	strace s4  }
0x98: {  	_ =	strace $0x8FFFFFFF  }
0x99: {  	s19 =	sld [smem:$0x3FDB];
	_ =	sdelay $0x1  }
0x9a: {  	s5 =	simm.s32 $_scs_section_size  }
0x9b: {  	s6 =	simm.s32 $_size__tile_overlayer_lowered;
	s7 =	simm.s32 $_tile_overlayer_lowered  }
0x9c: {  	s22 =	simm.s32 $0x1BFF;
	s21 =	sshll.u32 s7, $0x1;
	s4 =	sadd.s32 s5, s19  }
0x9d: {  	s8 =	simm.s32 $0x0;
	s20 =	sshll.u32 s6, $0x1;
	s6 =	sadd.s32 s21, s4  }
0x9e: {  	[timem:s8], [sflag:s22] =	dma.local [hbm:s6], s20  }
0x9f: {  	_ =	swait.ge [sflag:s22], s20  }
0xa0: {  	s5 =	ssub.s32 $0x0, s20;
	[sflag:s22] =	ssyncset.done $0x0  }
0xa1: {  	[sflag:s22] =	ssyncadd.s32 s5;
	_ =	sdelay $0x1  }
0xa2: {  	s23 =	simm.s32 $0x1B8B  }
0xa3: {  	_ =	swait.ge [sflag:s23], $0x1  }
0xa4: {  	[sflag:s23] =	ssyncset.done $0x0  }
0xa5: {  	s25 =	simm.s32 $0x1B8E;
	s24 =	sld [smem:$0x3FFE];
	[sflag:s23] =	ssyncadd.s32 $0xFFFFFFFF  }
0xa6: {  	s26 =	simm.s32 $execute0_lowered;
	[smem:$0x3FD2] =	sst s25  }
0xa7: {  	s6 =	sshll.u32 s26, $0x1;
	_ =	strace $0x80000046;
	[dreg:$0x1] =	wrdreg $0xFFFFFFFF  }
0xa8: {  	s28 =	simm.s32 $_size_execute0_lowered;
	s4 =	sadd.s32 s4, s6;
	[dreg:$0x0] =	wrdreg $0x0  }
0xa9: {  	s6 =	sshll.u32 s28, $0x1;
	[dreg:$0x2] =	wrdreg s4  }
0xaa: {  	[dreg:$0x3] =	wrdreg s6  }
0xab: {  	[dreg:$0x4] =	wrdreg $0xC0  }
0xac: {  	_ =	task [dreg:s8], $0x5FFFF  }
0xad: {  	[dreg:$0x1] =	wrdreg $0xFFFFFFFF  }
0xae: {  	[dreg:$0x0] =	wrdreg $0x60  }
0xaf: {  	[dreg:$0x2] =	wrdreg s2  }
0xb0: {  	[dreg:$0x3] =	wrdreg s18  }
0xb1: {  	[dreg:$0x4] =	wrdreg s24  }
0xb2: {  	[dreg:$0x5] =	wrdreg $0x9  }
0xb3: {  	_ =	task.clear_ibuf [dreg:s8], $0x6FFFF;
	_ =	strace $0x90000046  }
0xb4: {  	s29 =	simm.s32 $0x9;
	_ =	strace $0x80000048  }
0xb5: {  	_ =	swait.ge [sflag:s29], $0x1  }
0xb6: {  	[sflag:s29] =	ssyncadd.s32 $0xFFFFFFFF  }
0xb7: {  	_ =	strace $0x90000048  }
0xb8: {  	_ =	sfence  }
0xb9: {  	s30 =	sld [smem:$0x0];
	_ =	sdelay $0x2  }
0xba: {  	s31 =	sshll.u32 s1, $0xD;
	s1 =	sshrl.u32 s1, $0x2  }
0xbb: {  	s3 =	sand.u32 $0x4000, s31;
	s1 =	sadd.s32 s1, s30  }
0xbc: {  	s0 =	sor.u32 s3, s0;
	s1 =	sshll.u32 s1, $0x11  }
0xbd: {  	s0 =	sor.u32 s1, s0  }
0xbe: {  	s0 =	sadd.s32 $0x8F2B, s0  }
0xbf: {  	[sflag:s0] =	ssyncadd.remote.s32 $0x1  }
0xc0: {  	_ =	sfence.sel $0xFFFF  }
0xc1: {  	[dreg:$0x0] =	wrdreg $0xFFFFFFFF;
	(pc) =	sbr.abs _section_cstart, $3  }
0xc2: {  	[dreg:$0x1] =	wrdreg $0xFFFFFFFF  }
0xc3: {  	_ =	task.clear_ibuf [dreg:s8], $0x2FFFF;
	_ =	strace $0x9FFFFFFF  }
0xc4: {  	(tm) =	ssettm $0x7FFFFFFF  }
0xc5: {  	_ =	shalt  }
tec
execute0_lowered:
.L_overlay_start_1:
0x0: {  	(tag) =	ssettag $0x1  }
0x1: {  	s5 =	rddreg [dreg:$0x0]  }
0x2: {  	s6 =	rddreg [dreg:$0x1]  }
0x3: {  	s7 =	rddreg [dreg:$0x2]  }
0x4: {  	s0 =	rddreg [dreg:$0x3];
	s1 =	simm.s32 $0x0  }
0x5: {  	s4 =	srdreg.scid;
	s2 =	stileid.u32;
	s14 =	simm.s32 $0x400  }
0x6: {  	s15 =	simm.s32 $0x8400;
	s16 =	simm.s32 $0x0;
	[smem:$0x7FF] =	sst s1  }
0x7: {  	s3 =	sadd.s32 $0x1000, s7;
	s8 =	sand.u32 $0x1, s4;
	s4 =	sadd.s32 $0xF43400, s7  }
0x8: {  	s9 =	sshll.u32 s2, $0xA;
	s11 =	sadd.s32 $0x10C9E00, s7;
	s10 =	sshll.u32 s8, $0x9  }
0x9: {  	s28 =	sadd.s32 $0x1109E00, s7;
	s8 =	ssub.s32 $0x2, s8;
	s9 =	sor.u32 s10, s9  }
0xa: {  	_ =	strace $0x80000047;
	s29 =	sshrl.u32 s8, $0x1;
	s12 =	sshrl.u32 s9, $0x3  }
0xb: {  	s13 =	ssub.s32 s8, s29;
	s30 =	sshll.u32 s9, $0x4;
	s5 =	sadd.s32 s5, s12  }
0xc: {  	s6 =	sadd.s32 s6, s12;
	s7 =	sadd.s32 s11, s30;
	s31 =	sor.u32 $0x1000, s30  }
0xd: {  	s8 =	sadd.s32 s28, s30;
	s12 =	simm.s32 $0x2;
	s9 =	sadd.s32 s11, s31  }
0xe: {  	s10 =	sadd.s32 s28, s31;
	s11 =	smax.u32 s13, $0x1;
	s13 =	simm.s32 $0x1  }
.LBB2_1:
0xf: {  	[tilespmem:s1], [sflag:$0x2] =	stream.linear.gather [hbm4b:s5+s1], $0x200, $0x38;
	[tilespmem:$0x10400] =	vst v63  }
0x10: {  	_ =	swait.ge [sflag:s12], $0x200  }
0x11: {  	[sflag:s12] =	ssyncset.done $0x0  }
0x12: {  	s17 =	simm.s32 $0x200;
	[sflag:s12] =	ssyncadd.s32 $0xFFFFFE00  }
0x13: {  	[tilespmem:s17], [sflag:$0x2] =	stream.linear.gather [hbm4b:s6+s1], $0x200, $0x38;
	[tilespmem:$0x10400] =	vst v63  }
0x14: {  	_ =	swait.ge [sflag:s12], $0x200  }
0x15: {  	[sflag:s12] =	ssyncset.done $0x0  }
0x16: {  	s18 =	simm.s32 $0x0;
	s19 =	simm.s32 $0x0;
	[sflag:s12] =	ssyncadd.s32 $0xFFFFFE00  }
.LBB2_2:
0x17: {  	v0 =	vld [tilespmem:s18+$0x0];
	_ =	sdelay $0x3  }
0x18: {  	v4 =	vld [tilespmem:s17+$0x0]  }
0x19: {  	v1 =	vshrl.u32 v0, $0x3  }
0x1a: {  	v0 =	vand.u32 $0x7, v0;
	v3 =	vshll.u32 v1, $0xA  }
0x1b: {  	v2 =	vshll.u32 v0, $0x7;
	(v2sf) =	vpush v3, $0x0  }
0x1c: {  	(v2sf) =	vpush v2, $0x0  }
0x1d: {  	v61 =	vshrl.u32 v4, $0x3  }
0x1e: {  	v4 =	vand.u32 $0x7, v4;
	v62 =	vshll.u32 v61, $0xA  }
0x1f: {  	v63 =	vshll.u32 v4, $0x7;
	(v2sf) =	vpush v62, $0x0  }
0x20: {  	(v2sf) =	vpush v63, $0x0;
	_ =	sdelay $0x2  }
0x21: {  	(v2sf) =	vpush v3, $0x1  }
0x22: {  	(v2sf) =	vpush v2, $0x1;
	_ =	sdelay $0x5  }
0x23: {  	s20 =	spop (v2sf);
	(v2sf) =	vpush v62, $0x1  }
0x24: {  	s21 =	spop (v2sf);
	(v2sf) =	vpush v63, $0x1;
	_ =	sdelay $0x2  }
0x25: {  	s21 =	sor.u32 s21, s20;
	s29 =	spop (v2sf);
	(v2sf) =	vpush v3, $0x2  }
0x26: {  	s20 =	sshra.s32 s19, $0x2;
	s21 =	sshrl.u32 s21, $0x3;
	s30 =	spop (v2sf);
	(v2sf) =	vpush v2, $0x2  }
0x27: {  	s22 =	sadd.s32 $0x400, s20;
	s21 =	sadd.s32 s3, s21  }
0x28: {  	[tilespmem:s22], [sflag:$0x1] =	stream.linear.gather [hbm4b:s21+s1], $0x80, $0x38;
	[tilespmem:$0x10400] =	vst v63  }
0x29: {  	s22 =	spop (v2sf);
	(v2sf) =	vpush v62, $0x2  }
0x2a: {  	s23 =	spop (v2sf);
	(v2sf) =	vpush v63, $0x2;
	_ =	sdelay $0x5  }
0x2b: {  	s25 =	spop (v2sf);
	(v2sf) =	vpush v3, $0x3  }
0x2c: {  	s26 =	spop (v2sf);
	(v2sf) =	vpush v2, $0x3;
	_ =	sdelay $0x2  }
0x2d: {  	s21 =	sor.u32 s30, s29;
	s29 =	spop (v2sf);
	(v2sf) =	vpush v62, $0x3  }
0x2e: {  	s21 =	sshrl.u32 s21, $0x3;
	s30 =	spop (v2sf);
	(v2sf) =	vpush v63, $0x3  }
0x2f: {  	s31 =	sadd.s32 $0x8400, s20;
	s21 =	sadd.s32 s4, s21  }
0x30: {  	[tilespmem:s31], [sflag:$0x1] =	stream.linear.gather [hbm4b:s21+s1], $0x80, $0x38;
	[tilespmem:$0x10400] =	vst v63  }
0x31: {  	s21 =	sor.u32 s23, s22;
	s22 =	spop (v2sf);
	(v2sf) =	vpush v3, $0x4  }
0x32: {  	s23 =	spop (v2sf);
	(v2sf) =	vpush v2, $0x4;
	_ =	sdelay $0x2  }
0x33: {  	s21 =	sshrl.u32 s21, $0x3  }
0x34: {  	s24 =	sadd.s32 $0x480, s20;
	s21 =	sadd.s32 s3, s21  }
0x35: {  	[tilespmem:s24], [sflag:$0x1] =	stream.linear.gather [hbm4b:s21+s1], $0x80, $0x38;
	[tilespmem:$0x10400] =	vst v63  }
0x36: {  	s21 =	sor.u32 s26, s25;
	s25 =	spop (v2sf);
	(v2sf) =	vpush v62, $0x4  }
0x37: {  	s21 =	sshrl.u32 s21, $0x3;
	s26 =	spop (v2sf);
	(v2sf) =	vpush v63, $0x4  }
0x38: {  	s28 =	sadd.s32 $0x8480, s20;
	s21 =	sadd.s32 s4, s21  }
0x39: {  	[tilespmem:s28], [sflag:$0x1] =	stream.linear.gather [hbm4b:s21+s1], $0x80, $0x38;
	[tilespmem:$0x10400] =	vst v63  }
0x3a: {  	s21 =	sor.u32 s30, s29;
	s29 =	spop (v2sf);
	(v2sf) =	vpush v3, $0x5  }
0x3b: {  	s21 =	sshrl.u32 s21, $0x3;
	s30 =	spop (v2sf);
	(v2sf) =	vpush v2, $0x5  }
0x3c: {  	s31 =	sadd.s32 $0x500, s20;
	s21 =	sadd.s32 s3, s21  }
0x3d: {  	[tilespmem:s31], [sflag:$0x1] =	stream.linear.gather [hbm4b:s21+s1], $0x80, $0x38;
	[tilespmem:$0x10400] =	vst v63  }
0x3e: {  	s21 =	sor.u32 s23, s22;
	s22 =	spop (v2sf);
	(v2sf) =	vpush v62, $0x5  }
0x3f: {  	s23 =	spop (v2sf);
	(v2sf) =	vpush v63, $0x5;
	_ =	sdelay $0x2  }
0x40: {  	s21 =	sshrl.u32 s21, $0x3  }
0x41: {  	s24 =	sadd.s32 $0x8500, s20;
	s21 =	sadd.s32 s4, s21  }
0x42: {  	[tilespmem:s24], [sflag:$0x1] =	stream.linear.gather [hbm4b:s21+s1], $0x80, $0x38;
	[tilespmem:$0x10400] =	vst v63  }
0x43: {  	s21 =	sor.u32 s26, s25;
	s25 =	spop (v2sf);
	(v2sf) =	vpush v3, $0x6  }
0x44: {  	s21 =	sshrl.u32 s21, $0x3;
	s26 =	spop (v2sf);
	(v2sf) =	vpush v2, $0x6  }
0x45: {  	s28 =	sadd.s32 $0x580, s20;
	s21 =	sadd.s32 s3, s21  }
0x46: {  	[tilespmem:s28], [sflag:$0x1] =	stream.linear.gather [hbm4b:s21+s1], $0x80, $0x38;
	[tilespmem:$0x10400] =	vst v63  }
0x47: {  	s21 =	sor.u32 s30, s29;
	s29 =	spop (v2sf);
	(v2sf) =	vpush v62, $0x6  }
0x48: {  	s21 =	sshrl.u32 s21, $0x3;
	s30 =	spop (v2sf);
	(v2sf) =	vpush v63, $0x6  }
0x49: {  	s31 =	sadd.s32 $0x8580, s20;
	s21 =	sadd.s32 s4, s21  }
0x4a: {  	[tilespmem:s31], [sflag:$0x1] =	stream.linear.gather [hbm4b:s21+s1], $0x80, $0x38;
	[tilespmem:$0x10400] =	vst v63  }
0x4b: {  	s21 =	sor.u32 s23, s22;
	s22 =	spop (v2sf);
	(v2sf) =	vpush v3, $0x7  }
0x4c: {  	s23 =	spop (v2sf);
	(v2sf) =	vpush v2, $0x7;
	_ =	sdelay $0x2  }
0x4d: {  	s21 =	sshrl.u32 s21, $0x3  }
0x4e: {  	s24 =	sadd.s32 $0x600, s20;
	s21 =	sadd.s32 s3, s21  }
0x4f: {  	[tilespmem:s24], [sflag:$0x1] =	stream.linear.gather [hbm4b:s21+s1], $0x80, $0x38;
	[tilespmem:$0x10400] =	vst v63  }
0x50: {  	s21 =	sor.u32 s26, s25;
	s25 =	spop (v2sf);
	(v2sf) =	vpush v62, $0x7  }
0x51: {  	s21 =	sshrl.u32 s21, $0x3;
	s26 =	spop (v2sf);
	(v2sf) =	vpush v63, $0x7  }
0x52: {  	s28 =	sadd.s32 $0x8600, s20;
	s21 =	sadd.s32 s4, s21  }
0x53: {  	[tilespmem:s28], [sflag:$0x1] =	stream.linear.gather [hbm4b:s21+s1], $0x80, $0x38;
	[tilespmem:$0x10400] =	vst v63  }
0x54: {  	s21 =	sor.u32 s30, s29;
	s29 =	spop (v2sf);
	(v2sf) =	vpush v3, $0x8  }
0x55: {  	s21 =	sshrl.u32 s21, $0x3;
	s30 =	spop (v2sf);
	(v2sf) =	vpush v2, $0x8  }
0x56: {  	s31 =	sadd.s32 $0x680, s20;
	s21 =	sadd.s32 s3, s21  }
0x57: {  	[tilespmem:s31], [sflag:$0x1] =	stream.linear.gather [hbm4b:s21+s1], $0x80, $0x38;
	[tilespmem:$0x10400] =	vst v63  }
0x58: {  	s21 =	sor.u32 s23, s22;
	s22 =	spop (v2sf);
	(v2sf) =	vpush v62, $0x8  }
0x59: {  	s23 =	spop (v2sf);
	(v2sf) =	vpush v63, $0x8;
	_ =	sdelay $0x1  }
0x5a: {  	s21 =	sshrl.u32 s21, $0x3  }
0x5b: {  	s24 =	sadd.s32 $0x8680, s20;
	s21 =	sadd.s32 s4, s21  }
0x5c: {  	[tilespmem:s24], [sflag:$0x1] =	stream.linear.gather [hbm4b:s21+s1], $0x80, $0x38;
	[tilespmem:$0x10400] =	vst v63  }
0x5d: {  	s21 =	sor.u32 s26, s25  }
0x5e: {  	s21 =	sshrl.u32 s21, $0x3;
	s25 =	spop (v2sf);
	(v2sf) =	vpush v3, $0x9  }
0x5f: {  	s28 =	sadd.s32 $0x700, s20;
	s21 =	sadd.s32 s3, s21;
	s26 =	spop (v2sf);
	(v2sf) =	vpush v2, $0x9  }
0x60: {  	[tilespmem:s28], [sflag:$0x1] =	stream.linear.gather [hbm4b:s21+s1], $0x80, $0x38;
	[tilespmem:$0x10400] =	vst v63  }
0x61: {  	s21 =	sor.u32 s30, s29  }
0x62: {  	s21 =	sshrl.u32 s21, $0x3;
	s29 =	spop (v2sf);
	(v2sf) =	vpush v62, $0x9  }
0x63: {  	s31 =	sadd.s32 $0x8700, s20;
	s21 =	sadd.s32 s4, s21;
	s30 =	spop (v2sf);
	(v2sf) =	vpush v63, $0x9  }
0x64: {  	[tilespmem:s31], [sflag:$0x1] =	stream.linear.gather [hbm4b:s21+s1], $0x80, $0x38;
	[tilespmem:$0x10400] =	vst v63  }
0x65: {  	s21 =	sor.u32 s23, s22  }
0x66: {  	s21 =	sshrl.u32 s21, $0x3;
	s22 =	spop (v2sf);
	(v2sf) =	vpush v3, $0xA  }
0x67: {  	s24 =	sadd.s32 $0x780, s20;
	s21 =	sadd.s32 s3, s21;
	s23 =	spop (v2sf);
	(v2sf) =	vpush v2, $0xA  }
0x68: {  	[tilespmem:s24], [sflag:$0x1] =	stream.linear.gather [hbm4b:s21+s1], $0x80, $0x38;
	[tilespmem:$0x10400] =	vst v63  }
0x69: {  	s21 =	sor.u32 s26, s25  }
0x6a: {  	s21 =	sshrl.u32 s21, $0x3  }
0x6b: {  	s28 =	sadd.s32 $0x8780, s20;
	s21 =	sadd.s32 s4, s21  }
0x6c: {  	[tilespmem:s28], [sflag:$0x1] =	stream.linear.gather [hbm4b:s21+s1], $0x80, $0x38;
	[tilespmem:$0x10400] =	vst v63  }
0x6d: {  	s21 =	sor.u32 s30, s29;
	s25 =	spop (v2sf);
	(v2sf) =	vpush v62, $0xA  }
0x6e: {  	s21 =	sshrl.u32 s21, $0x3;
	s26 =	spop (v2sf);
	(v2sf) =	vpush v63, $0xA  }
0x6f: {  	s31 =	sadd.s32 $0x800, s20;
	s21 =	sadd.s32 s3, s21  }
0x70: {  	[tilespmem:s31], [sflag:$0x1] =	stream.linear.gather [hbm4b:s21+s1], $0x80, $0x38;
	[tilespmem:$0x10400] =	vst v63  }
0x71: {  	s21 =	sor.u32 s23, s22;
	s29 =	spop (v2sf);
	(v2sf) =	vpush v3, $0xB  }
0x72: {  	s21 =	sshrl.u32 s21, $0x3;
	s30 =	spop (v2sf);
	(v2sf) =	vpush v2, $0xB  }
0x73: {  	s24 =	sadd.s32 $0x8800, s20;
	s21 =	sadd.s32 s4, s21  }
0x74: {  	[tilespmem:s24], [sflag:$0x1] =	stream.linear.gather [hbm4b:s21+s1], $0x80, $0x38;
	[tilespmem:$0x10400] =	vst v63  }
0x75: {  	s22 =	spop (v2sf);
	(v2sf) =	vpush v62, $0xB  }
0x76: {  	s23 =	spop (v2sf);
	(v2sf) =	vpush v63, $0xB  }
0x77: {  	s21 =	sor.u32 s26, s25  }
0x78: {  	s21 =	sshrl.u32 s21, $0x3  }
0x79: {  	s28 =	sadd.s32 $0x880, s20;
	s21 =	sadd.s32 s3, s21  }
0x7a: {  	[tilespmem:s28], [sflag:$0x1] =	stream.linear.gather [hbm4b:s21+s1], $0x80, $0x38;
	[tilespmem:$0x10400] =	vst v63  }
0x7b: {  	s21 =	sor.u32 s30, s29  }
0x7c: {  	s21 =	sshrl.u32 s21, $0x3;
	s25 =	spop (v2sf);
	(v2sf) =	vpush v3, $0xC  }
0x7d: {  	s31 =	sadd.s32 $0x8880, s20;
	s21 =	sadd.s32 s4, s21;
	s26 =	spop (v2sf);
	(v2sf) =	vpush v2, $0xC  }
0x7e: {  	[tilespmem:s31], [sflag:$0x1] =	stream.linear.gather [hbm4b:s21+s1], $0x80, $0x38;
	[tilespmem:$0x10400] =	vst v63  }
0x7f: {  	s21 =	sor.u32 s23, s22  }
0x80: {  	s21 =	sshrl.u32 s21, $0x3;
	s29 =	spop (v2sf);
	(v2sf) =	vpush v62, $0xC  }
0x81: {  	s24 =	sadd.s32 $0x900, s20;
	s21 =	sadd.s32 s3, s21;
	s30 =	spop (v2sf);
	(v2sf) =	vpush v63, $0xC  }
0x82: {  	[tilespmem:s24], [sflag:$0x1] =	stream.linear.gather [hbm4b:s21+s1], $0x80, $0x38;
	[tilespmem:$0x10400] =	vst v63  }
0x83: {  	s21 =	sor.u32 s26, s25  }
0x84: {  	s21 =	sshrl.u32 s21, $0x3;
	s22 =	spop (v2sf);
	(v2sf) =	vpush v3, $0xD  }
0x85: {  	s28 =	sadd.s32 $0x8900, s20;
	s21 =	sadd.s32 s4, s21;
	s23 =	spop (v2sf);
	(v2sf) =	vpush v2, $0xD  }
0x86: {  	[tilespmem:s28], [sflag:$0x1] =	stream.linear.gather [hbm4b:s21+s1], $0x80, $0x38;
	[tilespmem:$0x10400] =	vst v63  }
0x87: {  	s21 =	sor.u32 s30, s29  }
0x88: {  	s21 =	sshrl.u32 s21, $0x3  }
0x89: {  	s31 =	sadd.s32 $0x980, s20;
	s21 =	sadd.s32 s3, s21  }
0x8a: {  	[tilespmem:s31], [sflag:$0x1] =	stream.linear.gather [hbm4b:s21+s1], $0x80, $0x38;
	[tilespmem:$0x10400] =	vst v63  }
0x8b: {  	s21 =	sor.u32 s23, s22;
	s25 =	spop (v2sf);
	(v2sf) =	vpush v62, $0xD  }
0x8c: {  	s21 =	sshrl.u32 s21, $0x3;
	s26 =	spop (v2sf);
	(v2sf) =	vpush v63, $0xD  }
0x8d: {  	s24 =	sadd.s32 $0x8980, s20;
	s21 =	sadd.s32 s4, s21  }
0x8e: {  	[tilespmem:s24], [sflag:$0x1] =	stream.linear.gather [hbm4b:s21+s1], $0x80, $0x38;
	[tilespmem:$0x10400] =	vst v63  }
0x8f: {  	s21 =	sor.u32 s26, s25;
	s29 =	spop (v2sf);
	(v2sf) =	vpush v3, $0xE  }
0x90: {  	s21 =	sshrl.u32 s21, $0x3;
	s30 =	spop (v2sf);
	(v2sf) =	vpush v2, $0xE  }
0x91: {  	s28 =	sadd.s32 $0xA00, s20;
	s21 =	sadd.s32 s3, s21  }
0x92: {  	[tilespmem:s28], [sflag:$0x1] =	stream.linear.gather [hbm4b:s21+s1], $0x80, $0x38;
	[tilespmem:$0x10400] =	vst v63  }
0x93: {  	s22 =	spop (v2sf);
	(v2sf) =	vpush v62, $0xE  }
0x94: {  	s23 =	spop (v2sf);
	(v2sf) =	vpush v63, $0xE  }
0x95: {  	s21 =	sor.u32 s30, s29  }
0x96: {  	s21 =	sshrl.u32 s21, $0x3  }
0x97: {  	s31 =	sadd.s32 $0x8A00, s20;
	s21 =	sadd.s32 s4, s21  }
0x98: {  	[tilespmem:s31], [sflag:$0x1] =	stream.linear.gather [hbm4b:s21+s1], $0x80, $0x38;
	[tilespmem:$0x10400] =	vst v63  }
0x99: {  	s21 =	sor.u32 s23, s22  }
0x9a: {  	s21 =	sshrl.u32 s21, $0x3;
	s25 =	spop (v2sf);
	(v2sf) =	vpush v3, $0xF  }
0x9b: {  	s24 =	sadd.s32 $0xA80, s20;
	s21 =	sadd.s32 s3, s21;
	s26 =	spop (v2sf);
	(v2sf) =	vpush v2, $0xF  }
0x9c: {  	[tilespmem:s24], [sflag:$0x1] =	stream.linear.gather [hbm4b:s21+s1], $0x80, $0x38;
	[tilespmem:$0x10400] =	vst v63  }
0x9d: {  	s21 =	sor.u32 s26, s25  }
0x9e: {  	s29 =	spop (v2sf);
	(v2sf) =	vpush v62, $0xF;
	s21 =	sshrl.u32 s21, $0x3  }
0x9f: {  	s28 =	sadd.s32 $0x8A80, s20;
	s30 =	spop (v2sf);
	s21 =	sadd.s32 s4, s21  }
0xa0: {  	(v2sf) =	vpush v63, $0xF;
	[tilespmem:s28], [sflag:$0x1] =	stream.linear.gather [hbm4b:s21+s1], $0x80, $0x38;
	[tilespmem:$0x10400] =	vst v63  }
0xa1: {  	s21 =	sor.u32 s30, s29  }
0xa2: {  	s23 =	spop (v2sf);
	s21 =	sshrl.u32 s21, $0x3  }
0xa3: {  	s31 =	sadd.s32 $0xB00, s20;
	s24 =	spop (v2sf);
	s21 =	sadd.s32 s3, s21  }
0xa4: {  	[tilespmem:s31], [sflag:$0x1] =	stream.linear.gather [hbm4b:s21+s1], $0x80, $0x38;
	[tilespmem:$0x10400] =	vst v63  }
0xa5: {  	s21 =	sor.u32 s24, s23  }
0xa6: {  	s21 =	sshrl.u32 s21, $0x3  }
0xa7: {  	s25 =	sadd.s32 $0x8B00, s20;
	s21 =	sadd.s32 s4, s21  }
0xa8: {  	[tilespmem:s25], [sflag:$0x1] =	stream.linear.gather [hbm4b:s21+s1], $0x80, $0x38;
	[tilespmem:$0x10400] =	vst v63  }
0xa9: {  	s26 =	spop (v2sf)  }
0xaa: {  	s28 =	spop (v2sf)  }
0xab: {  	s21 =	sor.u32 s28, s26  }
0xac: {  	p0 =	sne.s32 s19, $0x1E000;
	s21 =	sshrl.u32 s21, $0x3  }
0xad: {  	s29 =	sadd.s32 $0xB80, s20;
	s30 =	spop (v2sf);
	s21 =	sadd.s32 s3, s21  }
0xae: {  	[tilespmem:s29], [sflag:$0x1] =	stream.linear.gather [hbm4b:s21+s1], $0x80, $0x38;
	[tilespmem:$0x10400] =	vst v63  }
.Ltmp0:
0xaf: {  	s31 =	spop (v2sf);
	(pc) =	sbr.rel @p0 .LBB2_2-.Ltmp0, $4  }
0xb0: {  	s21 =	sor.u32 s31, s30  }
0xb1: {  	s18 =	sadd.s32 $0x10, s18;
	s17 =	sadd.s32 $0x10, s17;
	s21 =	sshrl.u32 s21, $0x3  }
0xb2: {  	s19 =	sadd.s32 $0x2000, s19;
	s20 =	sadd.s32 $0x8B80, s20;
	s21 =	sadd.s32 s4, s21  }
0xb3: {  	[tilespmem:s20], [sflag:$0x1] =	stream.linear.gather [hbm4b:s21+s1], $0x80, $0x38;
	[tilespmem:$0x10400] =	vst v63  }
0xb4: {  	_ =	swait.ge [sflag:s13], $0x8000  }
0xb5: {  	[sflag:s13] =	ssyncset.done $0x0  }
0xb6: {  	[sflag:s13] =	ssyncadd.s32 $0xFFFF8000  }
0xb7: {  	_ =	swait.ge [sflag:s13], $0x8000  }
0xb8: {  	[sflag:s13] =	ssyncset.done $0x0  }
0xb9: {  	s17 =	simm.s32 $0x0;
	[sflag:s13] =	ssyncadd.s32 $0xFFFF8000  }
0xba: {  	[hbm4b:s7+s17] =	stream.linear.scatter [tilespmem:s14], [sflag:$0x2], $0x8000, $0x38;
	[tilespmem:$0x10400] =	vst v63  }
0xbb: {  	_ =	swait.ge [sflag:s12], $0x8000  }
0xbc: {  	[sflag:s12] =	ssyncset.done $0x0  }
0xbd: {  	[sflag:s12] =	ssyncadd.s32 $0xFFFF8000  }
0xbe: {  	[hbm4b:s8+s17] =	stream.linear.scatter [tilespmem:s15], [sflag:$0x2], $0x8000, $0x38;
	[tilespmem:$0x10400] =	vst v63  }
0xbf: {  	_ =	swait.ge [sflag:s12], $0x8000  }
0xc0: {  	[sflag:s12] =	ssyncset.done $0x0  }
0xc1: {  	s18 =	simm.s32 $0x100;
	s19 =	simm.s32 $0x300;
	[sflag:s12] =	ssyncadd.s32 $0xFFFF8000  }
.LBB2_4:
0xc2: {  	v0 =	vld [tilespmem:s18+$0x0];
	_ =	sdelay $0x3  }
0xc3: {  	v4 =	vld [tilespmem:s19+$0x0]  }
0xc4: {  	v1 =	vshrl.u32 v0, $0x3  }
0xc5: {  	v0 =	vand.u32 $0x7, v0;
	v3 =	vshll.u32 v1, $0xA  }
0xc6: {  	v2 =	vshll.u32 v0, $0x7;
	(v2sf) =	vpush v3, $0x0  }
0xc7: {  	(v2sf) =	vpush v2, $0x0  }
0xc8: {  	v61 =	vshrl.u32 v4, $0x3  }
0xc9: {  	v4 =	vand.u32 $0x7, v4;
	v62 =	vshll.u32 v61, $0xA  }
0xca: {  	v63 =	vshll.u32 v4, $0x7;
	(v2sf) =	vpush v62, $0x0  }
0xcb: {  	(v2sf) =	vpush v63, $0x0;
	_ =	sdelay $0x2  }
0xcc: {  	(v2sf) =	vpush v3, $0x1  }
0xcd: {  	(v2sf) =	vpush v2, $0x1;
	_ =	sdelay $0x5  }
0xce: {  	s20 =	spop (v2sf);
	(v2sf) =	vpush v62, $0x1  }
0xcf: {  	s21 =	spop (v2sf);
	(v2sf) =	vpush v63, $0x1;
	_ =	sdelay $0x2  }
0xd0: {  	s21 =	sor.u32 s21, s20;
	s29 =	spop (v2sf);
	(v2sf) =	vpush v3, $0x2  }
0xd1: {  	s20 =	sshra.s32 s17, $0x2;
	s21 =	sshrl.u32 s21, $0x3;
	s30 =	spop (v2sf);
	(v2sf) =	vpush v2, $0x2  }
0xd2: {  	s22 =	sadd.s32 $0x400, s20;
	s21 =	sadd.s32 s3, s21  }
0xd3: {  	[tilespmem:s22], [sflag:$0x1] =	stream.linear.gather [hbm4b:s21+s1], $0x80, $0x38;
	[tilespmem:$0x10400] =	vst v63  }
0xd4: {  	s22 =	spop (v2sf);
	(v2sf) =	vpush v62, $0x2  }
0xd5: {  	s23 =	spop (v2sf);
	(v2sf) =	vpush v63, $0x2;
	_ =	sdelay $0x5  }
0xd6: {  	s25 =	spop (v2sf);
	(v2sf) =	vpush v3, $0x3  }
0xd7: {  	s26 =	spop (v2sf);
	(v2sf) =	vpush v2, $0x3;
	_ =	sdelay $0x2  }
0xd8: {  	s21 =	sor.u32 s30, s29;
	s29 =	spop (v2sf);
	(v2sf) =	vpush v62, $0x3  }
0xd9: {  	s21 =	sshrl.u32 s21, $0x3;
	s30 =	spop (v2sf);
	(v2sf) =	vpush v63, $0x3  }
0xda: {  	s31 =	sadd.s32 $0x8400, s20;
	s21 =	sadd.s32 s4, s21  }
0xdb: {  	[tilespmem:s31], [sflag:$0x1] =	stream.linear.gather [hbm4b:s21+s1], $0x80, $0x38;
	[tilespmem:$0x10400] =	vst v63  }
0xdc: {  	s21 =	sor.u32 s23, s22;
	s22 =	spop (v2sf);
	(v2sf) =	vpush v3, $0x4  }
0xdd: {  	s23 =	spop (v2sf);
	(v2sf) =	vpush v2, $0x4;
	_ =	sdelay $0x2  }
0xde: {  	s21 =	sshrl.u32 s21, $0x3  }
0xdf: {  	s24 =	sadd.s32 $0x480, s20;
	s21 =	sadd.s32 s3, s21  }
0xe0: {  	[tilespmem:s24], [sflag:$0x1] =	stream.linear.gather [hbm4b:s21+s1], $0x80, $0x38;
	[tilespmem:$0x10400] =	vst v63  }
0xe1: {  	s21 =	sor.u32 s26, s25;
	s25 =	spop (v2sf);
	(v2sf) =	vpush v62, $0x4  }
0xe2: {  	s21 =	sshrl.u32 s21, $0x3;
	s26 =	spop (v2sf);
	(v2sf) =	vpush v63, $0x4  }
0xe3: {  	s28 =	sadd.s32 $0x8480, s20;
	s21 =	sadd.s32 s4, s21  }
0xe4: {  	[tilespmem:s28], [sflag:$0x1] =	stream.linear.gather [hbm4b:s21+s1], $0x80, $0x38;
	[tilespmem:$0x10400] =	vst v63  }
0xe5: {  	s21 =	sor.u32 s30, s29;
	s29 =	spop (v2sf);
	(v2sf) =	vpush v3, $0x5  }
0xe6: {  	s21 =	sshrl.u32 s21, $0x3;
	s30 =	spop (v2sf);
	(v2sf) =	vpush v2, $0x5  }
0xe7: {  	s31 =	sadd.s32 $0x500, s20;
	s21 =	sadd.s32 s3, s21  }
0xe8: {  	[tilespmem:s31], [sflag:$0x1] =	stream.linear.gather [hbm4b:s21+s1], $0x80, $0x38;
	[tilespmem:$0x10400] =	vst v63  }
0xe9: {  	s21 =	sor.u32 s23, s22;
	s22 =	spop (v2sf);
	(v2sf) =	vpush v62, $0x5  }
0xea: {  	s23 =	spop (v2sf);
	(v2sf) =	vpush v63, $0x5;
	_ =	sdelay $0x2  }
0xeb: {  	s21 =	sshrl.u32 s21, $0x3  }
0xec: {  	s24 =	sadd.s32 $0x8500, s20;
	s21 =	sadd.s32 s4, s21  }
0xed: {  	[tilespmem:s24], [sflag:$0x1] =	stream.linear.gather [hbm4b:s21+s1], $0x80, $0x38;
	[tilespmem:$0x10400] =	vst v63  }
0xee: {  	s21 =	sor.u32 s26, s25;
	s25 =	spop (v2sf);
	(v2sf) =	vpush v3, $0x6  }
0xef: {  	s21 =	sshrl.u32 s21, $0x3;
	s26 =	spop (v2sf);
	(v2sf) =	vpush v2, $0x6  }
0xf0: {  	s28 =	sadd.s32 $0x580, s20;
	s21 =	sadd.s32 s3, s21  }
0xf1: {  	[tilespmem:s28], [sflag:$0x1] =	stream.linear.gather [hbm4b:s21+s1], $0x80, $0x38;
	[tilespmem:$0x10400] =	vst v63  }
0xf2: {  	s21 =	sor.u32 s30, s29;
	s29 =	spop (v2sf);
	(v2sf) =	vpush v62, $0x6  }
0xf3: {  	s21 =	sshrl.u32 s21, $0x3;
	s30 =	spop (v2sf);
	(v2sf) =	vpush v63, $0x6  }
0xf4: {  	s31 =	sadd.s32 $0x8580, s20;
	s21 =	sadd.s32 s4, s21  }
0xf5: {  	[tilespmem:s31], [sflag:$0x1] =	stream.linear.gather [hbm4b:s21+s1], $0x80, $0x38;
	[tilespmem:$0x10400] =	vst v63  }
0xf6: {  	s21 =	sor.u32 s23, s22;
	s22 =	spop (v2sf);
	(v2sf) =	vpush v3, $0x7  }
0xf7: {  	s23 =	spop (v2sf);
	(v2sf) =	vpush v2, $0x7;
	_ =	sdelay $0x2  }
0xf8: {  	s21 =	sshrl.u32 s21, $0x3  }
0xf9: {  	s24 =	sadd.s32 $0x600, s20;
	s21 =	sadd.s32 s3, s21  }
0xfa: {  	[tilespmem:s24], [sflag:$0x1] =	stream.linear.gather [hbm4b:s21+s1], $0x80, $0x38;
	[tilespmem:$0x10400] =	vst v63  }
0xfb: {  	s21 =	sor.u32 s26, s25;
	s25 =	spop (v2sf);
	(v2sf) =	vpush v62, $0x7  }
0xfc: {  	s21 =	sshrl.u32 s21, $0x3;
	s26 =	spop (v2sf);
	(v2sf) =	vpush v63, $0x7  }
0xfd: {  	s28 =	sadd.s32 $0x8600, s20;
	s21 =	sadd.s32 s4, s21  }
0xfe: {  	[tilespmem:s28], [sflag:$0x1] =	stream.linear.gather [hbm4b:s21+s1], $0x80, $0x38;
	[tilespmem:$0x10400] =	vst v63  }
0xff: {  	s21 =	sor.u32 s30, s29;
	s29 =	spop (v2sf);
	(v2sf) =	vpush v3, $0x8  }
0x100: {  	s21 =	sshrl.u32 s21, $0x3;
	s30 =	spop (v2sf);
	(v2sf) =	vpush v2, $0x8  }
0x101: {  	s31 =	sadd.s32 $0x680, s20;
	s21 =	sadd.s32 s3, s21  }
0x102: {  	[tilespmem:s31], [sflag:$0x1] =	stream.linear.gather [hbm4b:s21+s1], $0x80, $0x38;
	[tilespmem:$0x10400] =	vst v63  }
0x103: {  	s21 =	sor.u32 s23, s22;
	s22 =	spop (v2sf);
	(v2sf) =	vpush v62, $0x8  }
0x104: {  	s23 =	spop (v2sf);
	(v2sf) =	vpush v63, $0x8;
	_ =	sdelay $0x1  }
0x105: {  	s21 =	sshrl.u32 s21, $0x3  }
0x106: {  	s24 =	sadd.s32 $0x8680, s20;
	s21 =	sadd.s32 s4, s21  }
0x107: {  	[tilespmem:s24], [sflag:$0x1] =	stream.linear.gather [hbm4b:s21+s1], $0x80, $0x38;
	[tilespmem:$0x10400] =	vst v63  }
0x108: {  	s21 =	sor.u32 s26, s25  }
0x109: {  	s21 =	sshrl.u32 s21, $0x3;
	s25 =	spop (v2sf);
	(v2sf) =	vpush v3, $0x9  }
0x10a: {  	s28 =	sadd.s32 $0x700, s20;
	s21 =	sadd.s32 s3, s21;
	s26 =	spop (v2sf);
	(v2sf) =	vpush v2, $0x9  }
0x10b: {  	[tilespmem:s28], [sflag:$0x1] =	stream.linear.gather [hbm4b:s21+s1], $0x80, $0x38;
	[tilespmem:$0x10400] =	vst v63  }
0x10c: {  	s21 =	sor.u32 s30, s29  }
0x10d: {  	s21 =	sshrl.u32 s21, $0x3;
	s29 =	spop (v2sf);
	(v2sf) =	vpush v62, $0x9  }
0x10e: {  	s31 =	sadd.s32 $0x8700, s20;
	s21 =	sadd.s32 s4, s21;
	s30 =	spop (v2sf);
	(v2sf) =	vpush v63, $0x9  }
0x10f: {  	[tilespmem:s31], [sflag:$0x1] =	stream.linear.gather [hbm4b:s21+s1], $0x80, $0x38;
	[tilespmem:$0x10400] =	vst v63  }
0x110: {  	s21 =	sor.u32 s23, s22  }
0x111: {  	s21 =	sshrl.u32 s21, $0x3;
	s22 =	spop (v2sf);
	(v2sf) =	vpush v3, $0xA  }
0x112: {  	s24 =	sadd.s32 $0x780, s20;
	s21 =	sadd.s32 s3, s21;
	s23 =	spop (v2sf);
	(v2sf) =	vpush v2, $0xA  }
0x113: {  	[tilespmem:s24], [sflag:$0x1] =	stream.linear.gather [hbm4b:s21+s1], $0x80, $0x38;
	[tilespmem:$0x10400] =	vst v63  }
0x114: {  	s21 =	sor.u32 s26, s25  }
0x115: {  	s21 =	sshrl.u32 s21, $0x3  }
0x116: {  	s28 =	sadd.s32 $0x8780, s20;
	s21 =	sadd.s32 s4, s21  }
0x117: {  	[tilespmem:s28], [sflag:$0x1] =	stream.linear.gather [hbm4b:s21+s1], $0x80, $0x38;
	[tilespmem:$0x10400] =	vst v63  }
0x118: {  	s21 =	sor.u32 s30, s29;
	s25 =	spop (v2sf);
	(v2sf) =	vpush v62, $0xA  }
0x119: {  	s21 =	sshrl.u32 s21, $0x3;
	s26 =	spop (v2sf);
	(v2sf) =	vpush v63, $0xA  }
0x11a: {  	s31 =	sadd.s32 $0x800, s20;
	s21 =	sadd.s32 s3, s21  }
0x11b: {  	[tilespmem:s31], [sflag:$0x1] =	stream.linear.gather [hbm4b:s21+s1], $0x80, $0x38;
	[tilespmem:$0x10400] =	vst v63  }
0x11c: {  	s21 =	sor.u32 s23, s22;
	s29 =	spop (v2sf);
	(v2sf) =	vpush v3, $0xB  }
0x11d: {  	s21 =	sshrl.u32 s21, $0x3;
	s30 =	spop (v2sf);
	(v2sf) =	vpush v2, $0xB  }
0x11e: {  	s24 =	sadd.s32 $0x8800, s20;
	s21 =	sadd.s32 s4, s21  }
0x11f: {  	[tilespmem:s24], [sflag:$0x1] =	stream.linear.gather [hbm4b:s21+s1], $0x80, $0x38;
	[tilespmem:$0x10400] =	vst v63  }
0x120: {  	s22 =	spop (v2sf);
	(v2sf) =	vpush v62, $0xB  }
0x121: {  	s23 =	spop (v2sf);
	(v2sf) =	vpush v63, $0xB  }
0x122: {  	s21 =	sor.u32 s26, s25  }
0x123: {  	s21 =	sshrl.u32 s21, $0x3  }
0x124: {  	s28 =	sadd.s32 $0x880, s20;
	s21 =	sadd.s32 s3, s21  }
0x125: {  	[tilespmem:s28], [sflag:$0x1] =	stream.linear.gather [hbm4b:s21+s1], $0x80, $0x38;
	[tilespmem:$0x10400] =	vst v63  }
0x126: {  	s21 =	sor.u32 s30, s29  }
0x127: {  	s21 =	sshrl.u32 s21, $0x3;
	s25 =	spop (v2sf);
	(v2sf) =	vpush v3, $0xC  }
0x128: {  	s31 =	sadd.s32 $0x8880, s20;
	s21 =	sadd.s32 s4, s21;
	s26 =	spop (v2sf);
	(v2sf) =	vpush v2, $0xC  }
0x129: {  	[tilespmem:s31], [sflag:$0x1] =	stream.linear.gather [hbm4b:s21+s1], $0x80, $0x38;
	[tilespmem:$0x10400] =	vst v63  }
0x12a: {  	s21 =	sor.u32 s23, s22  }
0x12b: {  	s21 =	sshrl.u32 s21, $0x3;
	s29 =	spop (v2sf);
	(v2sf) =	vpush v62, $0xC  }
0x12c: {  	s24 =	sadd.s32 $0x900, s20;
	s21 =	sadd.s32 s3, s21;
	s30 =	spop (v2sf);
	(v2sf) =	vpush v63, $0xC  }
0x12d: {  	[tilespmem:s24], [sflag:$0x1] =	stream.linear.gather [hbm4b:s21+s1], $0x80, $0x38;
	[tilespmem:$0x10400] =	vst v63  }
0x12e: {  	s21 =	sor.u32 s26, s25  }
0x12f: {  	s21 =	sshrl.u32 s21, $0x3;
	s22 =	spop (v2sf);
	(v2sf) =	vpush v3, $0xD  }
0x130: {  	s28 =	sadd.s32 $0x8900, s20;
	s21 =	sadd.s32 s4, s21;
	s23 =	spop (v2sf);
	(v2sf) =	vpush v2, $0xD  }
0x131: {  	[tilespmem:s28], [sflag:$0x1] =	stream.linear.gather [hbm4b:s21+s1], $0x80, $0x38;
	[tilespmem:$0x10400] =	vst v63  }
0x132: {  	s21 =	sor.u32 s30, s29  }
0x133: {  	s21 =	sshrl.u32 s21, $0x3  }
0x134: {  	s31 =	sadd.s32 $0x980, s20;
	s21 =	sadd.s32 s3, s21  }
0x135: {  	[tilespmem:s31], [sflag:$0x1] =	stream.linear.gather [hbm4b:s21+s1], $0x80, $0x38;
	[tilespmem:$0x10400] =	vst v63  }
0x136: {  	s21 =	sor.u32 s23, s22;
	s25 =	spop (v2sf);
	(v2sf) =	vpush v62, $0xD  }
0x137: {  	s21 =	sshrl.u32 s21, $0x3;
	s26 =	spop (v2sf);
	(v2sf) =	vpush v63, $0xD  }
0x138: {  	s24 =	sadd.s32 $0x8980, s20;
	s21 =	sadd.s32 s4, s21  }
0x139: {  	[tilespmem:s24], [sflag:$0x1] =	stream.linear.gather [hbm4b:s21+s1], $0x80, $0x38;
	[tilespmem:$0x10400] =	vst v63  }
0x13a: {  	s21 =	sor.u32 s26, s25;
	s29 =	spop (v2sf);
	(v2sf) =	vpush v3, $0xE  }
0x13b: {  	s21 =	sshrl.u32 s21, $0x3;
	s30 =	spop (v2sf);
	(v2sf) =	vpush v2, $0xE  }
0x13c: {  	s28 =	sadd.s32 $0xA00, s20;
	s21 =	sadd.s32 s3, s21  }
0x13d: {  	[tilespmem:s28], [sflag:$0x1] =	stream.linear.gather [hbm4b:s21+s1], $0x80, $0x38;
	[tilespmem:$0x10400] =	vst v63  }
0x13e: {  	s22 =	spop (v2sf);
	(v2sf) =	vpush v62, $0xE  }
0x13f: {  	s23 =	spop (v2sf);
	(v2sf) =	vpush v63, $0xE  }
0x140: {  	s21 =	sor.u32 s30, s29  }
0x141: {  	s21 =	sshrl.u32 s21, $0x3  }
0x142: {  	s31 =	sadd.s32 $0x8A00, s20;
	s21 =	sadd.s32 s4, s21  }
0x143: {  	[tilespmem:s31], [sflag:$0x1] =	stream.linear.gather [hbm4b:s21+s1], $0x80, $0x38;
	[tilespmem:$0x10400] =	vst v63  }
0x144: {  	s21 =	sor.u32 s23, s22  }
0x145: {  	s21 =	sshrl.u32 s21, $0x3;
	s25 =	spop (v2sf);
	(v2sf) =	vpush v3, $0xF  }
0x146: {  	s24 =	sadd.s32 $0xA80, s20;
	s21 =	sadd.s32 s3, s21;
	s26 =	spop (v2sf);
	(v2sf) =	vpush v2, $0xF  }
0x147: {  	[tilespmem:s24], [sflag:$0x1] =	stream.linear.gather [hbm4b:s21+s1], $0x80, $0x38;
	[tilespmem:$0x10400] =	vst v63  }
0x148: {  	s21 =	sor.u32 s26, s25  }
0x149: {  	s29 =	spop (v2sf);
	(v2sf) =	vpush v62, $0xF;
	s21 =	sshrl.u32 s21, $0x3  }
0x14a: {  	s28 =	sadd.s32 $0x8A80, s20;
	s30 =	spop (v2sf);
	s21 =	sadd.s32 s4, s21  }
0x14b: {  	(v2sf) =	vpush v63, $0xF;
	[tilespmem:s28], [sflag:$0x1] =	stream.linear.gather [hbm4b:s21+s1], $0x80, $0x38;
	[tilespmem:$0x10400] =	vst v63  }
0x14c: {  	s21 =	sor.u32 s30, s29  }
0x14d: {  	s23 =	spop (v2sf);
	s21 =	sshrl.u32 s21, $0x3  }
0x14e: {  	s31 =	sadd.s32 $0xB00, s20;
	s24 =	spop (v2sf);
	s21 =	sadd.s32 s3, s21  }
0x14f: {  	[tilespmem:s31], [sflag:$0x1] =	stream.linear.gather [hbm4b:s21+s1], $0x80, $0x38;
	[tilespmem:$0x10400] =	vst v63  }
0x150: {  	s21 =	sor.u32 s24, s23  }
0x151: {  	s21 =	sshrl.u32 s21, $0x3  }
0x152: {  	s25 =	sadd.s32 $0x8B00, s20;
	s21 =	sadd.s32 s4, s21  }
0x153: {  	[tilespmem:s25], [sflag:$0x1] =	stream.linear.gather [hbm4b:s21+s1], $0x80, $0x38;
	[tilespmem:$0x10400] =	vst v63  }
0x154: {  	s26 =	spop (v2sf)  }
0x155: {  	s28 =	spop (v2sf)  }
0x156: {  	s21 =	sor.u32 s28, s26  }
0x157: {  	p0 =	sne.s32 s17, $0x1E000;
	s21 =	sshrl.u32 s21, $0x3  }
0x158: {  	s29 =	sadd.s32 $0xB80, s20;
	s30 =	spop (v2sf);
	s21 =	sadd.s32 s3, s21  }
0x159: {  	[tilespmem:s29], [sflag:$0x1] =	stream.linear.gather [hbm4b:s21+s1], $0x80, $0x38;
	[tilespmem:$0x10400] =	vst v63  }
.Ltmp1:
0x15a: {  	s31 =	spop (v2sf);
	(pc) =	sbr.rel @p0 .LBB2_4-.Ltmp1, $4  }
0x15b: {  	s21 =	sor.u32 s31, s30  }
0x15c: {  	s18 =	sadd.s32 $0x10, s18;
	s19 =	sadd.s32 $0x10, s19;
	s21 =	sshrl.u32 s21, $0x3  }
0x15d: {  	s17 =	sadd.s32 $0x2000, s17;
	s20 =	sadd.s32 $0x8B80, s20;
	s21 =	sadd.s32 s4, s21  }
0x15e: {  	[tilespmem:s20], [sflag:$0x1] =	stream.linear.gather [hbm4b:s21+s1], $0x80, $0x38;
	[tilespmem:$0x10400] =	vst v63  }
0x15f: {  	_ =	swait.ge [sflag:s13], $0x8000  }
0x160: {  	[sflag:s13] =	ssyncset.done $0x0  }
0x161: {  	[sflag:s13] =	ssyncadd.s32 $0xFFFF8000  }
0x162: {  	_ =	swait.ge [sflag:s13], $0x8000  }
0x163: {  	[sflag:s13] =	ssyncset.done $0x0  }
0x164: {  	[sflag:s13] =	ssyncadd.s32 $0xFFFF8000  }
0x165: {  	[hbm4b:s9+s1] =	stream.linear.scatter [tilespmem:s14], [sflag:$0x2], $0x8000, $0x38;
	[tilespmem:$0x10400] =	vst v63  }
0x166: {  	s16 =	sadd.s32 $0x1, s16;
	_ =	swait.ge [sflag:s12], $0x8000  }
0x167: {  	p0 =	sne.s32 s16, s11;
	[sflag:s12] =	ssyncset.done $0x0  }
.Ltmp2:
0x168: {  	[sflag:s12] =	ssyncadd.s32 $0xFFFF8000;
	(pc) =	sbr.rel @p0 .LBB2_1-.Ltmp2, $4  }
0x169: {  	[hbm4b:s10+s1] =	stream.linear.scatter [tilespmem:s15], [sflag:$0x2], $0x8000, $0x38;
	[tilespmem:$0x10400] =	vst v63  }
0x16a: {  	_ =	swait.ge [sflag:s12], $0x8000  }
0x16b: {  	[sflag:s12] =	ssyncset.done $0x0  }
0x16c: {  	[sflag:s12] =	ssyncadd.s32 $0xFFFF8000  }
0x16d: {  	_ =	sfence.sel $0x180000  }
0x16e: {  	[bflag:$0x0] =	sbarrier.arrive $0xFFFF  }
0x16f: {  	p0 =	sne.s32 s2, $0x0;
	_ =	strace $0x90000047  }
0x170: {  	s0 =	sadd.s32 @!p0 $0x100000, s0;
	[bflag:$0x2] =	sbarrier.arrive $0xFFFF  }
0x171: {  	[sflag:s0] =	ssyncadd.tile.s32 @!p0 $0x1;
	_ =	shalt  }
.Lfunc_end2:
_tile_overlayer_lowered:
.L_overlay_start_2:
0x172: {  	(tag) =	ssettag $0x2  }
0x173: {  	s0 =	rddreg [dreg:$0x0];
	s2 =	stileid.u32  }
0x174: {  	s1 =	rddreg [dreg:$0x1];
	p0 =	sne.s32 s2, $0x0  }
0x175: {  	s3 =	rddreg [dreg:$0x2];
	[bflag:$0x3] =	sbarrier.arrive $0xFFFF;
	s2 =	simm.s32 @!p0 $0x1C02  }
0x176: {  	[timem:s3], [sflag:s2] =	dma.local @!p0 [hbm:s0], s1  }
0x177: {  	s0 =	simm.s32 @!p0 $0x2  }
0x178: {  	_ =	swait.ge @!p0 [sflag:s0], s1  }
0x179: {  	s1 =	ssub.s32 @!p0 $0x0, s1;
	[sflag:s0] =	ssyncset.done @!p0 $0x0  }
0x17a: {  	[sflag:s0] =	ssyncadd.s32 @!p0 s1  }
0x17b: {  	[bflag:$0x3] =	sbarrier.arrive $0xFFFF  }
0x17c: {  	_ =	shalt  }

</sc_bundles>
